<compile_context>
chip_gen: v7x
topology: tpu7x:2x2x1
jax: 0.10.2.dev20260603
libtpu: 0.0.44.dev20260713+nightly
codegen_flags: <defaults>
</compile_context>

<pallas_src>
import functools

import jax
import jax.numpy as jnp
from jax.experimental import pallas as pl
from jax.experimental.pallas import tpu as pltpu

MBLK = 1000


def _mm_kernel(x_ref, w_ref, o_ref):
    o_ref[...] = jnp.dot(x_ref[...], w_ref[...],
                         preferred_element_type=jnp.float32)


def _matmul(x, w, blk_m):
    M, K = x.shape
    _, N = w.shape
    return pl.pallas_call(
        _mm_kernel,
        grid=(M // blk_m,),
        in_specs=[
            pl.BlockSpec((blk_m, K), lambda i: (i, 0)),
            pl.BlockSpec((K, N), lambda i: (0, 0)),
        ],
        out_specs=pl.BlockSpec((blk_m, N), lambda i: (i, 0)),
        out_shape=jax.ShapeDtypeStruct((M, N), jnp.float32),
    )(x, w)


def _conv1_mm_kernel(x_ref, w_ref, dinv_ref, o_ref):
    o_ref[...] = jnp.dot(x_ref[...], w_ref[...],
                         preferred_element_type=jnp.float32) * dinv_ref[...]


def _cg_kernel(z_ref, y2_ref, dinv_ref, b1_ref, ws_ref,
               x1_ref, raw_ref, x1g_ref):
    x1 = jax.nn.relu((z_ref[...] + y2_ref[...]) * dinv_ref[...] + b1_ref[...])
    x1_ref[...] = x1
    raw = jnp.dot(x1, ws_ref[...], preferred_element_type=jnp.float32)
    raw_ref[...] = raw
    gate = jnp.tanh(raw[:, 0:1])
    x1g_ref[...] = x1 * gate


def _pool_kernel(cid_ref, x1g_ref, sums_ref, cnt_ref):
    i = pl.program_id(0)
    cid2 = cid_ref[0]
    K = sums_ref.shape[0]
    ohT = (jax.lax.broadcasted_iota(jnp.int32, (K, MBLK), 0)
           == cid2).astype(jnp.float32)
    contrib = jnp.dot(ohT, x1g_ref[...], preferred_element_type=jnp.float32)
    cntc = jnp.dot(ohT, jnp.ones((MBLK, 128), jnp.float32),
                   preferred_element_type=jnp.float32)

    @pl.when(i == 0)
    def _init():
        sums_ref[...] = contrib
        cnt_ref[...] = cntc

    @pl.when(i != 0)
    def _acc():
        sums_ref[...] += contrib
        cnt_ref[...] += cntc


def _conv2_kernel(a_ref, sums_ref, cnt_ref, w2_ref, b2_ref, o_ref):
    K = a_ref.shape[0]
    A = a_ref[...]
    ior = jax.lax.broadcasted_iota(jnp.int32, (K, K), 0)
    ioc = jax.lax.broadcasted_iota(jnp.int32, (K, K), 1)
    A = jnp.where(ior == ioc, 0.0, A)
    ones128 = jnp.ones((K, 128), jnp.float32)
    deg2 = jax.lax.dot_general(
        A, ones128, (((0,), (0,)), ((), ())),
        preferred_element_type=jnp.float32)[:, 0:1] + 1.0
    dinv2 = jax.lax.rsqrt(deg2)
    cnt = jnp.maximum(cnt_ref[...][:, 0:1], 1.0)
    x_p = sums_ref[...] / cnt
    xw2 = jnp.dot(x_p, w2_ref[...], preferred_element_type=jnp.float32)
    g = dinv2 * xw2
    z2 = dinv2 * jax.lax.dot_general(
        A, g, (((0,), (0,)), ((), ())), preferred_element_type=jnp.float32)
    o_ref[...] = z2 + (dinv2 * dinv2) * xw2 + b2_ref[...]


def _final_kernel(x1_ref, w_ref, b_ref, cid_ref, xp2_ref, o_ref):
    K = xp2_ref.shape[0]
    cid2 = cid_ref[0]
    ohT = (jax.lax.broadcasted_iota(jnp.int32, (K, MBLK), 0)
           == cid2).astype(jnp.float32)
    up = jax.lax.dot_general(
        ohT, xp2_ref[...], (((0,), (0,)), ((), ())),
        preferred_element_type=jnp.float32)
    o_ref[...] = (jnp.dot(x1_ref[...], w_ref[...],
                          preferred_element_type=jnp.float32)
                  + b_ref[...] + up)


def kernel(x, edge_index, W1, b1, W2, b2, W_skip, b_skip, W_score):
    n = x.shape[0]
    in_dim = x.shape[1]
    hid = W1.shape[1]
    out_dim = W2.shape[1]
    K = 1000
    row = edge_index[0]
    col = edge_index[1]
    E = row.shape[0]

    ones = jnp.ones((E,), jnp.float32)
    deg = jax.ops.segment_sum(ones, col, num_segments=n) + 1.0
    dinv = deg ** -0.5
    dinv_col = dinv[:, None]
    y2 = pl.pallas_call(
        _conv1_mm_kernel,
        grid=(n // MBLK,),
        in_specs=[
            pl.BlockSpec((MBLK, in_dim), lambda i: (i, 0)),
            pl.BlockSpec((in_dim, hid), lambda i: (0, 0)),
            pl.BlockSpec((MBLK, 1), lambda i: (i, 0)),
        ],
        out_specs=pl.BlockSpec((MBLK, hid), lambda i: (i, 0)),
        out_shape=jax.ShapeDtypeStruct((n, hid), jnp.float32),
    )(x, W1, dinv_col)
    z_raw = jax.ops.segment_sum(y2[row], col, num_segments=n)

    Wsc = jnp.pad(W_score, ((0, 0), (0, 127)))
    x1, raw2, x1g = pl.pallas_call(
        _cg_kernel,
        grid=(n // MBLK,),
        in_specs=[
            pl.BlockSpec((MBLK, hid), lambda i: (i, 0)),
            pl.BlockSpec((MBLK, hid), lambda i: (i, 0)),
            pl.BlockSpec((MBLK, 1), lambda i: (i, 0)),
            pl.BlockSpec((1, hid), lambda i: (0, 0)),
            pl.BlockSpec((hid, 128), lambda i: (0, 0)),
        ],
        out_specs=[
            pl.BlockSpec((MBLK, hid), lambda i: (i, 0)),
            pl.BlockSpec((MBLK, 128), lambda i: (i, 0)),
            pl.BlockSpec((MBLK, hid), lambda i: (i, 0)),
        ],
        out_shape=[
            jax.ShapeDtypeStruct((n, hid), jnp.float32),
            jax.ShapeDtypeStruct((n, 128), jnp.float32),
            jax.ShapeDtypeStruct((n, hid), jnp.float32),
        ],
    )(z_raw, y2, dinv_col, b1.reshape(1, -1), Wsc)
    raw = raw2[:, 0]

    _, kept = jax.lax.top_k(raw, K)
    keep_mask = jnp.zeros((n,), dtype=bool).at[kept].set(True)
    degb = jnp.bincount(row, length=n).astype(jnp.int32)
    src = jnp.concatenate([row, col])
    dst = jnp.concatenate([col, row])
    enc = jnp.where(keep_mask[dst], degb[dst] * n + (n - 1 - dst), -1)
    best_enc = jax.ops.segment_max(enc, src, num_segments=n)
    has_cand = best_enc >= 0
    cluster_kept = jnp.full((n,), -1, dtype=jnp.int32).at[kept].set(
        jnp.arange(K, dtype=jnp.int32))
    best_global_kept = kept[jnp.argmax(degb[kept])]
    w_best = jnp.where(has_cand, (n - 1) - (jnp.maximum(best_enc, 0) % n),
                       best_global_kept)
    cluster_id = jnp.where(keep_mask, cluster_kept, cluster_kept[w_best])

    cid_blocks = cluster_id.reshape(n // MBLK, 1, MBLK)
    sums, cnt = pl.pallas_call(
        _pool_kernel,
        grid=(n // MBLK,),
        in_specs=[
            pl.BlockSpec((1, 1, MBLK), lambda i: (i, 0, 0)),
            pl.BlockSpec((MBLK, hid), lambda i: (i, 0)),
        ],
        out_specs=[
            pl.BlockSpec((K, hid), lambda i: (0, 0)),
            pl.BlockSpec((K, 128), lambda i: (0, 0)),
        ],
        out_shape=[
            jax.ShapeDtypeStruct((K, hid), jnp.float32),
            jax.ShapeDtypeStruct((K, 128), jnp.float32),
        ],
    )(cid_blocks, x1g)

    code = cluster_id[row] * K + cluster_id[col]
    A = jnp.zeros((K * K,), jnp.float32).at[code].add(1.0).reshape(K, K)
    x_p2 = pl.pallas_call(
        _conv2_kernel,
        in_specs=[
            pl.BlockSpec((K, K), lambda: (0, 0)),
            pl.BlockSpec((K, hid), lambda: (0, 0)),
            pl.BlockSpec((K, 128), lambda: (0, 0)),
            pl.BlockSpec((hid, out_dim), lambda: (0, 0)),
            pl.BlockSpec((1, out_dim), lambda: (0, 0)),
        ],
        out_specs=pl.BlockSpec((K, out_dim), lambda: (0, 0)),
        out_shape=jax.ShapeDtypeStruct((K, out_dim), jnp.float32),
    )(A, sums, cnt, W2, b2.reshape(1, -1))

    out = pl.pallas_call(
        _final_kernel,
        grid=(n // MBLK,),
        in_specs=[
            pl.BlockSpec((MBLK, hid), lambda i: (i, 0)),
            pl.BlockSpec((hid, out_dim), lambda i: (0, 0)),
            pl.BlockSpec((1, out_dim), lambda i: (0, 0)),
            pl.BlockSpec((1, 1, MBLK), lambda i: (i, 0, 0)),
            pl.BlockSpec((K, out_dim), lambda i: (0, 0)),
        ],
        out_specs=pl.BlockSpec((MBLK, out_dim), lambda i: (i, 0)),
        out_shape=jax.ShapeDtypeStruct((n, out_dim), jnp.float32),
    )(x1, W_skip, b_skip.reshape(1, -1), cid_blocks, x_p2)
    return (out, jnp.asarray(0.0, dtype=jnp.float32))

# --- scband reference (transcript-rebuilt; emitter-appended) ---
"""Pipeline reference for scband-top-kpool-broadcast-gcn-49615462204215 (READ-ONLY COPY).

The authoritative reference and input builder live on the scoring server;
editing this copy changes nothing except your own understanding.
"""

import jax, jax.numpy as jnp
import numpy as np

N = 10000
E = 160000
IN_DIM = 256
HID = 512
OUT_DIM = 256
K_TARGET = 1000

def gcn_conv(x, edge_index, W, b, num_nodes, edge_weight=None):
    row = edge_index[0]
    col = edge_index[1]
    ew = jnp.ones(row.shape[0], dtype=x.dtype) if edge_weight is None else edge_weight
    loop = jnp.arange(num_nodes, dtype=row.dtype)
    row = jnp.concatenate([row, loop])
    col = jnp.concatenate([col, loop])
    ew = jnp.concatenate([ew, jnp.ones(num_nodes, dtype=x.dtype)])
    deg = jax.ops.segment_sum(ew, col, num_segments=num_nodes)
    dinv = jnp.where(deg > 0, deg ** -0.5, 0.0)
    norm = dinv[row] * ew * dinv[col]
    xw = x @ W
    out = jax.ops.segment_sum(norm[:, None] * xw[row], col, num_segments=num_nodes)
    return out + b

def setup_inputs(seed: int = 0):
    key = jax.random.key(seed)
    ks = jax.random.split(key, 8)
    x = jax.random.normal(ks[0], (N, IN_DIM), dtype=jnp.float32)
    edge_index = jax.random.randint(ks[1], (2, E), 0, N, dtype=jnp.int32)
    W1 = jax.random.normal(ks[2], (IN_DIM, HID), dtype=jnp.float32) / np.sqrt(IN_DIM)
    b1 = jnp.zeros((HID,), dtype=jnp.float32)
    W2 = jax.random.normal(ks[3], (HID, OUT_DIM), dtype=jnp.float32) / np.sqrt(HID)
    b2 = jnp.zeros((OUT_DIM,), dtype=jnp.float32)
    W_skip = jax.random.normal(ks[4], (HID, OUT_DIM), dtype=jnp.float32) / np.sqrt(HID)
    b_skip = jnp.zeros((OUT_DIM,), dtype=jnp.float32)
    W_score = jax.random.normal(ks[5], (HID, 1), dtype=jnp.float32) / np.sqrt(HID)
    return {'x': x, 'edge_index': edge_index, 'W1': W1, 'b1': b1, 'W2': W2, 'b2': b2, 'W_skip': W_skip, 'b_skip': b_skip, 'W_score': W_score}

def reference(x, edge_index, W1, b1, W2, b2, W_skip, b_skip, W_score):
    n = x.shape[0]
    x1 = jax.nn.relu(gcn_conv(x, edge_index, W1, b1, n))
    # dropout is identity in eval mode
    raw = (x1 @ W_score)[:, 0]
    gate = jnp.tanh(raw)[:, None]
    x1g = x1 * gate
    K = min(K_TARGET, n)
    _, kept = jax.lax.top_k(raw, K)
    keep_mask = jnp.zeros((n,), dtype=bool).at[kept].set(True)
    deg = jnp.bincount(edge_index[0], length=n).astype(jnp.int32)
    src = jnp.concatenate([edge_index[0], edge_index[1]])
    dst = jnp.concatenate([edge_index[1], edge_index[0]])
    enc = jnp.where(keep_mask[dst], deg[dst] * n + (n - 1 - dst), -1)
    best_enc = jax.ops.segment_max(enc, src, num_segments=n)
    has_cand = best_enc >= 0
    cluster_kept = jnp.full((n,), -1, dtype=jnp.int32).at[kept].set(jnp.arange(K, dtype=jnp.int32))
    best_global_kept = kept[jnp.argmax(deg[kept])]
    w_best = jnp.where(has_cand, (n - 1) - (jnp.maximum(best_enc, 0) % n), best_global_kept)
    cluster_id = jnp.where(keep_mask, cluster_kept, cluster_kept[w_best])
    Kc = K
    sums = jax.ops.segment_sum(x1g, cluster_id, num_segments=Kc)
    counts = jnp.maximum(jnp.bincount(cluster_id, length=Kc), 1).astype(x.dtype)[:, None]
    x_p = sums / counts
    cu = cluster_id[edge_index[0]]
    cv = cluster_id[edge_index[1]]
    code = cu * Kc + cv
    uniq, w = jnp.unique(code, return_counts=True, size=code.shape[0], fill_value=0)
    uc = uniq // Kc
    vc = uniq % Kc
    m = uc != vc
    ei_p = jnp.stack([uc, vc])
    ew_p = jnp.where(m, w, 0).astype(x.dtype)
    x_p2 = gcn_conv(x_p, ei_p, W2, b2, Kc, edge_weight=ew_p)
    up = x_p2[cluster_id]
    skip = x1 @ W_skip + b_skip
    return (up + skip, jnp.asarray(0.0, dtype=jnp.float32))

if __name__ == "__main__":
    import jax
    _d = setup_inputs()
    print(jax.jit(kernel)(*tuple(_d.values())))

</pallas_src>

<mosaic_0001>
module attributes {stable_mosaic.version = 14 : i64} {
  func.func @_conv1_mm_kernel(%arg0: i32, %arg1: memref<1000x256xf32, #tpu.memory_space<vmem>>, %arg2: memref<256x512xf32, #tpu.memory_space<vmem>>, %arg3: memref<1000x1xf32, #tpu.memory_space<vmem>>, %arg4: memref<1000x512xf32, #tpu.memory_space<vmem>>) attributes {dimension_semantics = [#tpu.dimension_semantics<arbitrary>], iteration_bounds = array<i64: 10>, scalar_prefetch = 0 : i64, scratch_operands = 0 : i64, tpu.core_type = #tpu.core_type<tc>, window_params = [{transform_indices = @transform_0, window_bounds = array<i64: 1000, 256>}, {pipeline_mode = #tpu.pipeline_mode<synchronous>, transform_indices = @transform_1, window_bounds = array<i64: 256, 512>}, {transform_indices = @transform_2, window_bounds = array<i64: 1000, 1>}, {transform_indices = @transform_3, window_bounds = array<i64: 1000, 512>}]} {
    %get3A = arith.constant 0 : index
    %get3A_0 = arith.constant 0 : index
    %get3A_1 = vector.load %arg1[%get3A, %get3A_0] : memref<1000x256xf32, #tpu.memory_space<vmem>>, vector<1000x256xf32>
    %get3A_2 = arith.constant 0 : index
    %get3A_3 = arith.constant 0 : index
    %get3A_4 = vector.load %arg2[%get3A_2, %get3A_3] : memref<256x512xf32, #tpu.memory_space<vmem>>, vector<256x512xf32>
    %dot_general3A = arith.constant dense<0.000000e+00> : vector<1000x512xf32>
    %dot_general3A_5 = tpu.matmul %get3A_1, %get3A_4, %dot_general3A {dimension_numbers = #tpu.dot_dimension_numbers<[1], [0], [0], [1], [0, 0, 1, 1], [], []>, transpose_lhs_hint = false} : vector<1000x256xf32>, vector<256x512xf32>, vector<1000x512xf32> -> vector<1000x512xf32>
    %get3A_6 = arith.constant 0 : index
    %get3A_7 = arith.constant 0 : index
    %get3A_8 = vector.load %arg3[%get3A_6, %get3A_7] : memref<1000x1xf32, #tpu.memory_space<vmem>>, vector<1000x1xf32>
    %mul3A = vector.broadcast %get3A_8 : vector<1000x1xf32> to vector<1000x512xf32>
    %mul3A_9 = arith.mulf %dot_general3A_5, %mul3A : vector<1000x512xf32>
    %swap3A = arith.constant 0 : index
    %swap3A_10 = arith.constant 0 : index
    %swap3A_11 = vector.load %arg4[%swap3A, %swap3A_10] : memref<1000x512xf32, #tpu.memory_space<vmem>>, vector<1000x512xf32>
    tpu.vector_store %arg4[%swap3A, %swap3A_10], %mul3A_9 {strides = array<i32>} : memref<1000x512xf32, #tpu.memory_space<vmem>>, vector<1000x512xf32>,
    return
  }
  func.func @transform_0(%arg0: i32) -> (i32, i32) {
    %c0_i32 = arith.constant 0 : i32
    %c0_i32_0 = arith.constant 0 : i32
    return %arg0, %c0_i32 : i32, i32
  }
  func.func @transform_1(%arg0: i32) -> (i32, i32) {
    %c0_i32 = arith.constant 0 : i32
    %c0_i32_0 = arith.constant 0 : i32
    %c0_i32_1 = arith.constant 0 : i32
    return %c0_i32, %c0_i32_0 : i32, i32
  }
  func.func @transform_2(%arg0: i32) -> (i32, i32) {
    %c0_i32 = arith.constant 0 : i32
    %c0_i32_0 = arith.constant 0 : i32
    return %arg0, %c0_i32 : i32, i32
  }
  func.func @transform_3(%arg0: i32) -> (i32, i32) {
    %c0_i32 = arith.constant 0 : i32
    %c0_i32_0 = arith.constant 0 : i32
    return %arg0, %c0_i32 : i32, i32
  }
}

module attributes {stable_mosaic.version = 14 : i64} {
  func.func @_cg_kernel(%arg0: i32, %arg1: memref<1000x512xf32, #tpu.memory_space<vmem>>, %arg2: memref<1000x512xf32, #tpu.memory_space<vmem>>, %arg3: memref<1000x1xf32, #tpu.memory_space<vmem>>, %arg4: memref<1x512xf32, #tpu.memory_space<vmem>>, %arg5: memref<512x128xf32, #tpu.memory_space<vmem>>, %arg6: memref<1000x512xf32, #tpu.memory_space<vmem>>, %arg7: memref<1000x128xf32, #tpu.memory_space<vmem>>, %arg8: memref<1000x512xf32, #tpu.memory_space<vmem>>) attributes {dimension_semantics = [#tpu.dimension_semantics<arbitrary>], iteration_bounds = array<i64: 10>, scalar_prefetch = 0 : i64, scratch_operands = 0 : i64, tpu.core_type = #tpu.core_type<tc>, window_params = [{transform_indices = @transform_0, window_bounds = array<i64: 1000, 512>}, {transform_indices = @transform_1, window_bounds = array<i64: 1000, 512>}, {transform_indices = @transform_2, window_bounds = array<i64: 1000, 1>}, {pipeline_mode = #tpu.pipeline_mode<synchronous>, transform_indices = @transform_3, window_bounds = array<i64: 1, 512>}, {pipeline_mode = #tpu.pipeline_mode<synchronous>, transform_indices = @transform_4, window_bounds = array<i64: 512, 128>}, {transform_indices = @transform_5, window_bounds = array<i64: 1000, 512>}, {transform_indices = @transform_6, window_bounds = array<i64: 1000, 128>}, {transform_indices = @transform_7, window_bounds = array<i64: 1000, 512>}]} {
    %get3A = arith.constant 0 : index
    %get3A_0 = arith.constant 0 : index
    %get3A_1 = vector.load %arg1[%get3A, %get3A_0] : memref<1000x512xf32, #tpu.memory_space<vmem>>, vector<1000x512xf32>
    %get3A_2 = arith.constant 0 : index
    %get3A_3 = arith.constant 0 : index
    %get3A_4 = vector.load %arg2[%get3A_2, %get3A_3] : memref<1000x512xf32, #tpu.memory_space<vmem>>, vector<1000x512xf32>
    %add3A = arith.addf %get3A_1, %get3A_4 : vector<1000x512xf32>
    %get3A_5 = arith.constant 0 : index
    %get3A_6 = arith.constant 0 : index
    %get3A_7 = vector.load %arg3[%get3A_5, %get3A_6] : memref<1000x1xf32, #tpu.memory_space<vmem>>, vector<1000x1xf32>
    %mul3A = vector.broadcast %get3A_7 : vector<1000x1xf32> to vector<1000x512xf32>
    %mul3A_8 = arith.mulf %add3A, %mul3A : vector<1000x512xf32>
    %get3A_9 = arith.constant 0 : index
    %get3A_10 = arith.constant 0 : index
    %get3A_11 = vector.load %arg4[%get3A_9, %get3A_10] : memref<1x512xf32, #tpu.memory_space<vmem>>, vector<1x512xf32>
    %add3A_12 = vector.broadcast %get3A_11 : vector<1x512xf32> to vector<1000x512xf32>
    %add3A_13 = arith.addf %mul3A_8, %add3A_12 : vector<1000x512xf32>
    %max3A = arith.constant 0.000000e+00 : f32
    %max3A_14 = vector.broadcast %max3A : f32 to vector<1000x512xf32>
    %max3A_15 = arith.maximumf %add3A_13, %max3A_14 : vector<1000x512xf32>
    %swap3A = arith.constant 0 : index
    %swap3A_16 = arith.constant 0 : index
    %swap3A_17 = vector.load %arg6[%swap3A, %swap3A_16] : memref<1000x512xf32, #tpu.memory_space<vmem>>, vector<1000x512xf32>
    tpu.vector_store %arg6[%swap3A, %swap3A_16], %max3A_15 {strides = array<i32>} : memref<1000x512xf32, #tpu.memory_space<vmem>>, vector<1000x512xf32>,
    %get3A_18 = arith.constant 0 : index
    %get3A_19 = arith.constant 0 : index
    %get3A_20 = vector.load %arg5[%get3A_18, %get3A_19] : memref<512x128xf32, #tpu.memory_space<vmem>>, vector<512x128xf32>
    %dot_general3A = arith.constant dense<0.000000e+00> : vector<1000x128xf32>
    %dot_general3A_21 = tpu.matmul %max3A_15, %get3A_20, %dot_general3A {dimension_numbers = #tpu.dot_dimension_numbers<[1], [0], [0], [1], [0, 0, 1, 1], [], []>, transpose_lhs_hint = false} : vector<1000x512xf32>, vector<512x128xf32>, vector<1000x128xf32> -> vector<1000x128xf32>
    %swap3A_22 = arith.constant 0 : index
    %swap3A_23 = arith.constant 0 : index
    %swap3A_24 = vector.load %arg7[%swap3A_22, %swap3A_23] : memref<1000x128xf32, #tpu.memory_space<vmem>>, vector<1000x128xf32>
    tpu.vector_store %arg7[%swap3A_22, %swap3A_23], %dot_general3A_21 {strides = array<i32>} : memref<1000x128xf32, #tpu.memory_space<vmem>>, vector<1000x128xf32>,
    %slice3A = vector.extract_strided_slice %dot_general3A_21 {offsets = [0, 0], sizes = [1000, 1], strides = [1, 1]} : vector<1000x128xf32> to vector<1000x1xf32>
    %tanh3A = math.tanh %slice3A : vector<1000x1xf32>
    %mul3A_25 = vector.broadcast %tanh3A : vector<1000x1xf32> to vector<1000x512xf32>
    %mul3A_26 = arith.mulf %max3A_15, %mul3A_25 : vector<1000x512xf32>
    %swap3A_27 = arith.constant 0 : index
    %swap3A_28 = arith.constant 0 : index
    %swap3A_29 = vector.load %arg8[%swap3A_27, %swap3A_28] : memref<1000x512xf32, #tpu.memory_space<vmem>>, vector<1000x512xf32>
    tpu.vector_store %arg8[%swap3A_27, %swap3A_28], %mul3A_26 {strides = array<i32>} : memref<1000x512xf32, #tpu.memory_space<vmem>>, vector<1000x512xf32>,
    return
  }
  func.func @transform_0(%arg0: i32) -> (i32, i32) {
    %c0_i32 = arith.constant 0 : i32
    %c0_i32_0 = arith.constant 0 : i32
    return %arg0, %c0_i32 : i32, i32
  }
  func.func @transform_1(%arg0: i32) -> (i32, i32) {
    %c0_i32 = arith.constant 0 : i32
    %c0_i32_0 = arith.constant 0 : i32
    return %arg0, %c0_i32 : i32, i32
  }
  func.func @transform_2(%arg0: i32) -> (i32, i32) {
    %c0_i32 = arith.constant 0 : i32
    %c0_i32_0 = arith.constant 0 : i32
    return %arg0, %c0_i32 : i32, i32
  }
  func.func @transform_3(%arg0: i32) -> (i32, i32) {
    %c0_i32 = arith.constant 0 : i32
    %c0_i32_0 = arith.constant 0 : i32
    %c0_i32_1 = arith.constant 0 : i32
    return %c0_i32, %c0_i32_0 : i32, i32
  }
  func.func @transform_4(%arg0: i32) -> (i32, i32) {
    %c0_i32 = arith.constant 0 : i32
    %c0_i32_0 = arith.constant 0 : i32
    %c0_i32_1 = arith.constant 0 : i32
    return %c0_i32, %c0_i32_0 : i32, i32
  }
  func.func @transform_5(%arg0: i32) -> (i32, i32) {
    %c0_i32 = arith.constant 0 : i32
    %c0_i32_0 = arith.constant 0 : i32
    return %arg0, %c0_i32 : i32, i32
  }
  func.func @transform_6(%arg0: i32) -> (i32, i32) {
    %c0_i32 = arith.constant 0 : i32
    %c0_i32_0 = arith.constant 0 : i32
    return %arg0, %c0_i32 : i32, i32
  }
  func.func @transform_7(%arg0: i32) -> (i32, i32) {
    %c0_i32 = arith.constant 0 : i32
    %c0_i32_0 = arith.constant 0 : i32
    return %arg0, %c0_i32 : i32, i32
  }
}

module attributes {stable_mosaic.version = 14 : i64} {
  func.func @_pool_kernel(%arg0: i32, %arg1: memref<1x1x1000xi32, #tpu.memory_space<vmem>>, %arg2: memref<1000x512xf32, #tpu.memory_space<vmem>>, %arg3: memref<1000x512xf32, #tpu.memory_space<vmem>>, %arg4: memref<1000x128xf32, #tpu.memory_space<vmem>>) attributes {dimension_semantics = [#tpu.dimension_semantics<arbitrary>], iteration_bounds = array<i64: 10>, scalar_prefetch = 0 : i64, scratch_operands = 0 : i64, tpu.core_type = #tpu.core_type<tc>, window_params = [{transform_indices = @transform_0, window_bounds = array<i64: 1, 1, 1000>}, {transform_indices = @transform_1, window_bounds = array<i64: 1000, 512>}, {pipeline_mode = #tpu.pipeline_mode<synchronous>, transform_indices = @transform_2, window_bounds = array<i64: 1000, 512>}, {pipeline_mode = #tpu.pipeline_mode<synchronous>, transform_indices = @transform_3, window_bounds = array<i64: 1000, 128>}]} {
    %get3A = arith.constant 0 : index
    %get3A_0 = arith.constant 0 : index
    %get3A_1 = arith.constant 0 : index
    %get3A_2 = vector.load %arg1[%get3A, %get3A_0, %get3A_1] : memref<1x1x1000xi32, #tpu.memory_space<vmem>>, vector<1x1x1000xi32>
    %get3A_3 = vector.shape_cast %get3A_2 : vector<1x1x1000xi32> to vector<1x1000xi32>
    %iota3A = tpu.iota {dimensions = array<i32: 0>} : vector<1000x1000xi32>
    %eq3A = vector.broadcast %get3A_3 : vector<1x1000xi32> to vector<1000x1000xi32>
    %eq3A_4 = arith.cmpi eq, %iota3A, %eq3A : vector<1000x1000xi32>
    %convert_element_type3A = arith.extui %eq3A_4 : vector<1000x1000xi1> to vector<1000x1000xi32>
    %convert_element_type3A_5 = arith.sitofp %convert_element_type3A : vector<1000x1000xi32> to vector<1000x1000xf32>
    %get3A_6 = arith.constant 0 : index
    %get3A_7 = arith.constant 0 : index
    %get3A_8 = vector.load %arg2[%get3A_6, %get3A_7] : memref<1000x512xf32, #tpu.memory_space<vmem>>, vector<1000x512xf32>
    %dot_general3A = arith.constant dense<0.000000e+00> : vector<1000x512xf32>
    %dot_general3A_9 = tpu.matmul %convert_element_type3A_5, %get3A_8, %dot_general3A {dimension_numbers = #tpu.dot_dimension_numbers<[1], [0], [0], [1], [0, 0, 1, 1], [], []>, transpose_lhs_hint = false} : vector<1000x1000xf32>, vector<1000x512xf32>, vector<1000x512xf32> -> vector<1000x512xf32>
    %broadcast_in_dim3A = arith.constant 1.000000e+00 : f32
    %broadcast_in_dim3A_10 = vector.broadcast %broadcast_in_dim3A : f32 to vector<1000x128xf32>
    %dot_general3A_11 = arith.constant dense<0.000000e+00> : vector<1000x128xf32>
    %dot_general3A_12 = tpu.matmul %convert_element_type3A_5, %broadcast_in_dim3A_10, %dot_general3A_11 {dimension_numbers = #tpu.dot_dimension_numbers<[1], [0], [0], [1], [0, 0, 1, 1], [], []>, transpose_lhs_hint = false} : vector<1000x1000xf32>, vector<1000x128xf32>, vector<1000x128xf32> -> vector<1000x128xf32>
    %eq3A_13 = arith.constant 0 : i32
    %eq3A_14 = arith.cmpi eq, %arg0, %eq3A_13 : i32
    %convert_element_type3A_15 = arith.extui %eq3A_14 : i1 to i32
    %cond3A = arith.constant 0 : i32
    %cond3A_16 = arith.cmpi ne, %convert_element_type3A_15, %cond3A : i32
    scf.if %cond3A_16 {
      %swap3A = arith.constant 0 : index
      %swap3A_21 = arith.constant 0 : index
      %swap3A_22 = vector.load %arg3[%swap3A, %swap3A_21] : memref<1000x512xf32, #tpu.memory_space<vmem>>, vector<1000x512xf32>
      tpu.vector_store %arg3[%swap3A, %swap3A_21], %dot_general3A_9 {strides = array<i32>} : memref<1000x512xf32, #tpu.memory_space<vmem>>, vector<1000x512xf32>,
      %swap3A_23 = arith.constant 0 : index
      %swap3A_24 = arith.constant 0 : index
      %swap3A_25 = vector.load %arg4[%swap3A_23, %swap3A_24] : memref<1000x128xf32, #tpu.memory_space<vmem>>, vector<1000x128xf32>
      tpu.vector_store %arg4[%swap3A_23, %swap3A_24], %dot_general3A_12 {strides = array<i32>} : memref<1000x128xf32, #tpu.memory_space<vmem>>, vector<1000x128xf32>,
    } else {
    }
    %ne3A = arith.constant 0 : i32
    %ne3A_17 = arith.cmpi ne, %arg0, %ne3A : i32
    %convert_element_type3A_18 = arith.extui %ne3A_17 : i1 to i32
    %cond3A_19 = arith.constant 0 : i32
    %cond3A_20 = arith.cmpi ne, %convert_element_type3A_18, %cond3A_19 : i32
    scf.if %cond3A_20 {
      %get3A_21 = arith.constant 0 : index
      %get3A_22 = arith.constant 0 : index
      %get3A_23 = vector.load %arg3[%get3A_21, %get3A_22] : memref<1000x512xf32, #tpu.memory_space<vmem>>, vector<1000x512xf32>
      %add3A = arith.addf %get3A_23, %dot_general3A_9 : vector<1000x512xf32>
      %swap3A = arith.constant 0 : index
      %swap3A_24 = arith.constant 0 : index
      %swap3A_25 = vector.load %arg3[%swap3A, %swap3A_24] : memref<1000x512xf32, #tpu.memory_space<vmem>>, vector<1000x512xf32>
      tpu.vector_store %arg3[%swap3A, %swap3A_24], %add3A {strides = array<i32>} : memref<1000x512xf32, #tpu.memory_space<vmem>>, vector<1000x512xf32>,
      %get3A_26 = arith.constant 0 : index
      %get3A_27 = arith.constant 0 : index
      %get3A_28 = vector.load %arg4[%get3A_26, %get3A_27] : memref<1000x128xf32, #tpu.memory_space<vmem>>, vector<1000x128xf32>
      %add3A_29 = arith.addf %get3A_28, %dot_general3A_12 : vector<1000x128xf32>
      %swap3A_30 = arith.constant 0 : index
      %swap3A_31 = arith.constant 0 : index
      %swap3A_32 = vector.load %arg4[%swap3A_30, %swap3A_31] : memref<1000x128xf32, #tpu.memory_space<vmem>>, vector<1000x128xf32>
      tpu.vector_store %arg4[%swap3A_30, %swap3A_31], %add3A_29 {strides = array<i32>} : memref<1000x128xf32, #tpu.memory_space<vmem>>, vector<1000x128xf32>,
    } else {
    }
    return
  }
  func.func @transform_0(%arg0: i32) -> (i32, i32, i32) {
    %c0_i32 = arith.constant 0 : i32
    %c0_i32_0 = arith.constant 0 : i32
    %c0_i32_1 = arith.constant 0 : i32
    return %arg0, %c0_i32, %c0_i32_0 : i32, i32, i32
  }
  func.func @transform_1(%arg0: i32) -> (i32, i32) {
    %c0_i32 = arith.constant 0 : i32
    %c0_i32_0 = arith.constant 0 : i32
    return %arg0, %c0_i32 : i32, i32
  }
  func.func @transform_2(%arg0: i32) -> (i32, i32) {
    %c0_i32 = arith.constant 0 : i32
    %c0_i32_0 = arith.constant 0 : i32
    %c0_i32_1 = arith.constant 0 : i32
    return %c0_i32, %c0_i32_0 : i32, i32
  }
  func.func @transform_3(%arg0: i32) -> (i32, i32) {
    %c0_i32 = arith.constant 0 : i32
    %c0_i32_0 = arith.constant 0 : i32
    %c0_i32_1 = arith.constant 0 : i32
    return %c0_i32, %c0_i32_0 : i32, i32
  }
}

module attributes {stable_mosaic.version = 14 : i64} {
  func.func @_conv2_kernel(%arg0: memref<1000x1000xf32, #tpu.memory_space<vmem>>, %arg1: memref<1000x512xf32, #tpu.memory_space<vmem>>, %arg2: memref<1000x128xf32, #tpu.memory_space<vmem>>, %arg3: memref<512x256xf32, #tpu.memory_space<vmem>>, %arg4: memref<1x256xf32, #tpu.memory_space<vmem>>, %arg5: memref<1000x256xf32, #tpu.memory_space<vmem>>) attributes {dimension_semantics = [], scalar_prefetch = 0 : i64, scratch_operands = 0 : i64, tpu.core_type = #tpu.core_type<tc>} {
    %get3A = arith.constant 0 : index
    %get3A_0 = arith.constant 0 : index
    %get3A_1 = vector.load %arg0[%get3A, %get3A_0] : memref<1000x1000xf32, #tpu.memory_space<vmem>>, vector<1000x1000xf32>
    %iota3A = tpu.iota {dimensions = array<i32: 0>} : vector<1000x1000xi32>
    %iota3A_2 = tpu.iota {dimensions = array<i32: 1>} : vector<1000x1000xi32>
    %eq3A = arith.cmpi eq, %iota3A, %iota3A_2 : vector<1000x1000xi32>
    %jit3A = arith.constant 0.000000e+00 : f32
    %broadcast_in_dim3A = vector.broadcast %jit3A : f32 to vector<1000x1000xf32>
    %select_n3A = arith.select %eq3A, %broadcast_in_dim3A, %get3A_1 : vector<1000x1000xi1>, vector<1000x1000xf32>
    %broadcast_in_dim3A_3 = arith.constant 1.000000e+00 : f32
    %broadcast_in_dim3A_4 = vector.broadcast %broadcast_in_dim3A_3 : f32 to vector<1000x128xf32>
    %dot_general3A = arith.constant dense<0.000000e+00> : vector<1000x128xf32>
    %dot_general3A_5 = tpu.matmul %select_n3A, %broadcast_in_dim3A_4, %dot_general3A {dimension_numbers = #tpu.dot_dimension_numbers<[0], [0], [1], [1], [0, 1, 1, 1], [], []>, transpose_lhs_hint = false} : vector<1000x1000xf32>, vector<1000x128xf32>, vector<1000x128xf32> -> vector<1000x128xf32>
    %slice3A = vector.extract_strided_slice %dot_general3A_5 {offsets = [0, 0], sizes = [1000, 1], strides = [1, 1]} : vector<1000x128xf32> to vector<1000x1xf32>
    %add3A = arith.constant 1.000000e+00 : f32
    %add3A_6 = vector.broadcast %add3A : f32 to vector<1000x1xf32>
    %add3A_7 = arith.addf %slice3A, %add3A_6 : vector<1000x1xf32>
    %rsqrt3A = math.rsqrt %add3A_7 : vector<1000x1xf32>
    %get3A_8 = arith.constant 0 : index
    %get3A_9 = arith.constant 0 : index
    %get3A_10 = vector.load %arg2[%get3A_8, %get3A_9] : memref<1000x128xf32, #tpu.memory_space<vmem>>, vector<1000x128xf32>
    %slice3A_11 = vector.extract_strided_slice %get3A_10 {offsets = [0, 0], sizes = [1000, 1], strides = [1, 1]} : vector<1000x128xf32> to vector<1000x1xf32>
    %max3A = arith.constant 1.000000e+00 : f32
    %max3A_12 = vector.broadcast %max3A : f32 to vector<1000x1xf32>
    %max3A_13 = arith.maximumf %slice3A_11, %max3A_12 : vector<1000x1xf32>
    %get3A_14 = arith.constant 0 : index
    %get3A_15 = arith.constant 0 : index
    %get3A_16 = vector.load %arg1[%get3A_14, %get3A_15] : memref<1000x512xf32, #tpu.memory_space<vmem>>, vector<1000x512xf32>
    %div3A = vector.broadcast %max3A_13 : vector<1000x1xf32> to vector<1000x512xf32>
    %div3A_17 = arith.divf %get3A_16, %div3A : vector<1000x512xf32>
    %get3A_18 = arith.constant 0 : index
    %get3A_19 = arith.constant 0 : index
    %get3A_20 = vector.load %arg3[%get3A_18, %get3A_19] : memref<512x256xf32, #tpu.memory_space<vmem>>, vector<512x256xf32>
    %dot_general3A_21 = arith.constant dense<0.000000e+00> : vector<1000x256xf32>
    %dot_general3A_22 = tpu.matmul %div3A_17, %get3A_20, %dot_general3A_21 {dimension_numbers = #tpu.dot_dimension_numbers<[1], [0], [0], [1], [0, 0, 1, 1], [], []>, transpose_lhs_hint = false} : vector<1000x512xf32>, vector<512x256xf32>, vector<1000x256xf32> -> vector<1000x256xf32>
    %mul3A = vector.broadcast %rsqrt3A : vector<1000x1xf32> to vector<1000x256xf32>
    %mul3A_23 = arith.mulf %mul3A, %dot_general3A_22 : vector<1000x256xf32>
    %dot_general3A_24 = arith.constant dense<0.000000e+00> : vector<1000x256xf32>
    %dot_general3A_25 = tpu.matmul %select_n3A, %mul3A_23, %dot_general3A_24 {dimension_numbers = #tpu.dot_dimension_numbers<[0], [0], [1], [1], [0, 1, 1, 1], [], []>, transpose_lhs_hint = false} : vector<1000x1000xf32>, vector<1000x256xf32>, vector<1000x256xf32> -> vector<1000x256xf32>
    %mul3A_26 = vector.broadcast %rsqrt3A : vector<1000x1xf32> to vector<1000x256xf32>
    %mul3A_27 = arith.mulf %mul3A_26, %dot_general3A_25 : vector<1000x256xf32>
    %mul3A_28 = arith.mulf %rsqrt3A, %rsqrt3A : vector<1000x1xf32>
    %mul3A_29 = vector.broadcast %mul3A_28 : vector<1000x1xf32> to vector<1000x256xf32>
    %mul3A_30 = arith.mulf %mul3A_29, %dot_general3A_22 : vector<1000x256xf32>
    %add3A_31 = arith.addf %mul3A_27, %mul3A_30 : vector<1000x256xf32>
    %get3A_32 = arith.constant 0 : index
    %get3A_33 = arith.constant 0 : index
    %get3A_34 = vector.load %arg4[%get3A_32, %get3A_33] : memref<1x256xf32, #tpu.memory_space<vmem>>, vector<1x256xf32>
    %add3A_35 = vector.broadcast %get3A_34 : vector<1x256xf32> to vector<1000x256xf32>
    %add3A_36 = arith.addf %add3A_31, %add3A_35 : vector<1000x256xf32>
    %swap3A = arith.constant 0 : index
    %swap3A_37 = arith.constant 0 : index
    %swap3A_38 = vector.load %arg5[%swap3A, %swap3A_37] : memref<1000x256xf32, #tpu.memory_space<vmem>>, vector<1000x256xf32>
    tpu.vector_store %arg5[%swap3A, %swap3A_37], %add3A_36 {strides = array<i32>} : memref<1000x256xf32, #tpu.memory_space<vmem>>, vector<1000x256xf32>,
    return
  }
}

module attributes {stable_mosaic.version = 14 : i64} {
  func.func @_final_kernel(%arg0: i32, %arg1: memref<1000x512xf32, #tpu.memory_space<vmem>>, %arg2: memref<512x256xf32, #tpu.memory_space<vmem>>, %arg3: memref<1x256xf32, #tpu.memory_space<vmem>>, %arg4: memref<1x1x1000xi32, #tpu.memory_space<vmem>>, %arg5: memref<1000x256xf32, #tpu.memory_space<vmem>>, %arg6: memref<1000x256xf32, #tpu.memory_space<vmem>>) attributes {dimension_semantics = [#tpu.dimension_semantics<arbitrary>], iteration_bounds = array<i64: 10>, scalar_prefetch = 0 : i64, scratch_operands = 0 : i64, tpu.core_type = #tpu.core_type<tc>, window_params = [{transform_indices = @transform_0, window_bounds = array<i64: 1000, 512>}, {pipeline_mode = #tpu.pipeline_mode<synchronous>, transform_indices = @transform_1, window_bounds = array<i64: 512, 256>}, {pipeline_mode = #tpu.pipeline_mode<synchronous>, transform_indices = @transform_2, window_bounds = array<i64: 1, 256>}, {transform_indices = @transform_3, window_bounds = array<i64: 1, 1, 1000>}, {pipeline_mode = #tpu.pipeline_mode<synchronous>, transform_indices = @transform_4, window_bounds = array<i64: 1000, 256>}, {transform_indices = @transform_5, window_bounds = array<i64: 1000, 256>}]} {
    %get3A = arith.constant 0 : index
    %get3A_0 = arith.constant 0 : index
    %get3A_1 = arith.constant 0 : index
    %get3A_2 = vector.load %arg4[%get3A, %get3A_0, %get3A_1] : memref<1x1x1000xi32, #tpu.memory_space<vmem>>, vector<1x1x1000xi32>
    %get3A_3 = vector.shape_cast %get3A_2 : vector<1x1x1000xi32> to vector<1x1000xi32>
    %iota3A = tpu.iota {dimensions = array<i32: 0>} : vector<1000x1000xi32>
    %eq3A = vector.broadcast %get3A_3 : vector<1x1000xi32> to vector<1000x1000xi32>
    %eq3A_4 = arith.cmpi eq, %iota3A, %eq3A : vector<1000x1000xi32>
    %convert_element_type3A = arith.extui %eq3A_4 : vector<1000x1000xi1> to vector<1000x1000xi32>
    %convert_element_type3A_5 = arith.sitofp %convert_element_type3A : vector<1000x1000xi32> to vector<1000x1000xf32>
    %get3A_6 = arith.constant 0 : index
    %get3A_7 = arith.constant 0 : index
    %get3A_8 = vector.load %arg5[%get3A_6, %get3A_7] : memref<1000x256xf32, #tpu.memory_space<vmem>>, vector<1000x256xf32>
    %dot_general3A = arith.constant dense<0.000000e+00> : vector<1000x256xf32>
    %dot_general3A_9 = tpu.matmul %convert_element_type3A_5, %get3A_8, %dot_general3A {dimension_numbers = #tpu.dot_dimension_numbers<[0], [0], [1], [1], [0, 1, 1, 1], [], []>, transpose_lhs_hint = false} : vector<1000x1000xf32>, vector<1000x256xf32>, vector<1000x256xf32> -> vector<1000x256xf32>
    %get3A_10 = arith.constant 0 : index
    %get3A_11 = arith.constant 0 : index
    %get3A_12 = vector.load %arg1[%get3A_10, %get3A_11] : memref<1000x512xf32, #tpu.memory_space<vmem>>, vector<1000x512xf32>
    %get3A_13 = arith.constant 0 : index
    %get3A_14 = arith.constant 0 : index
    %get3A_15 = vector.load %arg2[%get3A_13, %get3A_14] : memref<512x256xf32, #tpu.memory_space<vmem>>, vector<512x256xf32>
    %dot_general3A_16 = arith.constant dense<0.000000e+00> : vector<1000x256xf32>
    %dot_general3A_17 = tpu.matmul %get3A_12, %get3A_15, %dot_general3A_16 {dimension_numbers = #tpu.dot_dimension_numbers<[1], [0], [0], [1], [0, 0, 1, 1], [], []>, transpose_lhs_hint = false} : vector<1000x512xf32>, vector<512x256xf32>, vector<1000x256xf32> -> vector<1000x256xf32>
    %get3A_18 = arith.constant 0 : index
    %get3A_19 = arith.constant 0 : index
    %get3A_20 = vector.load %arg3[%get3A_18, %get3A_19] : memref<1x256xf32, #tpu.memory_space<vmem>>, vector<1x256xf32>
    %add3A = vector.broadcast %get3A_20 : vector<1x256xf32> to vector<1000x256xf32>
    %add3A_21 = arith.addf %dot_general3A_17, %add3A : vector<1000x256xf32>
    %add3A_22 = arith.addf %add3A_21, %dot_general3A_9 : vector<1000x256xf32>
    %swap3A = arith.constant 0 : index
    %swap3A_23 = arith.constant 0 : index
    %swap3A_24 = vector.load %arg6[%swap3A, %swap3A_23] : memref<1000x256xf32, #tpu.memory_space<vmem>>, vector<1000x256xf32>
    tpu.vector_store %arg6[%swap3A, %swap3A_23], %add3A_22 {strides = array<i32>} : memref<1000x256xf32, #tpu.memory_space<vmem>>, vector<1000x256xf32>,
    return
  }
  func.func @transform_0(%arg0: i32) -> (i32, i32) {
    %c0_i32 = arith.constant 0 : i32
    %c0_i32_0 = arith.constant 0 : i32
    return %arg0, %c0_i32 : i32, i32
  }
  func.func @transform_1(%arg0: i32) -> (i32, i32) {
    %c0_i32 = arith.constant 0 : i32
    %c0_i32_0 = arith.constant 0 : i32
    %c0_i32_1 = arith.constant 0 : i32
    return %c0_i32, %c0_i32_0 : i32, i32
  }
  func.func @transform_2(%arg0: i32) -> (i32, i32) {
    %c0_i32 = arith.constant 0 : i32
    %c0_i32_0 = arith.constant 0 : i32
    %c0_i32_1 = arith.constant 0 : i32
    return %c0_i32, %c0_i32_0 : i32, i32
  }
  func.func @transform_3(%arg0: i32) -> (i32, i32, i32) {
    %c0_i32 = arith.constant 0 : i32
    %c0_i32_0 = arith.constant 0 : i32
    %c0_i32_1 = arith.constant 0 : i32
    return %arg0, %c0_i32, %c0_i32_0 : i32, i32, i32
  }
  func.func @transform_4(%arg0: i32) -> (i32, i32) {
    %c0_i32 = arith.constant 0 : i32
    %c0_i32_0 = arith.constant 0 : i32
    %c0_i32_1 = arith.constant 0 : i32
    return %c0_i32, %c0_i32_0 : i32, i32
  }
  func.func @transform_5(%arg0: i32) -> (i32, i32) {
    %c0_i32 = arith.constant 0 : i32
    %c0_i32_0 = arith.constant 0 : i32
    return %arg0, %c0_i32 : i32, i32
  }
}

</mosaic_0001>

<sc_bundles>
// kernel: gather_offload_async_start
scs
__scs_entry_jumppad:
0x0: {  	(pc) =	sbr.rel $0x88, $3  }
0x1: {  	(tag) =	ssettag $0x0;
	lr =	simm.s32 $0x1  }
0x2: {  	[smem:$0x3F98] =	sst lr;
	_ =	strace $0xD0000000  }
0x3: {  	_ = 	snop  }
0x4: {  	_ = 	snop  }
0x5: {  	_ = 	snop  }
0x6: {  	_ = 	snop  }
0x7: {  	_ = 	snop  }
__scs_overlays_trampoline_lowered:
0x8: {  	[smem:$0x3FA7] =	sst s0  }
0x9: {  	[smem:$0x3FA8] =	sst s1  }
0xa: {  	[smem:$0x3FA9] =	sst s2  }
0xb: {  	[smem:$0x3FAA] =	sst s3  }
0xc: {  	[smem:$0x3FAB] =	sst s4  }
0xd: {  	[smem:$0x3FAC] =	sst s5  }
0xe: {  	[smem:$0x3FAD] =	sst s6  }
0xf: {  	[smem:$0x3FAE] =	sst s7  }
0x10: {  	[smem:$0x3FAF] =	sst s8  }
0x11: {  	[smem:$0x3FB0] =	sst s9;
	s0 =	simm.s32 @!p0 $0x0  }
0x12: {  	s1 =	sld [smem:$0x3F96];
	s0 =	simm.s32 @p0 $0x1  }
0x13: {  	[smem:$0x3FB1] =	sst s0;
	s0 =	simm.s32 @!p1 $0x0  }
0x14: {  	s2 =	sld [smem:$0x3F95];
	s0 =	simm.s32 @p1 $0x1  }
0x15: {  	[smem:$0x3FB2] =	sst s0;
	s0 =	simm.s32 @!p2 $0x0  }
0x16: {  	s3 =	sld [smem:$0x3FDB];
	s0 =	simm.s32 @p2 $0x1  }
0x17: {  	s4 =	simm.s32 $0x1BF5;
	[smem:$0x3FB4] =	sst s0  }
0x18: {  	s0 =	sld [smem:$0x3F97];
	_ =	swait.ge [sflag:s4], $0x0  }
0x19: {  	s7 =	sld [smem:$0x3F98]  }
0x1a: {  	s8 =	sadd.s32 $0xFFFFE003, lr  }
0x1b: {  	s9 =	sadd.s32 $0xFFFFFEF7, lr;
	s5 =	simm.s32 $0xFFFFFFFF;
	p2 =	slt.u32 s8, $0xFFFFF086  }
0x1c: {  	p1 =	slt.u32 s9, $0xF7A;
	s5 =	simm.s32 @!p2 $0x0  }
0x1d: {  	s5 =	simm.s32 @p1 $0x1;
	p0 =	seq.s32 s7, s2  }
0x1e: {  	s7 =	smul.u32 @!p0 $0xF7A, s2;
	p2 =	seq.s32 @!p0 s5, $0x0  }
0x1f: {  	s9 =	smul.u32 $0xF7A, s1;
	s8 =	simm.s32 @!p0 $0x1BF5;
	p2 =	por !p2, p0  }
0x20: {  	[sflag:s8] =	ssyncset.s32 @!p0 $0xFFFFF086;
	s6 =	sadd.s32 @!p0 s3, s7;
	s7 =	simm.s32 @!p0 $0x108  }
0x21: {  	s3 =	sadd.s32 s3, s9;
	s6 =	sadd.s32 @!p0 $0x88, s6;
	s7 =	simm.s32 @p2 $0x1082  }
0x22: {  	[simem:s7], [sflag:s8] =	dma.local @!p0 [hbm:s6], $0xF7A  }
0x23: {  	s9 =	sor.u32 $0xD0000000, s2;
	s6 =	simm.s32 $0x108;
	_ =	swait.ge @!p0 [sflag:s8], $0x0  }
0x24: {  	s3 =	sadd.s32 $0x88, s3;
	s6 =	simm.s32 @!p1 $0x1082;
	[sflag:s4] =	ssyncset.s32 $0xFFFFF086  }
0x25: {  	[simem:s6], [sflag:s4] =	dma.local [hbm:s3], $0xF7A  }
0x26: {  	[smem:$0x3F98] =	sst s1;
	(tag) =	ssettag s2;
	_ =	strace s9  }
0x27: {  	s1 =	sld [smem:$0x3FA8]  }
0x28: {  	s2 =	sld [smem:$0x3FA9]  }
0x29: {  	s4 =	sld [smem:$0x3FAB]  }
0x2a: {  	p0 =	seq.s32 s5, $0x0;
	s5 =	sld [smem:$0x3FAC]  }
0x2b: {  	s6 =	sld [smem:$0x3FAD]  }
0x2c: {  	s7 =	sld [smem:$0x3FAE]  }
0x2d: {  	s3 =	simm.s32 $0x108;
	s8 =	sld [smem:$0x3FAF]  }
0x2e: {  	s3 =	simm.s32 @!p0 $0x1082;
	s9 =	sld [smem:$0x3FB0]  }
0x2f: {  	lr =	sadd.s32 s0, s3;
	s0 =	sld [smem:$0x3FA7]  }
0x30: {  	s3 =	sld [smem:$0x3FAA]  }
0x31: {  	[smem:$0x3FB3] =	sst s10  }
0x32: {  	s10 =	sld [smem:$0x3FB1];
	_ =	sdelay $0x3  }
0x33: {  	p0 =	seq.s32 s10, $0x1;
	s10 =	sld [smem:$0x3FB3];
	_ =	sdelay $0x3  }
0x34: {  	[smem:$0x3FB3] =	sst s10  }
0x35: {  	s10 =	sld [smem:$0x3FB2];
	_ =	sdelay $0x3  }
0x36: {  	p1 =	seq.s32 s10, $0x1;
	s10 =	sld [smem:$0x3FB3];
	_ =	sdelay $0x3  }
0x37: {  	[smem:$0x3FB3] =	sst s10  }
0x38: {  	s10 =	sld [smem:$0x3FB4]  }
0x39: {  	_ = 	snop;
	(pc) =	sbr.ind lr, $3  }
0x3a: {  	_ = 	snop  }
0x3b: {  	_ = 	snop  }
0x3c: {  	p2 =	seq.s32 s10, $0x1;
	s10 =	sld [smem:$0x3FB3]  }
0x3d: {  	_ =	shalt  }
0x3e: {  	_ =	shalt  }
0x3f: {  	_ =	shalt  }
0x40: {  	_ =	shalt  }
0x41: {  	_ =	shalt  }
0x42: {  	_ =	shalt  }
0x43: {  	_ =	shalt  }
0x44: {  	_ =	shalt  }
0x45: {  	_ =	shalt  }
0x46: {  	_ =	shalt  }
0x47: {  	_ =	shalt  }
0x48: {  	_ =	shalt  }
0x49: {  	_ =	shalt  }
0x4a: {  	_ =	shalt  }
0x4b: {  	_ =	shalt  }
0x4c: {  	_ =	shalt  }
0x4d: {  	_ =	shalt  }
0x4e: {  	_ =	shalt  }
0x4f: {  	_ =	shalt  }
0x50: {  	_ =	shalt  }
0x51: {  	_ =	shalt  }
0x52: {  	_ =	shalt  }
0x53: {  	_ =	shalt  }
0x54: {  	_ =	shalt  }
0x55: {  	_ =	shalt  }
0x56: {  	_ =	shalt  }
0x57: {  	_ =	shalt  }
0x58: {  	_ =	shalt  }
0x59: {  	_ =	shalt  }
0x5a: {  	_ =	shalt  }
0x5b: {  	_ =	shalt  }
0x5c: {  	_ =	shalt  }
0x5d: {  	_ =	shalt  }
0x5e: {  	_ =	shalt  }
0x5f: {  	_ =	shalt  }
0x60: {  	_ =	shalt  }
0x61: {  	_ =	shalt  }
0x62: {  	_ =	shalt  }
0x63: {  	_ =	shalt  }
0x64: {  	_ =	shalt  }
0x65: {  	_ =	shalt  }
0x66: {  	_ =	shalt  }
0x67: {  	_ =	shalt  }
0x68: {  	_ =	shalt  }
0x69: {  	_ =	shalt  }
0x6a: {  	_ =	shalt  }
0x6b: {  	_ =	shalt  }
0x6c: {  	_ =	shalt  }
0x6d: {  	_ =	shalt  }
0x6e: {  	_ =	shalt  }
0x6f: {  	_ =	shalt  }
0x70: {  	_ =	shalt  }
0x71: {  	_ =	shalt  }
0x72: {  	_ =	shalt  }
0x73: {  	_ =	shalt  }
0x74: {  	_ =	shalt  }
0x75: {  	_ =	shalt  }
0x76: {  	_ =	shalt  }
0x77: {  	_ =	shalt  }
0x78: {  	_ =	shalt  }
0x79: {  	_ =	shalt  }
0x7a: {  	_ =	shalt  }
0x7b: {  	_ =	shalt  }
0x7c: {  	_ =	shalt  }
0x7d: {  	_ =	shalt  }
0x7e: {  	_ =	shalt  }
0x7f: {  	_ =	shalt  }
0x80: {  	_ =	shalt  }
0x81: {  	_ =	shalt  }
0x82: {  	_ =	shalt  }
0x83: {  	_ =	shalt  }
0x84: {  	_ =	shalt  }
0x85: {  	_ =	shalt  }
0x86: {  	_ =	shalt  }
0x87: {  	_ =	shalt  }
.Lfunc_end0:
.L_simem_size_0:
called_computation.5_lowered:
.L_overlay_start_0:
0x88: {  	s0 =	sld [smem:$0x3FD9]  }
0x89: {  	s1 =	sld [smem:$0x3FFE];
	_ =	sdelay $0x3  }
0x8a: {  	s0 =	sadd.s32 s1, s0  }
0x8b: {  	[smem:$0x3FBF] =	sst s0  }
0x8c: {  	_ = 	snop  }
0x8d: {  	s0 =	sld [smem:$0x3FD0];
	_ =	sdelay $0x2  }
0x8e: {  	s13 =	simm.s32 $0xB;
	s2 =	simm.s32 $0x10  }
0x8f: {  	[smem:s2], [sflag:s13] =	dma.local [hbm:s0], $0x1  }
0x90: {  	_ =	swait.eq [sflag:s13], $0x1  }
0x91: {  	[sflag:s13] =	ssyncset.done $0x0  }
0x92: {  	[sflag:s13] =	ssyncadd.s32 $0xFFFFFFFF  }
0x93: {  	s14 =	sld [smem:$0x10];
	(tm) =	ssettm $0x1  }
0x94: {  	s15 =	sld [smem:$0x3FFB];
	_ =	sdelay $0x3  }
0x95: {  	_ =	strace s15  }
0x96: {  	s1 =	sld [smem:$0x3FFC];
	_ =	sdelay $0x3  }
0x97: {  	_ =	strace s1  }
0x98: {  	s1 =	sld [smem:$0x3FFD];
	_ =	sdelay $0x3  }
0x99: {  	_ =	strace s1  }
0x9a: {  	_ =	strace $0x8FFFFFFF  }
0x9b: {  	s16 =	sld [smem:$0x3FDB];
	_ =	sdelay $0x1  }
0x9c: {  	s17 =	simm.s32 $_scs_section_size  }
0x9d: {  	s3 =	simm.s32 $_size__tile_overlayer_lowered;
	s4 =	simm.s32 $_tile_overlayer_lowered  }
0x9e: {  	s20 =	simm.s32 $0x1BFF;
	s19 =	sshll.u32 s4, $0x1;
	s1 =	sadd.s32 s17, s16  }
0x9f: {  	s5 =	simm.s32 $0x0;
	s18 =	sshll.u32 s3, $0x1;
	s3 =	sadd.s32 s19, s1  }
0xa0: {  	[timem:s5], [sflag:s20] =	dma.local [hbm:s3], s18  }
0xa1: {  	_ =	swait.ge [sflag:s20], s18  }
0xa2: {  	s2 =	ssub.s32 $0x0, s18;
	[sflag:s20] =	ssyncset.done $0x0  }
0xa3: {  	[sflag:s20] =	ssyncadd.s32 s2;
	_ =	sdelay $0x1  }
0xa4: {  	s21 =	simm.s32 $0x1B8B  }
0xa5: {  	_ =	swait.ge [sflag:s21], $0x1  }
0xa6: {  	[sflag:s21] =	ssyncset.done $0x0  }
0xa7: {  	s23 =	simm.s32 $0x1B8E;
	s22 =	sld [smem:$0x3FFE];
	[sflag:s21] =	ssyncadd.s32 $0xFFFFFFFF  }
0xa8: {  	s24 =	simm.s32 $execute0_lowered;
	[smem:$0x3FD2] =	sst s23  }
0xa9: {  	s3 =	sshll.u32 s24, $0x1;
	_ =	strace $0x80000052;
	[dreg:$0x1] =	wrdreg $0xFFFFFFFF  }
0xaa: {  	s25 =	simm.s32 $_size_execute0_lowered;
	s1 =	sadd.s32 s1, s3;
	[dreg:$0x0] =	wrdreg $0x0  }
0xab: {  	s3 =	sshll.u32 s25, $0x1;
	[dreg:$0x2] =	wrdreg s1  }
0xac: {  	[dreg:$0x3] =	wrdreg s3  }
0xad: {  	[dreg:$0x4] =	wrdreg $0xC0  }
0xae: {  	_ =	task [dreg:s5], $0x5FFFF  }
0xaf: {  	[dreg:$0x1] =	wrdreg $0xFFFFFFFF  }
0xb0: {  	[dreg:$0x0] =	wrdreg $0x60  }
0xb1: {  	[dreg:$0x2] =	wrdreg s22  }
0xb2: {  	[dreg:$0x3] =	wrdreg s14  }
0xb3: {  	[dreg:$0x4] =	wrdreg $0x9  }
0xb4: {  	_ =	task.clear_ibuf [dreg:s5], $0x5FFFF;
	_ =	strace $0x90000052  }
0xb5: {  	s26 =	simm.s32 $0x9;
	_ =	strace $0x80000054  }
0xb6: {  	_ =	swait.ge [sflag:s26], $0x1  }
0xb7: {  	[sflag:s26] =	ssyncadd.s32 $0xFFFFFFFF  }
0xb8: {  	_ =	strace $0x90000054  }
0xb9: {  	_ =	sfence  }
0xba: {  	s28 =	sld [smem:$0x0];
	_ =	sdelay $0x1  }
0xbb: {  	s29 =	srdreg.scid  }
0xbc: {  	s30 =	sshll.u32 s29, $0xD;
	s31 =	sshrl.u32 s29, $0x2  }
0xbd: {  	s2 =	sand.u32 $0x4000, s30;
	s1 =	sand.u32 $0x1, s29;
	s0 =	sadd.s32 s31, s28  }
0xbe: {  	s1 =	sor.u32 s2, s1;
	s0 =	sshll.u32 s0, $0x11  }
0xbf: {  	s0 =	sor.u32 s0, s1  }
0xc0: {  	s0 =	sadd.s32 $0x8F2B, s0  }
0xc1: {  	[sflag:s0] =	ssyncadd.remote.s32 $0x1  }
0xc2: {  	_ =	sfence.sel $0xFFFF  }
0xc3: {  	[dreg:$0x0] =	wrdreg $0xFFFFFFFF;
	(pc) =	sbr.abs _section_cstart, $3  }
0xc4: {  	[dreg:$0x1] =	wrdreg $0xFFFFFFFF  }
0xc5: {  	_ =	task.clear_ibuf [dreg:s5], $0x2FFFF;
	_ =	strace $0x9FFFFFFF  }
0xc6: {  	(tm) =	ssettm $0x7FFFFFFF  }
0xc7: {  	_ =	shalt  }
tec
execute0_lowered:
.L_overlay_start_1:
0x0: {  	(tag) =	ssettag $0x1  }
0x1: {  	s8 =	rddreg [dreg:$0x0]  }
0x2: {  	s2 =	rddreg [dreg:$0x1]  }
0x3: {  	s0 =	rddreg [dreg:$0x2]  }
0x4: {  	_ =	strace $0x80000053;
	s4 =	simm.s32 $0x1;
	s1 =	stileid.u32  }
0x5: {  	s7 =	simm.s32 $0x1;
	s9 =	simm.s32 $0x1;
	s6 =	simm.s32 $0x2  }
0x6: {  	s10 =	simm.s32 $0x3;
	s13 =	simm.s32 $0x0;
	s12 =	simm.s32 $0x0  }
.Ltmp0:
0x7: {  	s3 =	sadd.s32 $0x1E200, s8;
	p0 =	slt.u32 s1, $0xA;
	(pc) =	sbr.rel .LBB2_1-.Ltmp0, $4  }
0x8: {  	[sflag:s4] =	ssyncpa.u1 $0x0;
	s7 =	simm.s32 @!p0 $0x0;
	p0 =	sne.s32 s1, $0x9  }
0x9: {  	s5 =	smul.u32 $0x190, s1;
	[sflag:s6] =	ssyncpa.u1 $0x0;
	s9 =	simm.s32 @!p0 $0x0  }
0xa: {  	s8 =	sadd.s32 $0x1E800, s8;
	[sflag:s10] =	ssyncpa.u1 $0x0;
	s7 =	sadd.s32 s9, s7  }
0xb: {  	vm0 =	vmmov $0xffff;
	s10 =	simm.s32 $0x0;
	s11 =	smov.u32 s5;
	s9 =	sadd.s32 $0x1, s7  }
.LBB2_4:
0xc: {  	v2 =	vnsel vm1, $0x0, v2  }
0xd: {  	vm1 =	vgt.s32 v0, $0x0;
	v2 =	vmin.u32 v2, $0x270F  }
0xe: {  	v0 =	vnsel vm1, $0x0, v0  }
0xf: {  	v0 =	vmin.u32 v0, $0x270F  }
0x10: {  	[tilespmem:s18], [sflag:$0x1] =	stream.indirect_vreg.gather [hbm4b:s3+s10], $0x1, v1, vm0, $0x4038;
	[tilespmem:$0x640] =	vst v63  }
0x11: {  	(ifvalue) =	ssetifvalue $0x7FFFFFFF  }
0x12: {  	[tilespmem:s15], [sflag:$0x1] =	stream.indirect_vreg.gather [hbm4b:s3+s10], $0x1, v2, vm0, $0x4038;
	[tilespmem:$0x640] =	vst v63  }
0x13: {  	s29 =	sadd.s32 $0x10, s15;
	(ifvalue) =	ssetifvalue $0x7FFFFFFF  }
0x14: {  	[tilespmem:s29], [sflag:$0x1] =	stream.indirect_vreg.gather [hbm4b:s3+s10], $0x1, v0, vm0, $0x4038;
	[tilespmem:$0x640] =	vst v63  }
0x15: {  	_ =	swait.ge [sflag:s4], $0x190  }
0x16: {  	s30 =	sshrl.u32 s13, $0x3;
	[sflag:s4] =	ssyncset.done $0x0  }
0x17: {  	s31 =	sand.u32 $0x7, s13;
	s15 =	sadd.s32 s8, s30;
	[sflag:s4] =	ssyncadd.s32 $0xFFFFFE70  }
0x18: {  	[hbm4b:s15+s31] =	stream.linear.scatter [tilespmem:s14], [sflag:$0x3], $0x190, $0x38;
	[tilespmem:$0x640] =	vst v63  }
.LBB2_5:
0x19: {  	s15 =	sadd.s32 $0x1900, s11  }
0x1a: {  	p1 =	sgt.s32 s15, $0x270F  }
0x1b: {  	s15 =	smov.u32 @p1 s5;
	p1 =	sne.s32 s12, s9  }
.Ltmp1:
0x1c: {  	p0 =	slt.u32 s12, $0x2;
	(pc) =	sbr.rel @!p1 .LBB2_6-.Ltmp1, $4  }
0x1d: {  	s14 =	simm.s32 @!p0 $0x3  }
0x1e: {  	_ =	swait.ge @!p0 [sflag:s14], $0x190  }
0x1f: {  	s16 =	sadd.s32 $0x1, s12;
	s13 =	smov.u32 s11;
	[sflag:s14] =	ssyncset.done @!p0 $0x0  }
0x20: {  	s12 =	smov.u32 s16;
	s11 =	smov.u32 s15;
	[sflag:s14] =	ssyncadd.s32 @!p0 $0xFFFFFE70  }
.LBB2_1:
0x21: {  	p0 =	sge.u32 s12, s7  }
0x22: {  	s14 =	sxor.u32 @!p0 $0x1, s12  }
0x23: {  	s14 =	smul.u32 @!p0 $0x640, s14  }
0x24: {  	s31 =	sadd.s32 $0xFFFFFFFF, s12;
	s15 =	sshrl.u32 @!p0 s11, $0x3  }
0x25: {  	s16 =	sand.u32 @!p0 $0x7, s11;
	s15 =	sadd.s32 @!p0 s2, s15;
	s14 =	sshra.s32 @!p0 s14, $0x2  }
0x26: {  	[tilespmem:s14], [sflag:$0x2] =	stream.linear.gather @!p0 [hbm4b:s15+s16], $0x190, $0x38;
	[tilespmem:$0x640] =	vst v63  }
0x27: {  	p0 =	sge.u32 s31, s7  }
.Ltmp2:
0x28: {  	_ = 	snop;
	(pc) =	sbr.rel @p0 .LBB2_5-.Ltmp2, $1  }
0x29: {  	_ =	sdelay $0x3  }
0x2a: {  	s14 =	sand.u32 $0x1, s12  }
0x2b: {  	_ =	swait.ge [sflag:s6], $0x190;
	p0 =	seq.s32 s14, $0x1;
	s14 =	simm.s32 $0x190  }
0x2c: {  	[sflag:s6] =	ssyncset.done $0x0;
	s14 =	simm.s32 @!p0 $0x0  }
0x2d: {  	[sflag:s6] =	ssyncadd.s32 $0xFFFFFE70;
	(ifvalue) =	ssetifvalue $0x7FFFFFFF;
	v0 =	vld.msk [tilespmem:s14+$0x0 ss:$0x1], $0xffff;
	_ =	sdelay $0x4  }
0x2e: {  	s15 =	sadd.s32 $0x10, s14;
	vm1 =	vgt.s32 v0, $0x0  }
0x2f: {  	v2 =	vld.msk [tilespmem:s15+$0x0 ss:$0x1], $0xffff;
	v1 =	vnsel vm1, $0x0, v0  }
0x30: {  	v1 =	vmin.u32 v1, $0x270F;
	_ =	sdelay $0x2  }
0x31: {  	s17 =	simm.s32 $0x20;
	s14 =	sadd.s32 $0x320, s14;
	s16 =	sadd.s32 $0x10, s15  }
0x32: {  	s15 =	sadd.s32 $0x10, s14;
	s18 =	smov.u32 s14;
	v0 =	vld.msk [tilespmem:s16+$0x0 ss:$0x1], $0xffff;
	vm1 =	vgt.s32 v2, $0x0;
	(ifvalue) =	ssetifvalue $0x7FFFFFFF  }
.LBB2_3:
0x33: {  	[tilespmem:s18], [sflag:$0x1] =	stream.indirect_vreg.gather [hbm4b:s3+s10], $0x1, v1, vm0, $0x4038;
	[tilespmem:$0x640] =	vst v63  }
0x34: {  	s17 =	sadd.s32 $0x10, s17  }
0x35: {  	v2 =	vnsel vm1, $0x0, v2;
	p0 =	slt.u32 s17, $0x180  }
.Ltmp3:
0x36: {  	s18 =	smov.u32 s15;
	v1 =	vmin.u32 v2, $0x270F;
	(pc) =	sbr.rel @p0 .LBB2_3-.Ltmp3, $3  }
0x37: {  	_ =	sdelay $0x1  }
0x38: {  	s16 =	sadd.s32 $0x10, s16  }
0x39: {  	vm1 =	vgt.s32 v0, $0x0;
	s15 =	sadd.s32 $0x10, s15;
	v2 =	vmov v0;
	(ifvalue) =	ssetifvalue $0x7FFFFFFF;
	v0 =	vld.msk [tilespmem:s16+$0x0 ss:$0x1], $0xffff  }
.Ltmp4:
0x3a: {  	_ = 	snop;
	(pc) =	sbr.rel .LBB2_4-.Ltmp4, $1  }
0x3b: {  	_ =	sdelay $0x3  }
.LBB2_6:
0x3c: {  	_ =	sfence.sel $0x180000  }
0x3d: {  	s2 =	simm.s32 $0x2;
	[bflag:$0x0] =	sbarrier.arrive $0xFFFF  }
0x3e: {  	s30 =	simm.s32 $0x3;
	[sflag:s2] =	ssyncpa.u1 $0x1  }
0x3f: {  	s31 =	simm.s32 $0x1;
	[sflag:s30] =	ssyncpa.u1 $0x1  }
0x40: {  	[sflag:s31] =	ssyncpa.u1 $0x1  }
0x41: {  	p0 =	sne.s32 s1, $0x0;
	_ =	strace $0x90000053  }
0x42: {  	s0 =	sadd.s32 @!p0 $0x100000, s0;
	[bflag:$0x2] =	sbarrier.arrive $0xFFFF  }
0x43: {  	[sflag:s0] =	ssyncadd.tile.s32 @!p0 $0x1;
	_ =	shalt  }
.Lfunc_end2:
_tile_overlayer_lowered:
.L_overlay_start_2:
0x44: {  	(tag) =	ssettag $0x2  }
0x45: {  	s0 =	rddreg [dreg:$0x0];
	s2 =	stileid.u32  }
0x46: {  	s1 =	rddreg [dreg:$0x1];
	p0 =	sne.s32 s2, $0x0  }
0x47: {  	s3 =	rddreg [dreg:$0x2];
	[bflag:$0x3] =	sbarrier.arrive $0xFFFF;
	s2 =	simm.s32 @!p0 $0x1C01  }
0x48: {  	[timem:s3], [sflag:s2] =	dma.local @!p0 [hbm:s0], s1  }
0x49: {  	s0 =	simm.s32 @!p0 $0x1  }
0x4a: {  	_ =	swait.ge @!p0 [sflag:s0], s1  }
0x4b: {  	s1 =	ssub.s32 @!p0 $0x0, s1;
	[sflag:s0] =	ssyncset.done @!p0 $0x0  }
0x4c: {  	[sflag:s0] =	ssyncadd.s32 @!p0 s1  }
0x4d: {  	[bflag:$0x3] =	sbarrier.arrive $0xFFFF  }
0x4e: {  	_ =	shalt  }

// kernel: scatter_offload_async_start.1
scs
__scs_entry_jumppad:
0x0: {  	(pc) =	sbr.rel $0x88, $3  }
0x1: {  	(tag) =	ssettag $0x0;
	lr =	simm.s32 $0x1  }
0x2: {  	[smem:$0x3F98] =	sst lr;
	_ =	strace $0xD0000000  }
0x3: {  	_ = 	snop  }
0x4: {  	_ = 	snop  }
0x5: {  	_ = 	snop  }
0x6: {  	_ = 	snop  }
0x7: {  	_ = 	snop  }
__scs_overlays_trampoline_lowered:
0x8: {  	[smem:$0x3FA7] =	sst s0  }
0x9: {  	[smem:$0x3FA8] =	sst s1  }
0xa: {  	[smem:$0x3FA9] =	sst s2  }
0xb: {  	[smem:$0x3FAA] =	sst s3  }
0xc: {  	[smem:$0x3FAB] =	sst s4  }
0xd: {  	[smem:$0x3FAC] =	sst s5  }
0xe: {  	[smem:$0x3FAD] =	sst s6  }
0xf: {  	[smem:$0x3FAE] =	sst s7  }
0x10: {  	[smem:$0x3FAF] =	sst s8  }
0x11: {  	[smem:$0x3FB0] =	sst s9;
	s0 =	simm.s32 @!p0 $0x0  }
0x12: {  	s1 =	sld [smem:$0x3F96];
	s0 =	simm.s32 @p0 $0x1  }
0x13: {  	[smem:$0x3FB1] =	sst s0;
	s0 =	simm.s32 @!p1 $0x0  }
0x14: {  	s2 =	sld [smem:$0x3F95];
	s0 =	simm.s32 @p1 $0x1  }
0x15: {  	[smem:$0x3FB2] =	sst s0;
	s0 =	simm.s32 @!p2 $0x0  }
0x16: {  	s3 =	sld [smem:$0x3FDB];
	s0 =	simm.s32 @p2 $0x1  }
0x17: {  	s4 =	simm.s32 $0x1BF5;
	[smem:$0x3FB4] =	sst s0  }
0x18: {  	s0 =	sld [smem:$0x3F97];
	_ =	swait.ge [sflag:s4], $0x0  }
0x19: {  	s7 =	sld [smem:$0x3F98]  }
0x1a: {  	s8 =	sadd.s32 $0xFFFFE003, lr  }
0x1b: {  	s9 =	sadd.s32 $0xFFFFFEF7, lr;
	s5 =	simm.s32 $0xFFFFFFFF;
	p2 =	slt.u32 s8, $0xFFFFF086  }
0x1c: {  	p1 =	slt.u32 s9, $0xF7A;
	s5 =	simm.s32 @!p2 $0x0  }
0x1d: {  	s5 =	simm.s32 @p1 $0x1;
	p0 =	seq.s32 s7, s2  }
0x1e: {  	s7 =	smul.u32 @!p0 $0xF7A, s2;
	p2 =	seq.s32 @!p0 s5, $0x0  }
0x1f: {  	s9 =	smul.u32 $0xF7A, s1;
	s8 =	simm.s32 @!p0 $0x1BF5;
	p2 =	por !p2, p0  }
0x20: {  	[sflag:s8] =	ssyncset.s32 @!p0 $0xFFFFF086;
	s6 =	sadd.s32 @!p0 s3, s7;
	s7 =	simm.s32 @!p0 $0x108  }
0x21: {  	s3 =	sadd.s32 s3, s9;
	s6 =	sadd.s32 @!p0 $0x88, s6;
	s7 =	simm.s32 @p2 $0x1082  }
0x22: {  	[simem:s7], [sflag:s8] =	dma.local @!p0 [hbm:s6], $0xF7A  }
0x23: {  	s9 =	sor.u32 $0xD0000000, s2;
	s6 =	simm.s32 $0x108;
	_ =	swait.ge @!p0 [sflag:s8], $0x0  }
0x24: {  	s3 =	sadd.s32 $0x88, s3;
	s6 =	simm.s32 @!p1 $0x1082;
	[sflag:s4] =	ssyncset.s32 $0xFFFFF086  }
0x25: {  	[simem:s6], [sflag:s4] =	dma.local [hbm:s3], $0xF7A  }
0x26: {  	[smem:$0x3F98] =	sst s1;
	(tag) =	ssettag s2;
	_ =	strace s9  }
0x27: {  	s1 =	sld [smem:$0x3FA8]  }
0x28: {  	s2 =	sld [smem:$0x3FA9]  }
0x29: {  	s4 =	sld [smem:$0x3FAB]  }
0x2a: {  	p0 =	seq.s32 s5, $0x0;
	s5 =	sld [smem:$0x3FAC]  }
0x2b: {  	s6 =	sld [smem:$0x3FAD]  }
0x2c: {  	s7 =	sld [smem:$0x3FAE]  }
0x2d: {  	s3 =	simm.s32 $0x108;
	s8 =	sld [smem:$0x3FAF]  }
0x2e: {  	s3 =	simm.s32 @!p0 $0x1082;
	s9 =	sld [smem:$0x3FB0]  }
0x2f: {  	lr =	sadd.s32 s0, s3;
	s0 =	sld [smem:$0x3FA7]  }
0x30: {  	s3 =	sld [smem:$0x3FAA]  }
0x31: {  	[smem:$0x3FB3] =	sst s10  }
0x32: {  	s10 =	sld [smem:$0x3FB1];
	_ =	sdelay $0x3  }
0x33: {  	p0 =	seq.s32 s10, $0x1;
	s10 =	sld [smem:$0x3FB3];
	_ =	sdelay $0x3  }
0x34: {  	[smem:$0x3FB3] =	sst s10  }
0x35: {  	s10 =	sld [smem:$0x3FB2];
	_ =	sdelay $0x3  }
0x36: {  	p1 =	seq.s32 s10, $0x1;
	s10 =	sld [smem:$0x3FB3];
	_ =	sdelay $0x3  }
0x37: {  	[smem:$0x3FB3] =	sst s10  }
0x38: {  	s10 =	sld [smem:$0x3FB4]  }
0x39: {  	_ = 	snop;
	(pc) =	sbr.ind lr, $3  }
0x3a: {  	_ = 	snop  }
0x3b: {  	_ = 	snop  }
0x3c: {  	p2 =	seq.s32 s10, $0x1;
	s10 =	sld [smem:$0x3FB3]  }
0x3d: {  	_ =	shalt  }
0x3e: {  	_ =	shalt  }
0x3f: {  	_ =	shalt  }
0x40: {  	_ =	shalt  }
0x41: {  	_ =	shalt  }
0x42: {  	_ =	shalt  }
0x43: {  	_ =	shalt  }
0x44: {  	_ =	shalt  }
0x45: {  	_ =	shalt  }
0x46: {  	_ =	shalt  }
0x47: {  	_ =	shalt  }
0x48: {  	_ =	shalt  }
0x49: {  	_ =	shalt  }
0x4a: {  	_ =	shalt  }
0x4b: {  	_ =	shalt  }
0x4c: {  	_ =	shalt  }
0x4d: {  	_ =	shalt  }
0x4e: {  	_ =	shalt  }
0x4f: {  	_ =	shalt  }
0x50: {  	_ =	shalt  }
0x51: {  	_ =	shalt  }
0x52: {  	_ =	shalt  }
0x53: {  	_ =	shalt  }
0x54: {  	_ =	shalt  }
0x55: {  	_ =	shalt  }
0x56: {  	_ =	shalt  }
0x57: {  	_ =	shalt  }
0x58: {  	_ =	shalt  }
0x59: {  	_ =	shalt  }
0x5a: {  	_ =	shalt  }
0x5b: {  	_ =	shalt  }
0x5c: {  	_ =	shalt  }
0x5d: {  	_ =	shalt  }
0x5e: {  	_ =	shalt  }
0x5f: {  	_ =	shalt  }
0x60: {  	_ =	shalt  }
0x61: {  	_ =	shalt  }
0x62: {  	_ =	shalt  }
0x63: {  	_ =	shalt  }
0x64: {  	_ =	shalt  }
0x65: {  	_ =	shalt  }
0x66: {  	_ =	shalt  }
0x67: {  	_ =	shalt  }
0x68: {  	_ =	shalt  }
0x69: {  	_ =	shalt  }
0x6a: {  	_ =	shalt  }
0x6b: {  	_ =	shalt  }
0x6c: {  	_ =	shalt  }
0x6d: {  	_ =	shalt  }
0x6e: {  	_ =	shalt  }
0x6f: {  	_ =	shalt  }
0x70: {  	_ =	shalt  }
0x71: {  	_ =	shalt  }
0x72: {  	_ =	shalt  }
0x73: {  	_ =	shalt  }
0x74: {  	_ =	shalt  }
0x75: {  	_ =	shalt  }
0x76: {  	_ =	shalt  }
0x77: {  	_ =	shalt  }
0x78: {  	_ =	shalt  }
0x79: {  	_ =	shalt  }
0x7a: {  	_ =	shalt  }
0x7b: {  	_ =	shalt  }
0x7c: {  	_ =	shalt  }
0x7d: {  	_ =	shalt  }
0x7e: {  	_ =	shalt  }
0x7f: {  	_ =	shalt  }
0x80: {  	_ =	shalt  }
0x81: {  	_ =	shalt  }
0x82: {  	_ =	shalt  }
0x83: {  	_ =	shalt  }
0x84: {  	_ =	shalt  }
0x85: {  	_ =	shalt  }
0x86: {  	_ =	shalt  }
0x87: {  	_ =	shalt  }
.Lfunc_end0:
.L_simem_size_0:
called_computation.1_lowered:
.L_overlay_start_0:
0x88: {  	s2 =	sld [smem:$0x3FD9]  }
0x89: {  	s3 =	sld [smem:$0x3FFE];
	_ =	sdelay $0x1  }
0x8a: {  	s1 =	srdreg.scid  }
0x8b: {  	s0 =	sand.u32 $0x1, s1  }
0x8c: {  	s17 =	sshll.u32 s0, $0xA;
	s2 =	sadd.s32 s3, s2  }
0x8d: {  	s2 =	sadd.s32 s2, s17  }
0x8e: {  	[smem:$0x3FBF] =	sst s2  }
0x8f: {  	_ = 	snop  }
0x90: {  	(tm) =	ssettm $0x1  }
0x91: {  	s18 =	sld [smem:$0x3FFB];
	_ =	sdelay $0x3  }
0x92: {  	_ =	strace s18  }
0x93: {  	s2 =	sld [smem:$0x3FFC];
	_ =	sdelay $0x3  }
0x94: {  	_ =	strace s2  }
0x95: {  	s2 =	sld [smem:$0x3FFD];
	_ =	sdelay $0x3  }
0x96: {  	_ =	strace s2  }
0x97: {  	_ =	strace $0x8FFFFFFF  }
0x98: {  	s19 =	sld [smem:$0x3FDB];
	_ =	sdelay $0x1  }
0x99: {  	s20 =	simm.s32 $_scs_section_size  }
0x9a: {  	s4 =	simm.s32 $_size__tile_overlayer_lowered;
	s5 =	simm.s32 $_tile_overlayer_lowered  }
0x9b: {  	s6 =	simm.s32 $0x1BFF;
	s21 =	sshll.u32 s5, $0x1;
	s3 =	sadd.s32 s20, s19  }
0x9c: {  	s22 =	simm.s32 $0x0;
	s4 =	sshll.u32 s4, $0x1;
	s5 =	sadd.s32 s21, s3  }
0x9d: {  	[timem:s22], [sflag:s6] =	dma.local [hbm:s5], s4  }
0x9e: {  	_ =	swait.ge [sflag:s6], s4  }
0x9f: {  	s4 =	ssub.s32 $0x0, s4;
	[sflag:s6] =	ssyncset.done $0x0  }
0xa0: {  	[sflag:s6] =	ssyncadd.s32 s4;
	_ =	sdelay $0x1  }
0xa1: {  	s23 =	simm.s32 $0x1B8B  }
0xa2: {  	_ =	swait.ge [sflag:s23], $0x1  }
0xa3: {  	[sflag:s23] =	ssyncset.done $0x0  }
0xa4: {  	[sflag:s23] =	ssyncadd.s32 $0xFFFFFFFF  }
0xa5: {  	s4 =	sld [smem:$0x0]  }
0xa6: {  	s5 =	sand.u32 $0xFFFFFFFE, s1  }
0xa7: {  	p0 =	sne.s32 s1, s5  }
0xa8: {  	s5 =	sshll.u32 @p0 s5, $0xE  }
0xa9: {  	s5 =	sadd.s32 @p0 $0x11B8D, s5;
	s6 =	sshll.u32 @p0 s4, $0x11  }
0xaa: {  	s5 =	sor.u32 @p0 s6, s5  }
0xab: {  	[sflag:s5] =	ssyncadd.remote.s32 @p0 $0x1;
	_ =	sdelay $0x1  }
0xac: {  	s5 =	simm.s32 @p0 $0x1B8D  }
0xad: {  	_ =	swait.eq @p0 [sflag:s5], $0x1  }
0xae: {  	[sflag:s5] =	ssyncadd.s32 @p0 $0xFFFFFFFF  }
0xaf: {  	s6 =	sshll.u32 @!p0 s1, $0xE  }
0xb0: {  	s6 =	sor.u32 @!p0 $0x4000, s6;
	s5 =	simm.s32 @!p0 $0x1B8D  }
0xb1: {  	s7 =	sshll.u32 @!p0 s4, $0x11;
	s6 =	sadd.s32 @!p0 $0x11B8D, s6;
	_ =	swait.eq @!p0 [sflag:s5], $0x1  }
0xb2: {  	[sflag:s5] =	ssyncadd.s32 @!p0 $0xFFFFFFFF;
	s5 =	sor.u32 @!p0 s7, s6  }
0xb3: {  	s25 =	simm.s32 $0x1B8E;
	s24 =	sld [smem:$0x3FFE];
	[sflag:s5] =	ssyncadd.remote.s32 @!p0 $0x1  }
0xb4: {  	s26 =	simm.s32 $execute0_lowered;
	[smem:$0x3FD2] =	sst s25  }
0xb5: {  	s6 =	sshll.u32 s26, $0x1;
	_ =	strace $0x8000004C;
	[dreg:$0x1] =	wrdreg $0xFFFFFFFF  }
0xb6: {  	s28 =	simm.s32 $_size_execute0_lowered;
	s3 =	sadd.s32 s3, s6;
	[dreg:$0x0] =	wrdreg $0x0  }
0xb7: {  	s6 =	sshll.u32 s28, $0x1;
	[dreg:$0x2] =	wrdreg s3  }
0xb8: {  	[dreg:$0x3] =	wrdreg s6  }
0xb9: {  	[dreg:$0x4] =	wrdreg $0xC0  }
0xba: {  	_ =	task [dreg:s22], $0x5FFFF  }
0xbb: {  	[dreg:$0x1] =	wrdreg $0xFFFFFFFF  }
0xbc: {  	[dreg:$0x0] =	wrdreg $0x60  }
0xbd: {  	[dreg:$0x2] =	wrdreg s24  }
0xbe: {  	[dreg:$0x3] =	wrdreg s1  }
0xbf: {  	[dreg:$0x4] =	wrdreg s4  }
0xc0: {  	[dreg:$0x5] =	wrdreg $0x9  }
0xc1: {  	_ =	task.clear_ibuf [dreg:s22], $0x6FFFF;
	_ =	strace $0x9000004C  }
0xc2: {  	s29 =	simm.s32 $0x9;
	_ =	strace $0x8000004E  }
0xc3: {  	_ =	swait.ge [sflag:s29], $0x1  }
0xc4: {  	[sflag:s29] =	ssyncadd.s32 $0xFFFFFFFF  }
0xc5: {  	_ =	strace $0x9000004E  }
0xc6: {  	_ =	sfence  }
0xc7: {  	s30 =	sld [smem:$0x0];
	_ =	sdelay $0x2  }
0xc8: {  	s31 =	sshll.u32 s1, $0xD;
	s1 =	sshrl.u32 s1, $0x2  }
0xc9: {  	s4 =	sand.u32 $0x4000, s31;
	s1 =	sadd.s32 s1, s30  }
0xca: {  	s0 =	sor.u32 s4, s0;
	s1 =	sshll.u32 s1, $0x11  }
0xcb: {  	s0 =	sor.u32 s1, s0  }
0xcc: {  	s0 =	sadd.s32 $0x8F2B, s0  }
0xcd: {  	[sflag:s0] =	ssyncadd.remote.s32 $0x1  }
0xce: {  	_ =	sfence.sel $0xFFFF  }
0xcf: {  	[dreg:$0x0] =	wrdreg $0xFFFFFFFF;
	(pc) =	sbr.abs _section_cstart, $3  }
0xd0: {  	[dreg:$0x1] =	wrdreg $0xFFFFFFFF  }
0xd1: {  	_ =	task.clear_ibuf [dreg:s22], $0x2FFFF;
	_ =	strace $0x9FFFFFFF  }
0xd2: {  	(tm) =	ssettm $0x7FFFFFFF  }
0xd3: {  	_ =	shalt  }
tec
execute0_lowered:
.L_overlay_start_1:
0x0: {  	(tag) =	ssettag $0x1  }
0x1: {  	s2 =	rddreg [dreg:$0x0]  }
0x2: {  	s3 =	rddreg [dreg:$0x1];
	_ =	strace $0x8000004D;
	s0 =	simm.s32 $0x1  }
0x3: {  	s4 =	simm.s32 $0x408;
	v0 =	vimm.s32 $0x0;
	[sflag:s0] =	ssyncpa.u1 $0x0  }
0x4: {  	[tilespmem:s4+$0x70] =	vst v0  }
0x5: {  	[tilespmem:s4+$0x60] =	vst v0  }
0x6: {  	[tilespmem:s4+$0x50] =	vst v0  }
0x7: {  	[tilespmem:s4+$0x40] =	vst v0  }
0x8: {  	[tilespmem:s4+$0x30] =	vst v0  }
0x9: {  	s1 =	sadd.s32 $0xA97A00, s2;
	s0 =	sadd.s32 $0x2D000, s2;
	s6 =	sadd.s32 $0xD3400, s2;
	[tilespmem:s4+$0x20] =	vst v0  }
0xa: {  	s2 =	sadd.s32 $0x32000, s2;
	s7 =	sand.u32 $0x1, s3;
	s3 =	simm.s32 $0x40;
	[tilespmem:s4+$0x10] =	vst v0  }
.LBB2_1:
0xb: {  	s3 =	sadd.s32 $0x40, s3;
	[tilespmem:s4+$0x0] =	vst v0;
	s4 =	sadd.s32 $0x80, s4  }
0xc: {  	p0 =	slt.u32 s3, $0x3100;
	[tilespmem:s4+$0x70] =	vst v0  }
0xd: {  	[tilespmem:s4+$0x60] =	vst v0  }
.Ltmp0:
0xe: {  	[tilespmem:s4+$0x50] =	vst v0;
	(pc) =	sbr.rel @p0 .LBB2_1-.Ltmp0, $4  }
0xf: {  	[tilespmem:s4+$0x40] =	vst v0  }
0x10: {  	[tilespmem:s4+$0x30] =	vst v0  }
0x11: {  	[tilespmem:s4+$0x20] =	vst v0  }
0x12: {  	[tilespmem:s4+$0x10] =	vst v0  }
0x13: {  	s10 =	stileid.u32  }
0x14: {  	s3 =	smul.u32 $0x68, s10  }
0x15: {  	s5 =	smin.u32 s10, $0x3  }
0x16: {  	s3 =	sor.u32 s5, s3  }
0x17: {  	p0 =	slt.u32 s10, $0x3;
	s11 =	smul.u32 $0x30, s3;
	s3 =	simm.s32 $0x13B0  }
0x18: {  	s3 =	simm.s32 @!p0 $0x1380  }
0x19: {  	s3 =	sadd.s32 s3, s11  }
0x1a: {  	s8 =	smin.u32 s3, $0x13880  }
0x1b: {  	s26 =	simm.s32 $0x2;
	s9 =	simm.s32 $0x9;
	s3 =	ssub.s32 s8, s11  }
0x1c: {  	s29 =	simm.s32 $0xA;
	s30 =	simm.s32 $0xB;
	p0 =	sgt.s32 s3, $0x0  }
0x1d: {  	[dreg:$0x4] =	wrdreg s7;
	s31 =	smul.u32 $0x2710, s7;
	s3 =	simm.s32 @!p0 $0x0  }
0x1e: {  	s12 =	simm.s32 $0x1;
	s24 =	simm.s32 $0x0;
	s25 =	smulhi.u32 $0x2AAAAAAB, s3  }
0x1f: {  	p1 =	por $0x0, $0x0;
	s18 =	simm.s32 $0x80;
	s19 =	simm.s32 $0x400  }
0x20: {  	s20 =	simm.s32 $0xC;
	s21 =	simm.s32 $0x0;
	s28 =	sshrl.u32 s25, $0x3  }
0x21: {  	[tilespmem:s4+$0x0] =	vst v0;
	v0 =	vimm.s32 $0xFFFFFFFF;
	s23 =	simm.s32 $0x0;
	[sflag:s26] =	ssyncpa.u1 $0x0;
	s5 =	smul.u32 $0x30, s28  }
0x22: {  	s16 =	sshll.u32 s10, $0xA;
	[tilespmem:$0xC808] =	vst v0;
	[sflag:s9] =	ssyncpa.u1 $0x0;
	s14 =	sadd.s32 s31, s2  }
.Ltmp1:
0x23: {  	p0 =	sne.s32 s3, s5;
	s3 =	simm.s32 $0x1;
	(pc) =	sbr.rel .LBB2_3-.Ltmp1, $4  }
0x24: {  	s15 =	sadd.s32 s31, s0;
	[dreg:$0x6] =	wrdreg s14;
	s3 =	simm.s32 @!p0 $0x0  }
0x25: {  	[sflag:s29] =	ssyncpa.u1 $0x0;
	[dreg:$0x7] =	wrdreg s15;
	s13 =	sadd.s32 s3, s28  }
0x26: {  	[sflag:s30] =	ssyncpa.u1 $0x0;
	s17 =	sadd.s32 $0x1, s13;
	[dreg:$0x5] =	wrdreg s13  }
0x27: {  	v0 =	vlaneseq.u32;
	s22 =	smov.u32 s11;
	p0 =	por $0x1, $0x1;
	[dreg:$0x8] =	wrdreg s17  }
.LBB2_30:
0x28: {  	s0 =	sshrl.u32 s0, $0x2  }
.LBB2_32:
0x29: {  	_ =	swait.ge [sflag:s20], s0  }
0x2a: {  	s30 =	ssub.s32 $0x0, s0;
	v1 =	vmov s26;
	vm0 =	veq.s32 v0, $0x0;
	[sflag:s20] =	ssyncset.done $0x0  }
0x2b: {  	vm15 =	veq.s32 v0, $0x2;
	v1 =	vsel vm0, s31, v1;
	[sflag:s20] =	ssyncadd.s32 s30  }
0x2c: {  	v1 =	vsel vm15, s24, v1;
	[sflag:s20] =	ssyncpa.u1 $0x1  }
0x2d: {  	[tilespmem:$0xC808] =	vst v1  }
.LBB2_33:
0x2e: {  	s0 =	sadd.s32 $0x30, s22  }
0x2f: {  	s2 =	smov.u32 s11;
	p2 =	slt.s32 s0, s8  }
0x30: {  	s2 =	smov.u32 @p2 s0;
	p2 =	sne.s32 s23, s17  }
.Ltmp2:
0x31: {  	_ = 	snop;
	(pc) =	sbr.rel @!p2 .LBB2_34-.Ltmp2, $4  }
0x32: {  	_ = 	snop  }
0x33: {  	s24 =	smov.u32 s21  }
0x34: {  	s31 =	sadd.s32 $0x1, s23;
	s21 =	smov.u32 s22;
	p0 =	por !p0, !p0  }
0x35: {  	p1 =	por !p1, !p1;
	s23 =	smov.u32 s31;
	s22 =	smov.u32 s2  }
.LBB2_3:
0x36: {  	p2 =	sge.u32 s23, s13  }
0x37: {  	s0 =	smulhi.u32 @!p2 $0xAAAAAAAB, s23  }
0x38: {  	s2 =	smov.u32 s22;
	p3 =	sgt.s32 @!p2 s22, $0x13850  }
0x39: {  	s3 =	sshra.s32 @!p2 s22, $0x1F;
	p3 =	por !p3, p2;
	s0 =	sshrl.u32 @!p2 s0, $0x1  }
0x3a: {  	s3 =	sand.u32 @!p2 s3, s22;
	s2 =	simm.s32 @p3 $0x13850;
	s0 =	smul.u32 @!p2 $0x3, s0  }
0x3b: {  	s2 =	ssub.s32 @!p2 s2, s3  }
0x3c: {  	s2 =	sadd.s32 @!p2 $0xFFFEC7B0, s2;
	s0 =	ssub.s32 @!p2 s23, s0  }
0x3d: {  	s3 =	sshll.u32 @!p2 s2, $0x2;
	p3 =	sgt.s32 @!p2 s2, $0x2F;
	s0 =	smul.u32 @!p2 $0xC0, s0  }
0x3e: {  	s4 =	sand.u32 @!p2 $0x7, s22;
	s2 =	ssub.s32 @!p2 $0xC0, s3;
	p3 =	por !p3, p2  }
0x3f: {  	s3 =	sshrl.u32 @!p2 s22, $0x3;
	s2 =	sshrl.u32 @!p2 s2, $0x2;
	s0 =	sshrl.u32 @!p2 s0, $0x2  }
0x40: {  	s3 =	sadd.s32 @!p2 s3, s14;
	s2 =	simm.s32 @!p3 $0x0;
	s0 =	sadd.s32 @!p2 $0x10848, s0  }
0x41: {  	[tilespmem:s0], [sflag:$0xA] =	stream.linear.gather @!p2 [hbm4b:s3+s4], s2, $0x38;
	[tilespmem:$0x1C938] =	vst v63  }
0x42: {  	s2 =	sadd.s32 $0xFFFFFFFF, s23  }
0x43: {  	p2 =	sge.u32 s2, s13  }
0x44: {  	p3 =	sgt.s32 @!p2 s21, $0x13850  }
0x45: {  	s0 =	smov.u32 s21;
	s3 =	sshra.s32 @!p2 s21, $0x1F;
	p3 =	por !p3, p2  }
0x46: {  	s3 =	sand.u32 @!p2 s3, s21;
	s0 =	simm.s32 @p3 $0x13850  }
0x47: {  	s0 =	ssub.s32 @!p2 s0, s3  }
0x48: {  	s0 =	sadd.s32 @!p2 $0xFFFEC7B0, s0  }
0x49: {  	s3 =	sshll.u32 @!p2 s0, $0x2  }
0x4a: {  	p3 =	sgt.s32 @!p2 s0, $0x2F;
	s0 =	ssub.s32 @!p2 $0xC0, s3  }
0x4b: {  	p3 =	por !p3, p2;
	s0 =	sshrl.u32 @!p2 s0, $0x2  }
0x4c: {  	s4 =	simm.s32 @!p2 $0xA;
	s3 =	sand.u32 @!p2 $0x1, s2;
	s0 =	simm.s32 @!p3 $0x0  }
0x4d: {  	s3 =	smul.u32 @!p2 $0xC0, s3;
	_ =	swait.ge @!p2 [sflag:s4], s0  }
0x4e: {  	s5 =	ssub.s32 @!p2 $0x0, s0;
	[sflag:s4] =	ssyncset.done @!p2 $0x0  }
0x4f: {  	s3 =	sshrl.u32 @!p2 s3, $0x2;
	[sflag:s4] =	ssyncadd.s32 @!p2 s5;
	s4 =	sshrl.u32 @!p2 s21, $0x3  }
0x50: {  	s3 =	sadd.s32 @!p2 $0x108D8, s3;
	s5 =	sand.u32 @!p2 $0x7, s21;
	s4 =	sadd.s32 @!p2 s4, s15  }
0x51: {  	[tilespmem:s3], [sflag:$0xB] =	stream.linear.gather @!p2 [hbm4b:s4+s5], s0, $0x38;
	[tilespmem:$0x1C938] =	vst v63  }
0x52: {  	s0 =	ssub.s32 @!p2 $0x13880, s21  }
0x53: {  	p3 =	slt.s32 @!p2 s0, $0x1  }
0x54: {  	p3 =	por p2, p3  }
.Ltmp3:
0x55: {  	_ = 	snop;
	(pc) =	sbr.rel @p3 .LBB2_9-.Ltmp3, $1  }
0x56: {  	_ =	sdelay $0x3  }
0x57: {  	s3 =	smulhi.u32 $0xAAAAAAAB, s2;
	_ =	sdelay $0x1  }
0x58: {  	s3 =	sshrl.u32 s3, $0x1  }
0x59: {  	s3 =	smul.u32 $0x3, s3;
	_ =	sdelay $0x1  }
0x5a: {  	s29 =	ssub.s32 s2, s3  }
0x5b: {  	s4 =	simm.s32 $0x1;
	s2 =	smul.u32 $0xC0, s29  }
.Ltmp4:
0x5c: {  	s4 =	simm.s32 @!p0 $0x0;
	(pc) =	sbr.rel .LBB2_6-.Ltmp4, $4  }
0x5d: {  	s30 =	smul.u32 $0x18000, s4  }
0x5e: {  	p3 =	slt.s32 @!p2 s0, $0x30;
	s2 =	sshrl.u32 s2, $0x2  }
0x5f: {  	p2 =	por !p3, p2;
	s3 =	sshrl.u32 s30, $0x2;
	s31 =	sadd.s32 $0x10848, s2  }
0x60: {  	s0 =	simm.s32 @p2 $0x30;
	s2 =	sor.u32 $0x10938, s3;
	s3 =	simm.s32 $0x0;
	v1 =	vmov s31  }
.LBB2_5:
0x61: {  	p2 =	sge.s32 s3, s0  }
.Ltmp5:
0x62: {  	_ = 	snop;
	(pc) =	sbr.rel @p2 .LBB2_9-.Ltmp5, $2  }
0x63: {  	_ =	sdelay $0x2  }
0x64: {  	s2 =	sadd.s32 $0x2000, s2  }
.LBB2_6:
0x65: {  	p2 =	sle.s32 s0, s3  }
.Ltmp6:
0x66: {  	_ = 	snop;
	(pc) =	sbr.rel @p2 .LBB2_5-.Ltmp6, $2  }
0x67: {  	_ =	sdelay $0x2  }
0x68: {  	s4 =	smov.u32 s3;
	s3 =	sadd.s32 $0x10, s3  }
0x69: {  	s5 =	ssub.s32 s0, s4  }
0x6a: {  	p2 =	slt.s32 s5, $0x10  }
0x6b: {  	s5 =	simm.s32 @!p2 $0x10  }
0x6c: {  	v2 =	vmov s5  }
0x6d: {  	vm0 =	vgt.s32 v2, v0;
	_ =	sdelay $0x5  }
0x6e: {  	v2 =	vld.idx.msk [tilespmem:v1+s4+$0x0 ss:$0x1], vm0;
	_ =	sdelay $0x2  }
0x6f: {  	p2 =	slt.s32 s3, s0;
	s5 =	smov.u32 s0  }
0x70: {  	s9 =	smov.u32 s2;
	s25 =	simm.s32 $0x0;
	s5 =	smov.u32 @p2 s3  }
.LBB2_8:
0x71: {  	(v2sf) =	vpush v2, s25;
	_ =	sdelay $0xe  }
0x72: {  	s25 =	sadd.s32 $0x1, s25;
	s10 =	spop (v2sf)  }
0x73: {  	s31 =	sadd.s32 s25, s4;
	s26 =	sshll.u32 s10, $0x9;
	s10 =	sshll.u32 s10, $0x7  }
0x74: {  	p2 =	slt.s32 s31, s5;
	s26 =	sand.u32 $0xFFFFF000, s26;
	s10 =	sand.u32 $0x380, s10  }
.Ltmp7:
0x75: {  	s10 =	sor.u32 s10, s26;
	(pc) =	sbr.rel @p2 .LBB2_8-.Ltmp7, $4  }
0x76: {  	s10 =	sshrl.u32 s10, $0x3  }
0x77: {  	s10 =	sadd.s32 s6, s10  }
0x78: {  	[tilespmem:s9], [sflag:$0x9] =	stream.strided.gather [hbm4b:s10+s18], $0x200, s19, s18, $0x38;
	[tilespmem:$0x1C938] =	vst v63  }
0x79: {  	s9 =	sadd.s32 $0x200, s9  }
.Ltmp8:
0x7a: {  	_ = 	snop;
	(pc) =	sbr.rel .LBB2_5-.Ltmp8, $1  }
0x7b: {  	_ =	sdelay $0x3  }
.LBB2_9:
0x7c: {  	p2 =	slt.u32 s23, $0x2  }
.Ltmp9:
0x7d: {  	_ = 	snop;
	(pc) =	sbr.rel @p2 .LBB2_33-.Ltmp9, $1  }
0x7e: {  	_ =	sdelay $0x3  }
0x7f: {  	p2 =	sgt.s32 s24, $0x13850  }
0x80: {  	s0 =	smov.u32 s24;
	s2 =	sshra.s32 s24, $0x1F;
	s3 =	ssub.s32 $0x13880, s24  }
0x81: {  	s0 =	simm.s32 @!p2 $0x13850;
	s2 =	sand.u32 s2, s24;
	p2 =	slt.s32 s3, $0x30  }
0x82: {  	s0 =	ssub.s32 s0, s2;
	s3 =	simm.s32 @!p2 $0x30  }
0x83: {  	s0 =	sadd.s32 $0xFFFEC7B0, s0;
	s25 =	sshll.u32 s3, $0x9  }
0x84: {  	s29 =	simm.s32 $0x9;
	s26 =	sshll.u32 s0, $0x2;
	s2 =	sand.u32 $0x3FFFFE00, s25  }
0x85: {  	p2 =	sgt.s32 s0, $0x2F;
	s28 =	ssub.s32 $0xC0, s26;
	_ =	swait.ge [sflag:s29], s2  }
0x86: {  	s2 =	ssub.s32 $0x0, s2;
	[sflag:s29] =	ssyncset.done $0x0;
	s0 =	sshrl.u32 s28, $0x2  }
0x87: {  	s30 =	simm.s32 $0xB;
	[sflag:s29] =	ssyncadd.s32 s2;
	s0 =	simm.s32 @p2 $0x0  }
0x88: {  	_ =	swait.ge [sflag:s30], s0  }
0x89: {  	s0 =	ssub.s32 $0x0, s0;
	[sflag:s30] =	ssyncset.done $0x0  }
0x8a: {  	[sflag:s30] =	ssyncadd.s32 s0  }
0x8b: {  	v1 =	vld [tilespmem:$0xC808];
	_ =	sdelay $0x4  }
0x8c: {  	(v2sf) =	vpush v1, $0x0  }
0x8d: {  	(v2sf) =	vpush v1, $0x1  }
0x8e: {  	(v2sf) =	vpush v1, $0x2;
	_ =	sdelay $0x3  }
0x8f: {  	s2 =	sadd.s32 $0x30, s24  }
0x90: {  	s3 =	ssub.s32 $0x27100, s24;
	p2 =	slt.s32 s8, s2  }
0x91: {  	s2 =	smov.u32 @p2 s8;
	p2 =	sgt.s32 s3, $0x0  }
0x92: {  	s25 =	ssub.s32 s2, s24;
	s3 =	simm.s32 @!p2 $0x0  }
0x93: {  	p2 =	slt.s32 s3, s25  }
0x94: {  	s25 =	smov.u32 @p2 s3  }
0x95: {  	s0 =	simm.s32 $0x1;
	p2 =	slt.s32 s25, $0x1  }
.Ltmp10:
0x96: {  	s0 =	simm.s32 @!p1 $0x0;
	(pc) =	sbr.rel @p2 .LBB2_14-.Ltmp10, $4  }
0x97: {  	s4 =	smul.u32 $0xC0, s0  }
0x98: {  	s2 =	spop (v2sf)  }
0x99: {  	s31 =	sshrl.u32 s4, $0x2;
	s5 =	spop (v2sf)  }
0x9a: {  	s4 =	sadd.s32 $0x108D8, s31;
	s24 =	spop (v2sf)  }
0x9b: {  	s3 =	smin.u32 s25, $0x10  }
0x9c: {  	v1 =	vmov s3  }
0x9d: {  	vm1 =	vgt.u32 v1, v0  }
0x9e: {  	p3 =	sgt.s32 s25, $0x10  }
.Ltmp11:
0x9f: {  	_ = 	snop;
	(pc) =	sbr.rel @!p3 .LBB2_13-.Ltmp11, $2  }
0xa0: {  	_ =	sdelay $0x2  }
0xa1: {  	s9 =	simm.s32 $0x10;
	s26 =	sadd.s32 $0xFFFFFFF0, s25;
	s3 =	smov.u32 s4;
	vm0 =	vmmov vm1;
	v1 =	vld.msk [tilespmem:s4+$0x0 ss:$0x1], vm1  }
.LBB2_12:
0xa2: {  	s10 =	smin.u32 s26, $0x10;
	s9 =	sadd.s32 $0x10, s9  }
0xa3: {  	v2 =	vmov s10;
	p3 =	slt.s32 s9, s25  }
0xa4: {  	vm1 =	vgt.u32 v2, v0;
	_ =	sdelay $0x1  }
0xa5: {  	v2 =	vshll.u32 v1, $0x6;
	v1 =	vshll.u32 v1, $0x4  }
.Ltmp12:
0xa6: {  	v2 =	vand.u32 $0xFFFFFE00, v2;
	v1 =	vand.u32 $0x70, v1;
	(pc) =	sbr.rel @p3 .LBB2_12-.Ltmp12, $4  }
0xa7: {  	v1 =	vor.u32 v1, v2  }
0xa8: {  	[tilespmem:s3+$0x0] =	vst.msk vm0, v1;
	s3 =	sadd.s32 $0x10, s3;
	vm0 =	vmmov vm1  }
0xa9: {  	v1 =	vld.msk [tilespmem:s3+$0x0 ss:$0x1], vm1  }
0xaa: {  	s26 =	sadd.s32 $0xFFFFFFF0, s26  }
.LBB2_13:
0xab: {  	_ =	sdelay $0x3  }
0xac: {  	v2 =	vshll.u32 v1, $0x6;
	v1 =	vshll.u32 v1, $0x4  }
0xad: {  	v2 =	vand.u32 $0xFFFFFE00, v2;
	v1 =	vand.u32 $0x70, v1  }
0xae: {  	v1 =	vor.u32 v1, v2  }
0xaf: {  	[tilespmem:s3+$0x0] =	vst.msk vm0, v1  }
.LBB2_14:
0xb0: {  	s3 =	sand.u32 $0x1, s23  }
0xb1: {  	s3 =	smul.u32 $0x30, s3  }
0xb2: {  	p3 =	sne.s32 s5, $0xFFFFFFFF  }
0xb3: {  	v1 =	vld.msk @!p3 [tilespmem:s3+$0x108D8], $0x1;
	_ =	sdelay $0x4  }
0xb4: {  	(v2sf) =	vpush @!p3 v1, $0x0;
	_ =	sdelay $0xc  }
.Ltmp13:
0xb5: {  	_ = 	snop;
	(pc) =	sbr.rel @p2 .LBB2_31-.Ltmp13, $4  }
0xb6: {  	_ = 	snop  }
0xb7: {  	s30 =	spop @!p3 (v2sf)  }
0xb8: {  	s24 =	simm.s32 @!p3 $0x0;
	s26 =	smov.u32 s30  }
0xb9: {  	[sflag:s20] =	ssyncpa.u1 $0x0;
	s30 =	smov.u32 @p3 s2;
	s26 =	smov.u32 @p3 s5  }
0xba: {  	v1 =	vld.msk [tilespmem:s4+$0x0], $0x1;
	_ =	sdelay $0x4  }
0xbb: {  	(v2sf) =	vpush v1, $0x0;
	_ =	sdelay $0xd  }
0xbc: {  	s0 =	smul.u32 $0x18000, s0  }
0xbd: {  	s13 =	smov.u32 s8;
	s8 =	smov.u32 s11;
	s5 =	spop (v2sf)  }
0xbe: {  	s2 =	ssub.s32 $0x0, s25;
	s0 =	sshrl.u32 s0, $0x2;
	p2 =	seq.s32 s30, s5  }
0xbf: {  	s29 =	simm.s32 $0x0;
	s28 =	sor.u32 $0x10938, s0;
	p3 =	sgt.s32 @!p2 s30, $0x0  }
0xc0: {  	s0 =	sadd.s32 $0x108D8, s3;
	s3 =	smov.u32 s30;
	p3 =	por !p3, p2  }
0xc1: {  	s4 =	sadd.s32 $0x1, s4;
	s31 =	sadd.s32 $0x1, s2;
	s3 =	simm.s32 @p3 $0x0  }
0xc2: {  	s2 =	simm.s32 @!p2 $0x1;
	s9 =	simm.s32 @!p2 $0x6608;
	s10 =	smin.u32 @!p2 s3, $0x9C270  }
0xc3: {  	p3 =	seq.s32 s31, $0x0;
	s3 =	sand.u32 @!p2 $0xFFFF8, s10;
	s11 =	sadd.s32 @!p2 $0x80, s10  }
0xc4: {  	s14 =	sadd.s32 @!p2 $0x100, s10;
	s15 =	sadd.s32 @!p2 s1, s3;
	s3 =	sand.u32 @!p2 $0x7, s10  }
0xc5: {  	s11 =	sand.u32 @!p2 $0x1FFFF8, s11;
	s14 =	sand.u32 @!p2 $0x1FFFF8, s14;
	s10 =	sadd.s32 @!p2 $0x180, s10  }
0xc6: {  	[tilespmem:s9], [sflag:$0x2] =	stream.linear.gather @!p2 [hbm4b:s15+s3], $0x80, $0x38;
	[tilespmem:$0x1C938] =	vst v63  }
.Ltmp14:
0xc7: {  	s9 =	simm.s32 @!p2 $0x6688;
	s11 =	sadd.s32 @!p2 s1, s11;
	(pc) =	sbr.rel @p3 .LBB2_17-.Ltmp14, $4  }
0xc8: {  	[tilespmem:s9], [sflag:$0x2] =	stream.linear.gather @!p2 [hbm4b:s11+s3], $0x80, $0x38;
	[tilespmem:$0x1C938] =	vst v63  }
0xc9: {  	s10 =	sand.u32 @!p2 $0x1FFFF8, s10;
	s9 =	simm.s32 @!p2 $0x6708;
	s11 =	sadd.s32 @!p2 s1, s14  }
0xca: {  	[tilespmem:s9], [sflag:$0x2] =	stream.linear.gather @!p2 [hbm4b:s11+s3], $0x80, $0x38;
	[tilespmem:$0x1C938] =	vst v63  }
0xcb: {  	s2 =	smov.u32 @p2 s29;
	s10 =	sadd.s32 @!p2 s1, s10;
	s9 =	simm.s32 @!p2 $0x6788  }
.LBB2_16:
0xcc: {  	s11 =	smov.u32 s2  }
0xcd: {  	[tilespmem:s9], [sflag:$0x2] =	stream.linear.gather @!p2 [hbm4b:s10+s3], $0x80, $0x38;
	[tilespmem:$0x1C938] =	vst v63  }
0xce: {  	s31 =	sadd.s32 $0x1, s31;
	s3 =	smov.u32 s5  }
0xcf: {  	p3 =	seq.s32 s31, $0x0;
	v1 =	vld.msk [tilespmem:s4+$0x0], $0x1;
	_ =	sdelay $0x4  }
0xd0: {  	(v2sf) =	vpush v1, $0x0;
	_ =	sdelay $0xe  }
0xd1: {  	s5 =	spop (v2sf)  }
0xd2: {  	p2 =	seq.s32 s3, s5  }
0xd3: {  	p4 =	sgt.s32 @!p2 s3, $0x0  }
0xd4: {  	s9 =	sshll.u32 @!p2 s2, $0xB;
	s2 =	sadd.s32 @!p2 $0x1, s2;
	p4 =	por !p4, p2  }
0xd5: {  	s9 =	sshra.s32 @!p2 s9, $0x2;
	s2 =	smov.u32 @p2 s11;
	s3 =	simm.s32 @p4 $0x0  }
0xd6: {  	s10 =	sadd.s32 @!p2 $0x6608, s9;
	s11 =	sadd.s32 @!p2 $0x6688, s9;
	s14 =	smin.u32 @!p2 s3, $0x9C270  }
0xd7: {  	s15 =	sadd.s32 @!p2 $0x6708, s9;
	s9 =	sadd.s32 @!p2 $0x6788, s9;
	s3 =	sand.u32 @!p2 $0xFFFF8, s14  }
0xd8: {  	s17 =	sadd.s32 @!p2 $0x80, s14;
	s7 =	sadd.s32 @!p2 $0x100, s14;
	s20 =	sadd.s32 @!p2 s1, s3  }
0xd9: {  	s3 =	sand.u32 @!p2 $0x7, s14;
	s17 =	sand.u32 @!p2 $0x1FFFF8, s17;
	s7 =	sand.u32 @!p2 $0x1FFFF8, s7  }
0xda: {  	[tilespmem:s10], [sflag:$0x2] =	stream.linear.gather @!p2 [hbm4b:s20+s3], $0x80, $0x38;
	[tilespmem:$0x1C938] =	vst v63  }
.Ltmp15:
0xdb: {  	s14 =	sadd.s32 @!p2 $0x180, s14;
	s10 =	sadd.s32 @!p2 s1, s17;
	(pc) =	sbr.rel @!p3 .LBB2_16-.Ltmp15, $4  }
0xdc: {  	[tilespmem:s11], [sflag:$0x2] =	stream.linear.gather @!p2 [hbm4b:s10+s3], $0x80, $0x38;
	[tilespmem:$0x1C938] =	vst v63  }
0xdd: {  	s7 =	sadd.s32 @!p2 s1, s7;
	s10 =	sand.u32 @!p2 $0x1FFFF8, s14  }
0xde: {  	[tilespmem:s15], [sflag:$0x2] =	stream.linear.gather @!p2 [hbm4b:s7+s3], $0x80, $0x38;
	[tilespmem:$0x1C938] =	vst v63  }
0xdf: {  	s4 =	sadd.s32 $0x1, s4;
	s10 =	sadd.s32 @!p2 s1, s10  }
.LBB2_17:
0xe0: {  	[tilespmem:s9], [sflag:$0x2] =	stream.linear.gather @!p2 [hbm4b:s10+s3], $0x80, $0x38;
	[tilespmem:$0x1C938] =	vst v63  }
0xe1: {  	s2 =	sshll.u32 s2, $0x9  }
0xe2: {  	s31 =	simm.s32 $0x2;
	s2 =	sand.u32 $0x3FFFFE00, s2  }
.Ltmp16:
0xe3: {  	_ =	swait.ge [sflag:s31], s2;
	(pc) =	sbr.rel .LBB2_18-.Ltmp16, $4  }
0xe4: {  	s11 =	smov.u32 s8;
	s8 =	smov.u32 s13;
	s13 =	rddreg [dreg:$0x5]  }
0xe5: {  	v1 =	vmov s0;
	s0 =	simm.s32 $0x0;
	s4 =	simm.s32 $0x0;
	s14 =	rddreg [dreg:$0x6]  }
0xe6: {  	s2 =	ssub.s32 $0x0, s2;
	[sflag:s31] =	ssyncset.done $0x0;
	s15 =	rddreg [dreg:$0x7]  }
0xe7: {  	s20 =	simm.s32 $0xC;
	s17 =	rddreg [dreg:$0x8];
	[sflag:s31] =	ssyncadd.s32 s2  }
.LBB2_28:
0xe8: {  	[tilespmem:s2+$0x0] =	vst v2;
	s29 =	sadd.s32 $0x1, s29  }
.LBB2_29:
0xe9: {  	s4 =	sadd.s32 $0x1, s4  }
0xea: {  	p2 =	sne.s32 s4, s25  }
.Ltmp17:
0xeb: {  	_ = 	snop;
	(pc) =	sbr.rel @!p2 .LBB2_30-.Ltmp17, $2  }
0xec: {  	_ =	sdelay $0x2  }
0xed: {  	s28 =	sadd.s32 $0x200, s28;
	s30 =	smov.u32 s31  }
.LBB2_18:
0xee: {  	_ =	sdelay $0x3  }
0xef: {  	v2 =	vld.idx.msk [tilespmem:v1+s4+$0x0 ss:$0x1], $0x1;
	_ =	sdelay $0x4  }
0xf0: {  	(v2sf) =	vpush v2, $0x0;
	_ =	sdelay $0xe  }
0xf1: {  	s31 =	spop (v2sf)  }
0xf2: {  	p2 =	sne.s32 s30, s31  }
.Ltmp18:
0xf3: {  	_ = 	snop;
	(pc) =	sbr.rel @p2 .LBB2_22-.Ltmp18, $3  }
0xf4: {  	_ =	sdelay $0x1  }
0xf5: {  	s2 =	sshll.u32 s24, $0xB  }
0xf6: {  	s2 =	sshra.s32 s2, $0x2  }
0xf7: {  	s2 =	sadd.s32 $0x408, s2;
	s3 =	simm.s32 $0x0;
	v2 =	vld [tilespmem:s28+$0x0];
	s5 =	smov.u32 s28  }
.LBB2_20:
0xf8: {  	s3 =	sadd.s32 $0x10, s3  }
0xf9: {  	p2 =	slt.u32 s3, $0x1F0  }
.Ltmp19:
0xfa: {  	_ = 	snop;
	(pc) =	sbr.rel @p2 .LBB2_20-.Ltmp19, $3  }
0xfb: {  	_ =	sdelay $0x1  }
0xfc: {  	s5 =	sadd.s32 $0x10, s5;
	[tilespmem:s2+$0x0] =	vst.add.f32.msk $0xffff, v2;
	s2 =	sadd.s32 $0x10, s2  }
0xfd: {  	v2 =	vld [tilespmem:s5+$0x0]  }
.Ltmp20:
0xfe: {  	_ = 	snop;
	(pc) =	sbr.rel .LBB2_29-.Ltmp20, $2  }
0xff: {  	_ =	sdelay $0x2  }
0x100: {  	[tilespmem:s2+$0x0] =	vst.add.f32.msk $0xffff, v2  }
.LBB2_22:
0x101: {  	p2 =	seq.s32 s30, s26  }
.Ltmp21:
0x102: {  	_ = 	snop;
	(pc) =	sbr.rel @!p2 .LBB2_23-.Ltmp21, $1  }
0x103: {  	_ =	sdelay $0x3  }
.Ltmp22:
0x104: {  	s2 =	sadd.s32 $0x408, s2;
	(pc) =	sbr.rel .LBB2_26-.Ltmp22, $4  }
0x105: {  	[spmem:s16] =	stream.linear.scatter [tilespmem:s2], [sflag:$0x1], $0x200, $0x38;
	[tilespmem:$0x1C938] =	vst v63  }
0x106: {  	_ =	swait.ge [sflag:s12], $0x200  }
0x107: {  	[sflag:s12] =	ssyncset.done $0x0  }
0x108: {  	[sflag:s12] =	ssyncadd.s32 $0xFFFFFE00  }
.LBB2_23:
0x109: {  	s3 =	sshll.u32 s29, $0xB  }
0x10a: {  	s3 =	sshra.s32 s3, $0x2  }
0x10b: {  	s5 =	sadd.s32 $0x6608, s3;
	s3 =	sadd.s32 $0x408, s2  }
0x10c: {  	s10 =	simm.s32 $0x0;
	v2 =	vld [tilespmem:s5+$0x0];
	s9 =	smov.u32 s3  }
.LBB2_24:
0x10d: {  	s10 =	sadd.s32 $0x10, s10  }
0x10e: {  	p2 =	slt.u32 s10, $0x1F0  }
.Ltmp23:
0x10f: {  	_ = 	snop;
	(pc) =	sbr.rel @p2 .LBB2_24-.Ltmp23, $3  }
0x110: {  	_ =	sdelay $0x1  }
0x111: {  	s5 =	sadd.s32 $0x10, s5;
	[tilespmem:s9+$0x0] =	vst.add.f32.msk $0xffff, v2;
	s9 =	sadd.s32 $0x10, s9  }
0x112: {  	v2 =	vld [tilespmem:s5+$0x0]  }
0x113: {  	_ =	sdelay $0x1  }
0x114: {  	p2 =	sgt.u32 s30, $0x9C270  }
0x115: {  	s5 =	sand.u32 @!p2 $0xFFFF8, s30  }
0x116: {  	s7 =	sand.u32 @!p2 $0x7, s30;
	s5 =	sadd.s32 @!p2 s1, s5;
	[tilespmem:s9+$0x0] =	vst.add.f32.msk $0xffff, v2  }
0x117: {  	[hbm4b:s5+s7] =	stream.linear.scatter @!p2 [tilespmem:s3], [sflag:$0xC], $0x80, $0x38;
	[tilespmem:$0x1C938] =	vst v63  }
0x118: {  	s3 =	sadd.s32 @!p2 $0x80, s30  }
0x119: {  	s3 =	sand.u32 @!p2 $0x1FFFF8, s3  }
0x11a: {  	s5 =	sadd.s32 @!p2 $0x488, s2;
	s3 =	sadd.s32 @!p2 s1, s3  }
0x11b: {  	[hbm4b:s3+s7] =	stream.linear.scatter @!p2 [tilespmem:s5], [sflag:$0xC], $0x80, $0x38;
	[tilespmem:$0x1C938] =	vst v63  }
0x11c: {  	s3 =	sadd.s32 @!p2 $0x100, s30  }
0x11d: {  	s3 =	sand.u32 @!p2 $0x1FFFF8, s3  }
0x11e: {  	s5 =	sadd.s32 @!p2 $0x508, s2;
	s3 =	sadd.s32 @!p2 s1, s3  }
0x11f: {  	[hbm4b:s3+s7] =	stream.linear.scatter @!p2 [tilespmem:s5], [sflag:$0xC], $0x80, $0x38;
	[tilespmem:$0x1C938] =	vst v63  }
0x120: {  	s3 =	sadd.s32 @!p2 $0x180, s30;
	s5 =	simm.s32 $0x0  }
0x121: {  	s3 =	sand.u32 @!p2 $0x1FFFF8, s3;
	s5 =	simm.s32 @!p2 $0x800  }
0x122: {  	s2 =	sadd.s32 @!p2 $0x588, s2;
	s3 =	sadd.s32 @!p2 s1, s3;
	s0 =	sadd.s32 s5, s0  }
0x123: {  	[hbm4b:s3+s7] =	stream.linear.scatter @!p2 [tilespmem:s2], [sflag:$0xC], $0x80, $0x38;
	[tilespmem:$0x1C938] =	vst v63  }
.LBB2_26:
0x124: {  	s2 =	sadd.s32 $0x1, s24  }
0x125: {  	s3 =	smulhi.u32 $0xAAAAAAAB, s2;
	_ =	sdelay $0x1  }
0x126: {  	s3 =	sshrl.u32 s3, $0x5  }
0x127: {  	s3 =	smul.u32 $0x30, s3;
	_ =	sdelay $0x1  }
0x128: {  	s24 =	ssub.s32 s2, s3  }
0x129: {  	s2 =	sshll.u32 s24, $0x9  }
0x12a: {  	v2 =	vld [tilespmem:s28+$0x0];
	s5 =	smov.u32 s28;
	s3 =	simm.s32 $0x0;
	s2 =	sadd.s32 $0x408, s2  }
.LBB2_27:
0x12b: {  	s3 =	sadd.s32 $0x10, s3  }
0x12c: {  	p2 =	slt.u32 s3, $0x1F0  }
.Ltmp24:
0x12d: {  	_ = 	snop;
	(pc) =	sbr.rel @p2 .LBB2_27-.Ltmp24, $3  }
0x12e: {  	_ =	sdelay $0x1  }
0x12f: {  	[tilespmem:s2+$0x0] =	vst v2;
	s2 =	sadd.s32 $0x10, s2;
	s5 =	sadd.s32 $0x10, s5  }
0x130: {  	v2 =	vld [tilespmem:s5+$0x0]  }
.Ltmp25:
0x131: {  	_ = 	snop;
	(pc) =	sbr.rel .LBB2_28-.Ltmp25, $1  }
0x132: {  	_ =	sdelay $0x3  }
.LBB2_31:
.Ltmp26:
0x133: {  	(pc) =	sbr.rel .LBB2_32-.Ltmp26, $4  }
0x134: {  	_ = 	snop  }
0x135: {  	s0 =	simm.s32 $0x2  }
0x136: {  	_ =	swait.ge [sflag:s0], $0x0  }
0x137: {  	s31 =	smov.u32 s30;
	[sflag:s0] =	ssyncset.done $0x0;
	s0 =	simm.s32 $0x0  }
.LBB2_34:
0x138: {  	_ =	sfence.sel $0x180000  }
0x139: {  	s0 =	simm.s32 $0x9;
	[bflag:$0x0] =	sbarrier.arrive $0xFFFF  }
0x13a: {  	s24 =	simm.s32 $0xA;
	[sflag:s0] =	ssyncpa.u1 $0x1  }
0x13b: {  	s25 =	simm.s32 $0xB;
	[sflag:s24] =	ssyncpa.u1 $0x1  }
0x13c: {  	s26 =	simm.s32 $0x2;
	[sflag:s25] =	ssyncpa.u1 $0x1  }
0x13d: {  	[sflag:s26] =	ssyncpa.u1 $0x1  }
0x13e: {  	v0 =	vld [tilespmem:$0xC808];
	_ =	sdelay $0x4  }
0x13f: {  	(v2sf) =	vpush v0, $0x0  }
0x140: {  	(v2sf) =	vpush v0, $0x1;
	_ =	sdelay $0x1  }
0x141: {  	(v2sf) =	vpush v0, $0x2;
	_ =	sdelay $0xb  }
0x142: {  	s0 =	spop (v2sf)  }
0x143: {  	s2 =	spop (v2sf)  }
0x144: {  	s3 =	smov.u32 s0;
	p0 =	sne.s32 s0, s2  }
0x145: {  	s4 =	spop (v2sf);
	s3 =	simm.s32 @!p0 $0xFFFFFFFF  }
0x146: {  	v2 =	vimm.s32 $0x1;
	v3 =	vlaneseq.u32;
	p0 =	seq.s32 s4, $0xFFFFFFFF;
	v1 =	vmov s3  }
0x147: {  	s17 =	stileid.u32;
	v0 =	vperm.xlane v0, v2;
	p1 =	sne.s32 @!p0 s0, s2;
	v1 =	vperm.xlane v1, v3  }
0x148: {  	vm0 =	vcmask $0x3F04;
	s6 =	simm.s32 $0xC808;
	s0 =	simm.s32 @!p0 $0x1;
	p1 =	por !p1, p0  }
0x149: {  	s3 =	sshll.u32 s17, $0x1;
	s2 =	sshll.u32 @!p0 s4, $0xB;
	s0 =	simm.s32 @p1 $0x0;
	v0 =	vsel vm0, v1, v0  }
0x14a: {  	s5 =	sor.u32 $0x4000, s3;
	s2 =	sshra.s32 @!p0 s2, $0x2;
	s0 =	sor.u32 @!p0 s0, s3;
	[tilespmem:$0xC808] =	vst v0  }
0x14b: {  	[spmem:s5] =	stream.linear.scatter [tilespmem:s6], [sflag:$0x1], $0x2, $0x38;
	[tilespmem:$0x1C938] =	vst v63  }
0x14c: {  	s2 =	sadd.s32 @!p0 $0x408, s2;
	s0 =	sshll.u32 @!p0 s0, $0x9  }
0x14d: {  	[spmem:s0] =	stream.linear.scatter @!p0 [tilespmem:s2], [sflag:$0x1], $0x200, $0x38;
	[tilespmem:$0x1C938] =	vst v63  }
0x14e: {  	s0 =	simm.s32 @!p0 $0x202  }
0x14f: {  	s28 =	simm.s32 $0x1;
	s0 =	simm.s32 @p0 $0x2  }
0x150: {  	_ =	swait.ge [sflag:s28], s0  }
0x151: {  	s0 =	ssub.s32 $0x0, s0;
	[sflag:s28] =	ssyncset.done $0x0  }
0x152: {  	p0 =	sne.s32 s17, $0x0;
	[sflag:s28] =	ssyncadd.s32 s0  }
.Ltmp27:
0x153: {  	_ =	sfence.stream.spmem;
	(pc) =	sbr.rel @p0 .LBB2_59-.Ltmp27, $4  }
0x154: {  	s29 =	simm.s32 $0x3;
	[bflag:$0x0] =	sbarrier.arrive $0xFFFF  }
0x155: {  	s30 =	simm.s32 $0x4;
	[sflag:s29] =	ssyncpa.u1 $0x1  }
0x156: {  	s31 =	simm.s32 $0x3C;
	[sflag:s30] =	ssyncpa.u1 $0x1  }
0x157: {  	s16 =	rddreg [dreg:$0x4];
	[sflag:s31] =	ssyncpa.u1 $0x1  }
0x158: {  	_ =	sfence.stream.spmem;
	s0 =	simm.s32 $0x5  }
0x159: {  	s2 =	simm.s32 $0x4000;
	s3 =	simm.s32 $0xC818;
	[sflag:s0] =	ssyncpa.u1 $0x0  }
0x15a: {  	[tilespmem:s3], [sflag:$0x5] =	stream.linear.gather [spmem:s2], $0x20, $0x38;
	[tilespmem:$0x1C938] =	vst v63  }
0x15b: {  	s26 =	simm.s32 $0x0;
	s28 =	simm.s32 $0xC838  }
0x15c: {  	[tilespmem:s28], [sflag:$0x5] =	stream.linear.gather [spmem:s26], $0x4000, $0x38;
	[tilespmem:$0x1C938] =	vst v63  }
0x15d: {  	_ =	swait.ge [sflag:s0], $0x4020  }
0x15e: {  	[sflag:s0] =	ssyncset.done $0x0  }
0x15f: {  	s29 =	simm.s32 $0x0;
	[sflag:s0] =	ssyncadd.s32 $0xFFFFBFE0  }
0x160: {  	v0 =	vld.msk [tilespmem:s29+$0xC818], $0x1;
	_ =	sdelay $0x1  }
0x161: {  	s30 =	simm.s32 $0x1  }
0x162: {  	v1 =	vld.msk [tilespmem:s30+$0xC818], $0x1;
	_ =	sdelay $0x1  }
0x163: {  	(v2sf) =	vpush v0, $0x0;
	_ =	sdelay $0x2  }
0x164: {  	(v2sf) =	vpush v1, $0x0;
	_ =	sdelay $0x2  }
0x165: {  	s31 =	simm.s32 $0x2  }
0x166: {  	v0 =	vld.msk [tilespmem:s31+$0xC818], $0x1;
	_ =	sdelay $0x2  }
0x167: {  	s2 =	simm.s32 $0xFFFFFFFF;
	s3 =	simm.s32 $0xFFFFFFFF;
	s0 =	simm.s32 $0xC  }
.LBB2_36:
0x168: {  	s4 =	smov.u32 s3;
	s5 =	smov.u32 s2  }
0x169: {  	s2 =	sshra.s32 s0, $0x2;
	p1 =	sne.s32 s0, $0x7C;
	s0 =	sadd.s32 $0x4, s0;
	(v2sf) =	vpush v0, $0x0  }
0x16a: {  	v0 =	vld.msk [tilespmem:s2+$0xC818], $0x1  }
.Ltmp28:
0x16b: {  	(pc) =	sbr.rel @p1 .LBB2_36-.Ltmp28, $4  }
0x16c: {  	s3 =	spop (v2sf)  }
0x16d: {  	p2 =	sne.s32 s5, $0xFFFFFFFF;
	s2 =	smov.u32 s3  }
0x16e: {  	p3 =	seq.s32 s3, $0xFFFFFFFF;
	s2 =	smov.u32 @p2 s5  }
0x16f: {  	s3 =	smov.u32 @p3 s4;
	s2 =	smov.u32 @p3 s5  }
0x170: {  	(v2sf) =	vpush v0, $0x0;
	_ =	sdelay $0x8  }
0x171: {  	s0 =	spop (v2sf);
	p1 =	sne.s32 s2, $0xFFFFFFFF;
	s9 =	simm.s32 $0x6  }
0x172: {  	s6 =	simm.s32 $0x0;
	s10 =	simm.s32 $0xC838;
	s4 =	smov.u32 s0  }
0x173: {  	s11 =	simm.s32 $0xC688;
	p2 =	seq.s32 s0, $0xFFFFFFFF;
	s4 =	smov.u32 @p1 s2  }
0x174: {  	s12 =	simm.s32 $0xC708;
	s4 =	smov.u32 @p2 s2;
	s2 =	spop (v2sf)  }
0x175: {  	s0 =	smov.u32 @p2 s3;
	p1 =	sne.s32 s4, $0xFFFFFFFF;
	s5 =	smov.u32 s2  }
.Ltmp29:
0x176: {  	p2 =	seq.s32 s2, $0xFFFFFFFF;
	s5 =	smov.u32 @p1 s4;
	(pc) =	sbr.rel .LBB2_38-.Ltmp29, $4  }
0x177: {  	s13 =	simm.s32 $0xC788;
	s5 =	smov.u32 @p2 s4;
	s7 =	spop (v2sf)  }
0x178: {  	s14 =	simm.s32 $0x0;
	p1 =	sne.s32 s5, $0xFFFFFFFF;
	s8 =	smov.u32 s7  }
0x179: {  	s2 =	smov.u32 @p2 s0;
	p2 =	seq.s32 s7, $0xFFFFFFFF;
	s8 =	smov.u32 @p1 s5  }
0x17a: {  	[sflag:s9] =	ssyncpa.u1 $0x0;
	s7 =	smov.u32 @p2 s2;
	s8 =	smov.u32 @p2 s5  }
.LBB2_53:
0x17b: {  	s14 =	sadd.s32 $0x1, s14  }
0x17c: {  	p1 =	sne.s32 s14, $0x20  }
.Ltmp30:
0x17d: {  	_ = 	snop;
	(pc) =	sbr.rel @!p1 .LBB2_54-.Ltmp30, $2  }
0x17e: {  	_ =	sdelay $0x2  }
0x17f: {  	s10 =	sadd.s32 $0x200, s10  }
.LBB2_38:
0x180: {  	v0 =	vld.msk [tilespmem:s14+$0xC818], $0x1;
	_ =	sdelay $0x4  }
0x181: {  	(v2sf) =	vpush v0, $0x0;
	_ =	sdelay $0xe  }
0x182: {  	s0 =	spop (v2sf)  }
0x183: {  	p1 =	seq.s32 s0, $0xFFFFFFFF  }
.Ltmp31:
0x184: {  	_ = 	snop;
	(pc) =	sbr.rel @p1 .LBB2_53-.Ltmp31, $1  }
0x185: {  	_ =	sdelay $0x3  }
0x186: {  	p1 =	slt.s32 s6, $0x1  }
.Ltmp32:
0x187: {  	_ = 	snop;
	(pc) =	sbr.rel @p1 .LBB2_46-.Ltmp32, $1  }
0x188: {  	_ =	sdelay $0x3  }
0x189: {  	s2 =	simm.s32 $0xC818;
	p1 =	por $0x0, $0x0  }
0x18a: {  	v1 =	vld.msk @!p1 [tilespmem:s2+$0x0], $0x1;
	_ =	sdelay $0x4  }
0x18b: {  	(v2sf) =	vpush @!p1 v1, $0x0;
	_ =	sdelay $0xd  }
0x18c: {  	p3 =	sne.s32 s6, $0x1  }
.Ltmp33:
0x18d: {  	s3 =	spop @!p1 (v2sf);
	(pc) =	sbr.rel @!p3 .LBB2_42-.Ltmp33, $4  }
0x18e: {  	p2 =	seq.s32 @!p1 s0, s3  }
0x18f: {  	s4 =	simm.s32 $0x0;
	p2 =	por !p2, p1  }
0x190: {  	s3 =	simm.s32 $0xFFFFFFFF;
	s4 =	simm.s32 @p2 $0xFFFFFFFF  }
0x191: {  	s5 =	simm.s32 $0x1;
	s4 =	smov.u32 @p1 s3  }
.LBB2_41:
0x192: {  	s3 =	smov.u32 s4;
	p1 =	sne.s32 s4, $0xFFFFFFFF  }
0x193: {  	s2 =	sadd.s32 $0x1, s2;
	s4 =	smov.u32 s5;
	s5 =	sadd.s32 $0x1, s5  }
0x194: {  	p2 =	sne.s32 s6, s5;
	v1 =	vld.msk @!p1 [tilespmem:s2+$0x0], $0x1;
	_ =	sdelay $0x4  }
0x195: {  	(v2sf) =	vpush @!p1 v1, $0x0;
	_ =	sdelay $0xe  }
.Ltmp34:
0x196: {  	s15 =	spop @!p1 (v2sf);
	(pc) =	sbr.rel @p2 .LBB2_41-.Ltmp34, $4  }
0x197: {  	p3 =	seq.s32 @!p1 s0, s15  }
0x198: {  	p3 =	por !p3, p1  }
0x199: {  	s4 =	simm.s32 @p3 $0xFFFFFFFF  }
0x19a: {  	s4 =	smov.u32 @p1 s3  }
.LBB2_42:
0x19b: {  	p1 =	seq.s32 s4, $0xFFFFFFFF  }
.Ltmp35:
0x19c: {  	_ = 	snop;
	(pc) =	sbr.rel @p1 .LBB2_46-.Ltmp35, $1  }
0x19d: {  	_ =	sdelay $0x3  }
0x19e: {  	s0 =	sshll.u32 s4, $0xB  }
0x19f: {  	s0 =	sshra.s32 s0, $0x2  }
0x1a0: {  	s2 =	simm.s32 $0x0;
	v0 =	vld [tilespmem:s10+$0x0];
	s3 =	smov.u32 s10;
	s0 =	sadd.s32 $0xC838, s0  }
.LBB2_44:
0x1a1: {  	s2 =	sadd.s32 $0x10, s2  }
0x1a2: {  	p1 =	slt.u32 s2, $0x1F0  }
.Ltmp36:
0x1a3: {  	_ = 	snop;
	(pc) =	sbr.rel @p1 .LBB2_44-.Ltmp36, $3  }
0x1a4: {  	_ =	sdelay $0x1  }
0x1a5: {  	s3 =	sadd.s32 $0x10, s3;
	[tilespmem:s0+$0x0] =	vst.add.f32.msk $0xffff, v0;
	s0 =	sadd.s32 $0x10, s0  }
0x1a6: {  	v0 =	vld [tilespmem:s3+$0x0]  }
.Ltmp37:
0x1a7: {  	_ = 	snop;
	(pc) =	sbr.rel .LBB2_53-.Ltmp37, $2  }
0x1a8: {  	_ =	sdelay $0x2  }
0x1a9: {  	[tilespmem:s0+$0x0] =	vst.add.f32.msk $0xffff, v0  }
.LBB2_46:
0x1aa: {  	p1 =	sgt.u32 s0, $0x9C270  }
0x1ab: {  	p2 =	seq.s32 @!p1 s0, s8  }
0x1ac: {  	p1 =	por p1, p2  }
0x1ad: {  	p2 =	seq.s32 @!p1 s0, s7  }
0x1ae: {  	p1 =	por p1, p2  }
.Ltmp38:
0x1af: {  	_ = 	snop;
	(pc) =	sbr.rel @p1 .LBB2_50-.Ltmp38, $1  }
0x1b0: {  	_ =	sdelay $0x3  }
0x1b1: {  	s2 =	sand.u32 $0xFFFF8, s0;
	s4 =	sand.u32 $0x7, s0  }
0x1b2: {  	s29 =	sadd.s32 $0x80, s0;
	s3 =	sadd.s32 s1, s2;
	s2 =	simm.s32 $0xC608  }
0x1b3: {  	[tilespmem:s2], [sflag:$0x6] =	stream.linear.gather [hbm4b:s3+s4], $0x80, $0x38;
	[tilespmem:$0x1C938] =	vst v63  }
0x1b4: {  	s3 =	sand.u32 $0x1FFFF8, s29  }
0x1b5: {  	s30 =	sadd.s32 $0x100, s0;
	s3 =	sadd.s32 s1, s3  }
0x1b6: {  	[tilespmem:s11], [sflag:$0x6] =	stream.linear.gather [hbm4b:s3+s4], $0x80, $0x38;
	[tilespmem:$0x1C938] =	vst v63  }
0x1b7: {  	s31 =	sadd.s32 $0x180, s0;
	s3 =	sand.u32 $0x1FFFF8, s30  }
0x1b8: {  	s0 =	sand.u32 $0x1FFFF8, s31;
	s3 =	sadd.s32 s1, s3  }
0x1b9: {  	[tilespmem:s12], [sflag:$0x6] =	stream.linear.gather [hbm4b:s3+s4], $0x80, $0x38;
	[tilespmem:$0x1C938] =	vst v63  }
0x1ba: {  	s0 =	sadd.s32 s1, s0  }
0x1bb: {  	[tilespmem:s13], [sflag:$0x6] =	stream.linear.gather [hbm4b:s0+s4], $0x80, $0x38;
	[tilespmem:$0x1C938] =	vst v63  }
0x1bc: {  	_ =	swait.ge [sflag:s9], $0x200  }
0x1bd: {  	[sflag:s9] =	ssyncset.done $0x0  }
0x1be: {  	[sflag:s9] =	ssyncadd.s32 $0xFFFFFE00  }
0x1bf: {  	s3 =	smov.u32 s10;
	s0 =	simm.s32 $0x0;
	v1 =	vld [tilespmem:s2+$0x0]  }
.LBB2_48:
0x1c0: {  	s0 =	sadd.s32 $0x10, s0  }
0x1c1: {  	p1 =	slt.u32 s0, $0x1F0  }
.Ltmp39:
0x1c2: {  	_ = 	snop;
	(pc) =	sbr.rel @p1 .LBB2_48-.Ltmp39, $3  }
0x1c3: {  	_ =	sdelay $0x1  }
0x1c4: {  	s2 =	sadd.s32 $0x10, s2;
	[tilespmem:s3+$0x0] =	vst.add.f32.msk $0xffff, v1;
	s3 =	sadd.s32 $0x10, s3  }
0x1c5: {  	v1 =	vld [tilespmem:s2+$0x0]  }
0x1c6: {  	_ =	sdelay $0x3  }
0x1c7: {  	[tilespmem:s3+$0x0] =	vst.add.f32.msk $0xffff, v1  }
.LBB2_50:
0x1c8: {  	s0 =	sshll.u32 s6, $0xB  }
0x1c9: {  	[tilespmem:s6+$0xC818] =	vst.msk $0x1, v0;
	s0 =	sshra.s32 s0, $0x2  }
0x1ca: {  	s2 =	simm.s32 $0x0;
	s3 =	smov.u32 s10;
	v0 =	vld [tilespmem:s10+$0x0];
	s0 =	sadd.s32 $0xC838, s0  }
.LBB2_51:
0x1cb: {  	s2 =	sadd.s32 $0x10, s2  }
0x1cc: {  	p1 =	slt.u32 s2, $0x1F0  }
.Ltmp40:
0x1cd: {  	_ = 	snop;
	(pc) =	sbr.rel @p1 .LBB2_51-.Ltmp40, $3  }
0x1ce: {  	_ =	sdelay $0x1  }
0x1cf: {  	s3 =	sadd.s32 $0x10, s3;
	[tilespmem:s0+$0x0] =	vst v0;
	s0 =	sadd.s32 $0x10, s0  }
0x1d0: {  	v0 =	vld [tilespmem:s3+$0x0]  }
.Ltmp41:
0x1d1: {  	_ = 	snop;
	(pc) =	sbr.rel .LBB2_53-.Ltmp41, $2  }
0x1d2: {  	_ =	sdelay $0x2  }
0x1d3: {  	s6 =	sadd.s32 $0x1, s6;
	[tilespmem:s0+$0x0] =	vst v0  }
.LBB2_54:
0x1d4: {  	s0 =	simm.s32 $0x6;
	p1 =	seq.s32 s6, $0x0  }
0x1d5: {  	[sflag:s0] =	ssyncpa.u1 $0x1;
	v0 =	vimm.s32 @p1 $0xFFFFFFFF  }
0x1d6: {  	s0 =	sadd.s32 $0xFFFFFFFF, s6;
	[tilespmem:$0x10838] =	vst @p1 v0  }
0x1d7: {  	v0 =	vld.msk @!p1 [tilespmem:s0+$0xC818], $0x1;
	_ =	sdelay $0x1  }
0x1d8: {  	v1 =	vld.msk @!p1 [tilespmem:$0xC818], $0x1;
	_ =	sdelay $0x2  }
0x1d9: {  	p2 =	seq.s32 @!p1 s0, $0x0;
	v0 =	vbroadcast @!p1 v0, $0x0  }
0x1da: {  	vm0 =	vmmov @!p1 $0x1;
	p2 =	por !p2, p1  }
0x1db: {  	v1 =	vnsel @!p1 vm0, $0xFFFFFFFF, v1;
	vm0 =	vcmask @!p1 $0x308;
	v0 =	vpsel !p2, $0xFFFFFFFF, v0  }
0x1dc: {  	p2 =	sne.s32 @!p1 s8, s7;
	v0 =	vsel @!p1 vm0, v1, v0  }
0x1dd: {  	s2 =	simm.s32 @!p1 $0xC838;
	s3 =	simm.s32 @!p1 $0x0;
	p3 =	por !p2, p1;
	[tilespmem:$0x10838] =	vst @!p1 v0  }
0x1de: {  	[spmem:s3] =	stream.linear.scatter @!p1 [tilespmem:s2], [sflag:$0x1], $0x200, $0x38;
	[tilespmem:$0x1C938] =	vst v63  }
0x1df: {  	s2 =	sshll.u32 @!p3 s0, $0xB  }
0x1e0: {  	s2 =	sshra.s32 @!p3 s2, $0x2  }
0x1e1: {  	s3 =	simm.s32 @!p3 $0x200;
	s2 =	sadd.s32 @!p3 $0xC838, s2  }
0x1e2: {  	[spmem:s3] =	stream.linear.scatter @!p3 [tilespmem:s2], [sflag:$0x1], $0x200, $0x38;
	[tilespmem:$0x1C938] =	vst v63  }
0x1e3: {  	s2 =	simm.s32 @!p3 $0x1  }
0x1e4: {  	_ =	swait.ge @!p3 [sflag:s2], $0x400  }
0x1e5: {  	p1 =	por p2, p1;
	[sflag:s2] =	ssyncset.done @!p3 $0x0  }
0x1e6: {  	[sflag:s2] =	ssyncadd.s32 @!p3 $0xFFFFFC00;
	s2 =	simm.s32 @!p1 $0x1  }
0x1e7: {  	_ =	swait.ge @!p1 [sflag:s2], $0x200  }
0x1e8: {  	s29 =	simm.s32 $0x10838;
	[sflag:s2] =	ssyncset.done @!p1 $0x0  }
0x1e9: {  	s30 =	simm.s32 $0x4000;
	s31 =	simm.s32 $0x1;
	[sflag:s2] =	ssyncadd.s32 @!p1 $0xFFFFFE00  }
0x1ea: {  	[spmem:s30] =	stream.linear.scatter [tilespmem:s29], [sflag:$0x1], $0x10, $0x38;
	[tilespmem:$0x1C938] =	vst v63  }
0x1eb: {  	_ =	swait.ge [sflag:s31], $0x10  }
0x1ec: {  	[sflag:s31] =	ssyncset.done $0x0  }
0x1ed: {  	p1 =	seq.s32 s16, $0x0;
	s9 =	rddreg [dreg:$0x1];
	[sflag:s31] =	ssyncadd.s32 $0xFFFFFFF0  }
0x1ee: {  	s3 =	sshll.u32 @p1 s9, $0xE;
	s8 =	rddreg [dreg:$0x2]  }
0x1ef: {  	s2 =	sadd.s32 @p1 $0x15C3C, s3;
	s3 =	sshll.u32 @p1 s8, $0x11  }
0x1f0: {  	_ =	sfence.stream.spmem;
	s2 =	sor.u32 @p1 s3, s2  }
0x1f1: {  	[sflag:s2] =	ssyncadd.remote.s32 @p1 $0x1;
	s2 =	simm.s32 @p1 $0x4  }
0x1f2: {  	s4 =	simm.s32 @!p1 $0x3C;
	s3 =	sand.u32 $0xFFFFFFFE, s9;
	_ =	swait.ge @p1 [sflag:s2], $0x82  }
0x1f3: {  	s5 =	simm.s32 @!p1 $0x0;
	s3 =	sadd.s32 @!p1 $0x4, s3;
	[sflag:s2] =	ssyncset.done @p1 $0x0  }
0x1f4: {  	s7 =	simm.s32 @!p1 $0x400;
	[sflag:s2] =	ssyncadd.s32 @p1 $0xFFFFFF7E;
	s2 =	sshll.u32 @!p1 s3, $0x1A  }
0x1f5: {  	s3 =	sshll.u32 @!p1 s3, $0xD;
	s2 =	sor.u32 @!p1 s2, s8;
	_ =	swait.eq @!p1 [sflag:s4], $0x1  }
0x1f6: {  	s3 =	sor.u32 @!p1 $0x1C04, s3;
	s4 =	simm.s32 @!p1 $0x1C03;
	s2 =	sor.u32 @!p1 $0x80004000, s2  }
0x1f7: {  	[spmem:s7], [sflag:s3] =	dma.general @!p1 [spmem:s5], [sflag:s4], length:$0x80, [dreg:$0x0], stride_count:$0x0, ici_dest:s2, dma_misc:DstOpCode:WRITE  }
0x1f8: {  	p2 =	slt.s32 s0, $0x2;
	s5 =	simm.s32 @!p1 $0x800;
	s7 =	simm.s32 @!p1 $0x802  }
0x1f9: {  	[spmem:s7], [sflag:s3] =	dma.general @!p1 [spmem:s5], [sflag:s4], length:$0x2, [dreg:$0x0], stride_count:$0x0, ici_dest:s2, dma_misc:DstOpCode:WRITE  }
.Ltmp42:
0x1fa: {  	s2 =	simm.s32 @!p1 $0x3;
	(pc) =	sbr.rel @p2 .LBB2_58-.Ltmp42, $4  }
0x1fb: {  	s3 =	sshll.u32 @!p1 s9, $0xE;
	_ =	swait.ge @!p1 [sflag:s2], $0x82  }
0x1fc: {  	s4 =	sshll.u32 @!p1 s8, $0x11;
	s3 =	sadd.s32 @!p1 $0x11C3C, s3;
	[sflag:s2] =	ssyncset.done @!p1 $0x0  }
0x1fd: {  	[sflag:s2] =	ssyncadd.s32 @!p1 $0xFFFFFF7E;
	s2 =	sor.u32 @!p1 s4, s3  }
0x1fe: {  	s0 =	simm.s32 $0x0;
	[sflag:s2] =	ssyncadd.remote.s32 @!p1 $0xFFFFFFFF  }
0x1ff: {  	s0 =	simm.s32 $0xC819  }
0x200: {  	v0 =	vld.msk [tilespmem:s0+$0x0], $0x1;
	_ =	sdelay $0x4  }
0x201: {  	(v2sf) =	vpush v0, $0x0;
	_ =	sdelay $0xe  }
0x202: {  	s2 =	sadd.s32 $0xFFFFFFFE, s6;
	s3 =	spop (v2sf)  }
0x203: {  	s5 =	simm.s32 $0xCA38;
	s4 =	sadd.s32 $0xFFFFFFFF, s2;
	p1 =	sgt.u32 s3, $0x9C270  }
0x204: {  	s0 =	simm.s32 $0x0;
	p2 =	sne.s32 s4, $0x0;
	s2 =	sand.u32 @!p1 $0xFFFF8, s3  }
0x205: {  	s6 =	sadd.s32 @!p1 $0x80, s3;
	s7 =	sadd.s32 @!p1 $0x100, s3;
	s8 =	sadd.s32 @!p1 s1, s2  }
0x206: {  	s2 =	sand.u32 @!p1 $0x7, s3;
	s6 =	sand.u32 @!p1 $0x1FFFF8, s6;
	s7 =	sand.u32 @!p1 $0x1FFFF8, s7  }
0x207: {  	[hbm4b:s8+s2] =	stream.linear.scatter @!p1 [tilespmem:s5], [sflag:$0x5], $0x80, $0x38;
	[tilespmem:$0x1C938] =	vst v63  }
0x208: {  	s5 =	simm.s32 @!p1 $0xCAB8;
	s6 =	sadd.s32 @!p1 s1, s6;
	s7 =	sadd.s32 @!p1 s1, s7  }
.Ltmp43:
0x209: {  	s8 =	sadd.s32 @!p1 $0x180, s3;
	s3 =	simm.s32 $0x0;
	(pc) =	sbr.rel @!p2 .LBB2_57-.Ltmp43, $4  }
0x20a: {  	[hbm4b:s6+s2] =	stream.linear.scatter @!p1 [tilespmem:s5], [sflag:$0x5], $0x80, $0x38;
	[tilespmem:$0x1C938] =	vst v63  }
0x20b: {  	s3 =	simm.s32 @!p1 $0x800;
	s8 =	sand.u32 @!p1 $0x1FFFF8, s8;
	s6 =	simm.s32 @!p1 $0xCB38  }
0x20c: {  	[hbm4b:s7+s2] =	stream.linear.scatter @!p1 [tilespmem:s6], [sflag:$0x5], $0x80, $0x38;
	[tilespmem:$0x1C938] =	vst v63  }
0x20d: {  	s5 =	simm.s32 $0xC81A;
	s6 =	simm.s32 $0xCC38;
	s7 =	simm.s32 @!p1 $0xCBB8  }
.LBB2_56:
0x20e: {  	s4 =	sadd.s32 $0xFFFFFFFF, s4;
	s8 =	sadd.s32 @!p1 s1, s8;
	s0 =	sadd.s32 s0, s3  }
0x20f: {  	[hbm4b:s8+s2] =	stream.linear.scatter @!p1 [tilespmem:s7], [sflag:$0x5], $0x80, $0x38;
	[tilespmem:$0x1C938] =	vst v63  }
0x210: {  	p2 =	sne.s32 s4, $0x0;
	s7 =	smov.u32 s6;
	v0 =	vld.msk [tilespmem:s5+$0x0], $0x1;
	_ =	sdelay $0x4  }
0x211: {  	(v2sf) =	vpush v0, $0x0;
	_ =	sdelay $0xe  }
0x212: {  	s3 =	spop (v2sf)  }
0x213: {  	s6 =	sadd.s32 $0x200, s6;
	s5 =	sadd.s32 $0x1, s5;
	p1 =	sgt.u32 s3, $0x9C270  }
0x214: {  	s2 =	sand.u32 @!p1 $0xFFFF8, s3;
	s8 =	sadd.s32 @!p1 $0x80, s3;
	s9 =	sadd.s32 @!p1 $0x100, s3  }
0x215: {  	s10 =	sadd.s32 @!p1 s1, s2;
	s2 =	sand.u32 @!p1 $0x7, s3;
	s8 =	sand.u32 @!p1 $0x1FFFF8, s8  }
0x216: {  	[hbm4b:s10+s2] =	stream.linear.scatter @!p1 [tilespmem:s7], [sflag:$0x5], $0x80, $0x38;
	[tilespmem:$0x1C938] =	vst v63  }
0x217: {  	s9 =	sand.u32 @!p1 $0x1FFFF8, s9;
	s10 =	sadd.s32 @!p1 $0x80, s7  }
.Ltmp44:
0x218: {  	s8 =	sadd.s32 @!p1 s1, s8;
	s9 =	sadd.s32 @!p1 s1, s9;
	(pc) =	sbr.rel @p2 .LBB2_56-.Ltmp44, $4  }
0x219: {  	[hbm4b:s8+s2] =	stream.linear.scatter @!p1 [tilespmem:s10], [sflag:$0x5], $0x80, $0x38;
	[tilespmem:$0x1C938] =	vst v63  }
0x21a: {  	s8 =	sadd.s32 @!p1 $0x100, s7;
	s10 =	sadd.s32 @!p1 $0x180, s3;
	s3 =	simm.s32 $0x0  }
0x21b: {  	[hbm4b:s9+s2] =	stream.linear.scatter @!p1 [tilespmem:s8], [sflag:$0x5], $0x80, $0x38;
	[tilespmem:$0x1C938] =	vst v63  }
0x21c: {  	s7 =	sadd.s32 @!p1 $0x180, s7;
	s3 =	simm.s32 @!p1 $0x800;
	s8 =	sand.u32 @!p1 $0x1FFFF8, s10  }
.LBB2_57:
0x21d: {  	s4 =	sadd.s32 @!p1 s1, s8;
	s0 =	sadd.s32 s0, s3  }
0x21e: {  	[hbm4b:s4+s2] =	stream.linear.scatter @!p1 [tilespmem:s7], [sflag:$0x5], $0x80, $0x38;
	[tilespmem:$0x1C938] =	vst v63  }
0x21f: {  	s0 =	sshrl.u32 s0, $0x2  }
.LBB2_58:
0x220: {  	s2 =	simm.s32 $0x5  }
0x221: {  	_ =	swait.ge [sflag:s2], s0  }
0x222: {  	s31 =	ssub.s32 $0x0, s0;
	[sflag:s2] =	ssyncset.done $0x0  }
0x223: {  	[sflag:s2] =	ssyncadd.s32 s31  }
0x224: {  	[sflag:s2] =	ssyncpa.u1 $0x1  }
.LBB2_59:
0x225: {  	s0 =	sor.u32 s16, s17  }
0x226: {  	p1 =	sne.s32 s0, $0x0  }
.Ltmp45:
0x227: {  	_ = 	snop;
	(pc) =	sbr.rel @p1 .LBB2_82-.Ltmp45, $3  }
0x228: {  	_ =	sdelay $0x1  }
0x229: {  	[bflag:$0x0] =	sbarrier.arrive $0xFFFF  }
0x22a: {  	_ =	sfence  }
0x22b: {  	s0 =	simm.s32 $0x7  }
0x22c: {  	s2 =	simm.s32 $0x4000;
	s3 =	simm.s32 $0xC818;
	[sflag:s0] =	ssyncpa.u1 $0x0  }
0x22d: {  	[tilespmem:s3], [sflag:$0x7] =	stream.linear.gather [spmem:s2], $0x20, $0x38;
	[tilespmem:$0x1C938] =	vst v63  }
0x22e: {  	s2 =	simm.s32 $0x0;
	s3 =	simm.s32 $0xC838  }
0x22f: {  	[tilespmem:s3], [sflag:$0x7] =	stream.linear.gather [spmem:s2], $0x4000, $0x38;
	[tilespmem:$0x1C938] =	vst v63  }
.Ltmp46:
0x230: {  	_ = 	snop;
	(pc) =	sbr.rel .LBB2_61-.Ltmp46, $4  }
0x231: {  	_ =	swait.ge [sflag:s0], $0x4020  }
0x232: {  	s4 =	simm.s32 $0x8;
	[sflag:s0] =	ssyncset.done $0x0  }
0x233: {  	s5 =	simm.s32 $0xC688;
	s6 =	simm.s32 $0xC708;
	[sflag:s0] =	ssyncadd.s32 $0xFFFFBFE0  }
0x234: {  	s7 =	simm.s32 $0xC788;
	s8 =	simm.s32 $0x0;
	[sflag:s4] =	ssyncpa.u1 $0x0  }
.LBB2_76:
0x235: {  	s8 =	sadd.s32 $0x1, s8  }
0x236: {  	p1 =	sne.s32 s8, $0x20  }
.Ltmp47:
0x237: {  	_ = 	snop;
	(pc) =	sbr.rel @!p1 .LBB2_77-.Ltmp47, $2  }
0x238: {  	_ =	sdelay $0x2  }
0x239: {  	s3 =	sadd.s32 $0x200, s3  }
.LBB2_61:
0x23a: {  	v0 =	vld.msk [tilespmem:s8+$0xC818], $0x1;
	_ =	sdelay $0x4  }
0x23b: {  	(v2sf) =	vpush v0, $0x0;
	_ =	sdelay $0xe  }
0x23c: {  	s0 =	spop (v2sf)  }
0x23d: {  	p1 =	seq.s32 s0, $0xFFFFFFFF  }
.Ltmp48:
0x23e: {  	_ = 	snop;
	(pc) =	sbr.rel @p1 .LBB2_76-.Ltmp48, $1  }
0x23f: {  	_ =	sdelay $0x3  }
0x240: {  	p1 =	slt.s32 s2, $0x1  }
.Ltmp49:
0x241: {  	_ = 	snop;
	(pc) =	sbr.rel @p1 .LBB2_69-.Ltmp49, $1  }
0x242: {  	_ =	sdelay $0x3  }
0x243: {  	s9 =	simm.s32 $0xC818;
	p1 =	por $0x0, $0x0  }
0x244: {  	v1 =	vld.msk @!p1 [tilespmem:s9+$0x0], $0x1;
	_ =	sdelay $0x4  }
0x245: {  	(v2sf) =	vpush @!p1 v1, $0x0;
	_ =	sdelay $0xd  }
0x246: {  	p3 =	sne.s32 s2, $0x1  }
.Ltmp50:
0x247: {  	s10 =	spop @!p1 (v2sf);
	(pc) =	sbr.rel @!p3 .LBB2_65-.Ltmp50, $4  }
0x248: {  	p2 =	seq.s32 @!p1 s0, s10  }
0x249: {  	s10 =	simm.s32 $0x0;
	p2 =	por !p2, p1  }
0x24a: {  	s12 =	simm.s32 $0xFFFFFFFF;
	s10 =	simm.s32 @p2 $0xFFFFFFFF  }
0x24b: {  	s11 =	simm.s32 $0x1;
	s10 =	smov.u32 @p1 s12  }
.LBB2_64:
0x24c: {  	s12 =	smov.u32 s10;
	p1 =	sne.s32 s10, $0xFFFFFFFF  }
0x24d: {  	s9 =	sadd.s32 $0x1, s9;
	s10 =	smov.u32 s11;
	s11 =	sadd.s32 $0x1, s11  }
0x24e: {  	p2 =	sne.s32 s2, s11;
	v1 =	vld.msk @!p1 [tilespmem:s9+$0x0], $0x1;
	_ =	sdelay $0x4  }
0x24f: {  	(v2sf) =	vpush @!p1 v1, $0x0;
	_ =	sdelay $0xe  }
.Ltmp51:
0x250: {  	s13 =	spop @!p1 (v2sf);
	(pc) =	sbr.rel @p2 .LBB2_64-.Ltmp51, $4  }
0x251: {  	p3 =	seq.s32 @!p1 s0, s13  }
0x252: {  	p3 =	por !p3, p1  }
0x253: {  	s10 =	simm.s32 @p3 $0xFFFFFFFF  }
0x254: {  	s10 =	smov.u32 @p1 s12  }
.LBB2_65:
0x255: {  	p1 =	seq.s32 s10, $0xFFFFFFFF  }
.Ltmp52:
0x256: {  	_ = 	snop;
	(pc) =	sbr.rel @p1 .LBB2_69-.Ltmp52, $1  }
0x257: {  	_ =	sdelay $0x3  }
0x258: {  	s0 =	sshll.u32 s10, $0xB  }
0x259: {  	s0 =	sshra.s32 s0, $0x2  }
0x25a: {  	s9 =	simm.s32 $0x0;
	v0 =	vld [tilespmem:s3+$0x0];
	s10 =	smov.u32 s3;
	s0 =	sadd.s32 $0xC838, s0  }
.LBB2_67:
0x25b: {  	s9 =	sadd.s32 $0x10, s9  }
0x25c: {  	p1 =	slt.u32 s9, $0x1F0  }
.Ltmp53:
0x25d: {  	_ = 	snop;
	(pc) =	sbr.rel @p1 .LBB2_67-.Ltmp53, $3  }
0x25e: {  	_ =	sdelay $0x1  }
0x25f: {  	s10 =	sadd.s32 $0x10, s10;
	[tilespmem:s0+$0x0] =	vst.add.f32.msk $0xffff, v0;
	s0 =	sadd.s32 $0x10, s0  }
0x260: {  	v0 =	vld [tilespmem:s10+$0x0]  }
.Ltmp54:
0x261: {  	_ = 	snop;
	(pc) =	sbr.rel .LBB2_76-.Ltmp54, $2  }
0x262: {  	_ =	sdelay $0x2  }
0x263: {  	[tilespmem:s0+$0x0] =	vst.add.f32.msk $0xffff, v0  }
.LBB2_69:
0x264: {  	p1 =	sgt.u32 s0, $0x9C270  }
.Ltmp55:
0x265: {  	_ = 	snop;
	(pc) =	sbr.rel @p1 .LBB2_73-.Ltmp55, $1  }
0x266: {  	_ =	sdelay $0x3  }
0x267: {  	s9 =	sand.u32 $0xFFFF8, s0;
	s11 =	sand.u32 $0x7, s0  }
0x268: {  	s29 =	sadd.s32 $0x80, s0;
	s10 =	sadd.s32 s1, s9;
	s9 =	simm.s32 $0xC608  }
0x269: {  	[tilespmem:s9], [sflag:$0x8] =	stream.linear.gather [hbm4b:s10+s11], $0x80, $0x38;
	[tilespmem:$0x1C938] =	vst v63  }
0x26a: {  	s10 =	sand.u32 $0x1FFFF8, s29  }
0x26b: {  	s30 =	sadd.s32 $0x100, s0;
	s10 =	sadd.s32 s1, s10  }
0x26c: {  	[tilespmem:s5], [sflag:$0x8] =	stream.linear.gather [hbm4b:s10+s11], $0x80, $0x38;
	[tilespmem:$0x1C938] =	vst v63  }
0x26d: {  	s31 =	sadd.s32 $0x180, s0;
	s10 =	sand.u32 $0x1FFFF8, s30  }
0x26e: {  	s0 =	sand.u32 $0x1FFFF8, s31;
	s10 =	sadd.s32 s1, s10  }
0x26f: {  	[tilespmem:s6], [sflag:$0x8] =	stream.linear.gather [hbm4b:s10+s11], $0x80, $0x38;
	[tilespmem:$0x1C938] =	vst v63  }
0x270: {  	s0 =	sadd.s32 s1, s0  }
0x271: {  	[tilespmem:s7], [sflag:$0x8] =	stream.linear.gather [hbm4b:s0+s11], $0x80, $0x38;
	[tilespmem:$0x1C938] =	vst v63  }
0x272: {  	_ =	swait.ge [sflag:s4], $0x200  }
0x273: {  	[sflag:s4] =	ssyncset.done $0x0  }
0x274: {  	[sflag:s4] =	ssyncadd.s32 $0xFFFFFE00  }
0x275: {  	s10 =	smov.u32 s3;
	s0 =	simm.s32 $0x0;
	v1 =	vld [tilespmem:s9+$0x0]  }
.LBB2_71:
0x276: {  	s0 =	sadd.s32 $0x10, s0  }
0x277: {  	p1 =	slt.u32 s0, $0x1F0  }
.Ltmp56:
0x278: {  	_ = 	snop;
	(pc) =	sbr.rel @p1 .LBB2_71-.Ltmp56, $3  }
0x279: {  	_ =	sdelay $0x1  }
0x27a: {  	s9 =	sadd.s32 $0x10, s9;
	[tilespmem:s10+$0x0] =	vst.add.f32.msk $0xffff, v1;
	s10 =	sadd.s32 $0x10, s10  }
0x27b: {  	v1 =	vld [tilespmem:s9+$0x0]  }
0x27c: {  	_ =	sdelay $0x3  }
0x27d: {  	[tilespmem:s10+$0x0] =	vst.add.f32.msk $0xffff, v1  }
.LBB2_73:
0x27e: {  	s0 =	sshll.u32 s2, $0xB  }
0x27f: {  	[tilespmem:s2+$0xC818] =	vst.msk $0x1, v0;
	s0 =	sshra.s32 s0, $0x2  }
0x280: {  	s9 =	simm.s32 $0x0;
	s10 =	smov.u32 s3;
	v0 =	vld [tilespmem:s3+$0x0];
	s0 =	sadd.s32 $0xC838, s0  }
.LBB2_74:
0x281: {  	s9 =	sadd.s32 $0x10, s9  }
0x282: {  	p1 =	slt.u32 s9, $0x1F0  }
.Ltmp57:
0x283: {  	_ = 	snop;
	(pc) =	sbr.rel @p1 .LBB2_74-.Ltmp57, $3  }
0x284: {  	_ =	sdelay $0x1  }
0x285: {  	s10 =	sadd.s32 $0x10, s10;
	[tilespmem:s0+$0x0] =	vst v0;
	s0 =	sadd.s32 $0x10, s0  }
0x286: {  	v0 =	vld [tilespmem:s10+$0x0]  }
.Ltmp58:
0x287: {  	_ = 	snop;
	(pc) =	sbr.rel .LBB2_76-.Ltmp58, $2  }
0x288: {  	_ =	sdelay $0x2  }
0x289: {  	s2 =	sadd.s32 $0x1, s2;
	[tilespmem:s0+$0x0] =	vst v0  }
.LBB2_77:
0x28a: {  	p1 =	slt.s32 s2, $0x1  }
.Ltmp59:
0x28b: {  	_ = 	snop;
	(pc) =	sbr.rel @p1 .LBB2_81-.Ltmp59, $3  }
0x28c: {  	_ =	sdelay $0x1  }
0x28d: {  	s0 =	simm.s32 $0x8  }
0x28e: {  	[sflag:s0] =	ssyncpa.u1 $0x1;
	s0 =	simm.s32 $0x0  }
0x28f: {  	s3 =	simm.s32 $0xC818  }
0x290: {  	v0 =	vld.msk [tilespmem:s3+$0x0], $0x1;
	_ =	sdelay $0x4  }
0x291: {  	(v2sf) =	vpush v0, $0x0;
	_ =	sdelay $0xe  }
0x292: {  	s7 =	spop (v2sf)  }
0x293: {  	s2 =	sadd.s32 $0xFFFFFFFF, s2;
	p1 =	sgt.u32 s7, $0x9C270  }
0x294: {  	s3 =	simm.s32 $0xC838;
	s4 =	sand.u32 @!p1 $0xFFFF8, s7;
	s8 =	sadd.s32 @!p1 $0x80, s7  }
0x295: {  	s5 =	sand.u32 @!p1 $0x7, s7;
	s4 =	sadd.s32 @!p1 s1, s4;
	s8 =	sand.u32 @!p1 $0x1FFFF8, s8  }
0x296: {  	[hbm4b:s4+s5] =	stream.linear.scatter @!p1 [tilespmem:s3], [sflag:$0x7], $0x80, $0x38;
	[tilespmem:$0x1C938] =	vst v63  }
0x297: {  	p2 =	sne.s32 s2, $0x0;
	s3 =	simm.s32 @!p1 $0xC8B8;
	s4 =	sadd.s32 @!p1 s1, s8  }
0x298: {  	[hbm4b:s4+s5] =	stream.linear.scatter @!p1 [tilespmem:s3], [sflag:$0x7], $0x80, $0x38;
	[tilespmem:$0x1C938] =	vst v63  }
.Ltmp60:
0x299: {  	s6 =	simm.s32 $0x0;
	s9 =	sadd.s32 @!p1 $0x100, s7;
	(pc) =	sbr.rel @!p2 .LBB2_80-.Ltmp60, $4  }
0x29a: {  	s6 =	simm.s32 @!p1 $0x800;
	s8 =	sand.u32 @!p1 $0x1FFFF8, s9;
	s3 =	simm.s32 @!p1 $0xC938  }
0x29b: {  	s4 =	sadd.s32 @!p1 s1, s8;
	s8 =	sadd.s32 @!p1 $0x180, s7;
	s7 =	simm.s32 @!p1 $0xC9B8  }
0x29c: {  	[hbm4b:s4+s5] =	stream.linear.scatter @!p1 [tilespmem:s3], [sflag:$0x7], $0x80, $0x38;
	[tilespmem:$0x1C938] =	vst v63  }
0x29d: {  	s8 =	sand.u32 @!p1 $0x1FFFF8, s8;
	s3 =	simm.s32 $0xC819;
	s4 =	simm.s32 $0xCA38  }
.LBB2_79:
0x29e: {  	s2 =	sadd.s32 $0xFFFFFFFF, s2;
	s8 =	sadd.s32 @!p1 s1, s8;
	s0 =	sadd.s32 s0, s6  }
0x29f: {  	[hbm4b:s8+s5] =	stream.linear.scatter @!p1 [tilespmem:s7], [sflag:$0x7], $0x80, $0x38;
	[tilespmem:$0x1C938] =	vst v63  }
0x2a0: {  	p2 =	sne.s32 s2, $0x0;
	s7 =	smov.u32 s4;
	v0 =	vld.msk [tilespmem:s3+$0x0], $0x1;
	_ =	sdelay $0x4  }
0x2a1: {  	(v2sf) =	vpush v0, $0x0;
	_ =	sdelay $0xe  }
0x2a2: {  	s6 =	spop (v2sf)  }
0x2a3: {  	s4 =	sadd.s32 $0x200, s4;
	s3 =	sadd.s32 $0x1, s3;
	p1 =	sgt.u32 s6, $0x9C270  }
0x2a4: {  	s5 =	sand.u32 @!p1 $0xFFFF8, s6;
	s8 =	sadd.s32 @!p1 $0x80, s6;
	s9 =	sadd.s32 @!p1 $0x100, s6  }
0x2a5: {  	s10 =	sadd.s32 @!p1 s1, s5;
	s5 =	sand.u32 @!p1 $0x7, s6;
	s8 =	sand.u32 @!p1 $0x1FFFF8, s8  }
0x2a6: {  	[hbm4b:s10+s5] =	stream.linear.scatter @!p1 [tilespmem:s7], [sflag:$0x7], $0x80, $0x38;
	[tilespmem:$0x1C938] =	vst v63  }
0x2a7: {  	s9 =	sand.u32 @!p1 $0x1FFFF8, s9;
	s10 =	sadd.s32 @!p1 $0x80, s7  }
.Ltmp61:
0x2a8: {  	s8 =	sadd.s32 @!p1 s1, s8;
	s9 =	sadd.s32 @!p1 s1, s9;
	(pc) =	sbr.rel @p2 .LBB2_79-.Ltmp61, $4  }
0x2a9: {  	[hbm4b:s8+s5] =	stream.linear.scatter @!p1 [tilespmem:s10], [sflag:$0x7], $0x80, $0x38;
	[tilespmem:$0x1C938] =	vst v63  }
0x2aa: {  	s8 =	sadd.s32 @!p1 $0x100, s7;
	s10 =	sadd.s32 @!p1 $0x180, s6;
	s6 =	simm.s32 $0x0  }
0x2ab: {  	[hbm4b:s9+s5] =	stream.linear.scatter @!p1 [tilespmem:s8], [sflag:$0x7], $0x80, $0x38;
	[tilespmem:$0x1C938] =	vst v63  }
0x2ac: {  	s7 =	sadd.s32 @!p1 $0x180, s7;
	s6 =	simm.s32 @!p1 $0x800;
	s8 =	sand.u32 @!p1 $0x1FFFF8, s10  }
.LBB2_80:
0x2ad: {  	s1 =	sadd.s32 @!p1 s1, s8;
	s0 =	sadd.s32 s0, s6  }
0x2ae: {  	[hbm4b:s1+s5] =	stream.linear.scatter @!p1 [tilespmem:s7], [sflag:$0x7], $0x80, $0x38;
	[tilespmem:$0x1C938] =	vst v63  }
0x2af: {  	s0 =	sshrl.u32 s0, $0x2  }
.LBB2_81:
0x2b0: {  	s1 =	simm.s32 $0x7  }
0x2b1: {  	_ =	swait.ge [sflag:s1], s0  }
0x2b2: {  	s31 =	ssub.s32 $0x0, s0;
	[sflag:s1] =	ssyncset.done $0x0  }
0x2b3: {  	[sflag:s1] =	ssyncadd.s32 s31  }
0x2b4: {  	[sflag:s1] =	ssyncpa.u1 $0x1  }
.LBB2_82:
0x2b5: {  	_ =	sfence;
	s0 =	simm.s32 $0x1  }
0x2b6: {  	[sflag:s0] =	ssyncpa.u1 $0x1  }
0x2b7: {  	_ =	strace $0x9000004D  }
0x2b8: {  	[bflag:$0x2] =	sbarrier.arrive $0xFFFF  }
0x2b9: {  	s0 =	rddreg [dreg:$0x3]  }
0x2ba: {  	s0 =	sadd.s32 @!p0 $0x100000, s0  }
0x2bb: {  	[sflag:s0] =	ssyncadd.tile.s32 @!p0 $0x1;
	_ =	shalt  }
.Lfunc_end2:
_tile_overlayer_lowered:
.L_overlay_start_2:
0x2bc: {  	(tag) =	ssettag $0x2  }
0x2bd: {  	s0 =	rddreg [dreg:$0x0];
	s2 =	stileid.u32  }
0x2be: {  	s1 =	rddreg [dreg:$0x1];
	p0 =	sne.s32 s2, $0x0  }
0x2bf: {  	s3 =	rddreg [dreg:$0x2];
	[bflag:$0x3] =	sbarrier.arrive $0xFFFF;
	s2 =	simm.s32 @!p0 $0x1C01  }
0x2c0: {  	[timem:s3], [sflag:s2] =	dma.local @!p0 [hbm:s0], s1  }
0x2c1: {  	s0 =	simm.s32 @!p0 $0x1  }
0x2c2: {  	_ =	swait.ge @!p0 [sflag:s0], s1  }
0x2c3: {  	s1 =	ssub.s32 @!p0 $0x0, s1;
	[sflag:s0] =	ssyncset.done @!p0 $0x0  }
0x2c4: {  	[sflag:s0] =	ssyncadd.s32 @!p0 s1  }
0x2c5: {  	[bflag:$0x3] =	sbarrier.arrive $0xFFFF  }
0x2c6: {  	_ =	shalt  }

// kernel: scatter_offload_async_start.2
scs
__scs_entry_jumppad:
0x0: {  	(pc) =	sbr.rel $0x88, $3  }
0x1: {  	(tag) =	ssettag $0x0;
	lr =	simm.s32 $0x1  }
0x2: {  	[smem:$0x3F98] =	sst lr;
	_ =	strace $0xD0000000  }
0x3: {  	_ = 	snop  }
0x4: {  	_ = 	snop  }
0x5: {  	_ = 	snop  }
0x6: {  	_ = 	snop  }
0x7: {  	_ = 	snop  }
__scs_overlays_trampoline_lowered:
0x8: {  	[smem:$0x3FA7] =	sst s0  }
0x9: {  	[smem:$0x3FA8] =	sst s1  }
0xa: {  	[smem:$0x3FA9] =	sst s2  }
0xb: {  	[smem:$0x3FAA] =	sst s3  }
0xc: {  	[smem:$0x3FAB] =	sst s4  }
0xd: {  	[smem:$0x3FAC] =	sst s5  }
0xe: {  	[smem:$0x3FAD] =	sst s6  }
0xf: {  	[smem:$0x3FAE] =	sst s7  }
0x10: {  	[smem:$0x3FAF] =	sst s8  }
0x11: {  	[smem:$0x3FB0] =	sst s9;
	s0 =	simm.s32 @!p0 $0x0  }
0x12: {  	s1 =	sld [smem:$0x3F96];
	s0 =	simm.s32 @p0 $0x1  }
0x13: {  	[smem:$0x3FB1] =	sst s0;
	s0 =	simm.s32 @!p1 $0x0  }
0x14: {  	s2 =	sld [smem:$0x3F95];
	s0 =	simm.s32 @p1 $0x1  }
0x15: {  	[smem:$0x3FB2] =	sst s0;
	s0 =	simm.s32 @!p2 $0x0  }
0x16: {  	s3 =	sld [smem:$0x3FDB];
	s0 =	simm.s32 @p2 $0x1  }
0x17: {  	s4 =	simm.s32 $0x1BF5;
	[smem:$0x3FB4] =	sst s0  }
0x18: {  	s0 =	sld [smem:$0x3F97];
	_ =	swait.ge [sflag:s4], $0x0  }
0x19: {  	s7 =	sld [smem:$0x3F98]  }
0x1a: {  	s8 =	sadd.s32 $0xFFFFE003, lr  }
0x1b: {  	s9 =	sadd.s32 $0xFFFFFEF7, lr;
	s5 =	simm.s32 $0xFFFFFFFF;
	p2 =	slt.u32 s8, $0xFFFFF086  }
0x1c: {  	p1 =	slt.u32 s9, $0xF7A;
	s5 =	simm.s32 @!p2 $0x0  }
0x1d: {  	s5 =	simm.s32 @p1 $0x1;
	p0 =	seq.s32 s7, s2  }
0x1e: {  	s7 =	smul.u32 @!p0 $0xF7A, s2;
	p2 =	seq.s32 @!p0 s5, $0x0  }
0x1f: {  	s9 =	smul.u32 $0xF7A, s1;
	s8 =	simm.s32 @!p0 $0x1BF5;
	p2 =	por !p2, p0  }
0x20: {  	[sflag:s8] =	ssyncset.s32 @!p0 $0xFFFFF086;
	s6 =	sadd.s32 @!p0 s3, s7;
	s7 =	simm.s32 @!p0 $0x108  }
0x21: {  	s3 =	sadd.s32 s3, s9;
	s6 =	sadd.s32 @!p0 $0x88, s6;
	s7 =	simm.s32 @p2 $0x1082  }
0x22: {  	[simem:s7], [sflag:s8] =	dma.local @!p0 [hbm:s6], $0xF7A  }
0x23: {  	s9 =	sor.u32 $0xD0000000, s2;
	s6 =	simm.s32 $0x108;
	_ =	swait.ge @!p0 [sflag:s8], $0x0  }
0x24: {  	s3 =	sadd.s32 $0x88, s3;
	s6 =	simm.s32 @!p1 $0x1082;
	[sflag:s4] =	ssyncset.s32 $0xFFFFF086  }
0x25: {  	[simem:s6], [sflag:s4] =	dma.local [hbm:s3], $0xF7A  }
0x26: {  	[smem:$0x3F98] =	sst s1;
	(tag) =	ssettag s2;
	_ =	strace s9  }
0x27: {  	s1 =	sld [smem:$0x3FA8]  }
0x28: {  	s2 =	sld [smem:$0x3FA9]  }
0x29: {  	s4 =	sld [smem:$0x3FAB]  }
0x2a: {  	p0 =	seq.s32 s5, $0x0;
	s5 =	sld [smem:$0x3FAC]  }
0x2b: {  	s6 =	sld [smem:$0x3FAD]  }
0x2c: {  	s7 =	sld [smem:$0x3FAE]  }
0x2d: {  	s3 =	simm.s32 $0x108;
	s8 =	sld [smem:$0x3FAF]  }
0x2e: {  	s3 =	simm.s32 @!p0 $0x1082;
	s9 =	sld [smem:$0x3FB0]  }
0x2f: {  	lr =	sadd.s32 s0, s3;
	s0 =	sld [smem:$0x3FA7]  }
0x30: {  	s3 =	sld [smem:$0x3FAA]  }
0x31: {  	[smem:$0x3FB3] =	sst s10  }
0x32: {  	s10 =	sld [smem:$0x3FB1];
	_ =	sdelay $0x3  }
0x33: {  	p0 =	seq.s32 s10, $0x1;
	s10 =	sld [smem:$0x3FB3];
	_ =	sdelay $0x3  }
0x34: {  	[smem:$0x3FB3] =	sst s10  }
0x35: {  	s10 =	sld [smem:$0x3FB2];
	_ =	sdelay $0x3  }
0x36: {  	p1 =	seq.s32 s10, $0x1;
	s10 =	sld [smem:$0x3FB3];
	_ =	sdelay $0x3  }
0x37: {  	[smem:$0x3FB3] =	sst s10  }
0x38: {  	s10 =	sld [smem:$0x3FB4]  }
0x39: {  	_ = 	snop;
	(pc) =	sbr.ind lr, $3  }
0x3a: {  	_ = 	snop  }
0x3b: {  	_ = 	snop  }
0x3c: {  	p2 =	seq.s32 s10, $0x1;
	s10 =	sld [smem:$0x3FB3]  }
0x3d: {  	_ =	shalt  }
0x3e: {  	_ =	shalt  }
0x3f: {  	_ =	shalt  }
0x40: {  	_ =	shalt  }
0x41: {  	_ =	shalt  }
0x42: {  	_ =	shalt  }
0x43: {  	_ =	shalt  }
0x44: {  	_ =	shalt  }
0x45: {  	_ =	shalt  }
0x46: {  	_ =	shalt  }
0x47: {  	_ =	shalt  }
0x48: {  	_ =	shalt  }
0x49: {  	_ =	shalt  }
0x4a: {  	_ =	shalt  }
0x4b: {  	_ =	shalt  }
0x4c: {  	_ =	shalt  }
0x4d: {  	_ =	shalt  }
0x4e: {  	_ =	shalt  }
0x4f: {  	_ =	shalt  }
0x50: {  	_ =	shalt  }
0x51: {  	_ =	shalt  }
0x52: {  	_ =	shalt  }
0x53: {  	_ =	shalt  }
0x54: {  	_ =	shalt  }
0x55: {  	_ =	shalt  }
0x56: {  	_ =	shalt  }
0x57: {  	_ =	shalt  }
0x58: {  	_ =	shalt  }
0x59: {  	_ =	shalt  }
0x5a: {  	_ =	shalt  }
0x5b: {  	_ =	shalt  }
0x5c: {  	_ =	shalt  }
0x5d: {  	_ =	shalt  }
0x5e: {  	_ =	shalt  }
0x5f: {  	_ =	shalt  }
0x60: {  	_ =	shalt  }
0x61: {  	_ =	shalt  }
0x62: {  	_ =	shalt  }
0x63: {  	_ =	shalt  }
0x64: {  	_ =	shalt  }
0x65: {  	_ =	shalt  }
0x66: {  	_ =	shalt  }
0x67: {  	_ =	shalt  }
0x68: {  	_ =	shalt  }
0x69: {  	_ =	shalt  }
0x6a: {  	_ =	shalt  }
0x6b: {  	_ =	shalt  }
0x6c: {  	_ =	shalt  }
0x6d: {  	_ =	shalt  }
0x6e: {  	_ =	shalt  }
0x6f: {  	_ =	shalt  }
0x70: {  	_ =	shalt  }
0x71: {  	_ =	shalt  }
0x72: {  	_ =	shalt  }
0x73: {  	_ =	shalt  }
0x74: {  	_ =	shalt  }
0x75: {  	_ =	shalt  }
0x76: {  	_ =	shalt  }
0x77: {  	_ =	shalt  }
0x78: {  	_ =	shalt  }
0x79: {  	_ =	shalt  }
0x7a: {  	_ =	shalt  }
0x7b: {  	_ =	shalt  }
0x7c: {  	_ =	shalt  }
0x7d: {  	_ =	shalt  }
0x7e: {  	_ =	shalt  }
0x7f: {  	_ =	shalt  }
0x80: {  	_ =	shalt  }
0x81: {  	_ =	shalt  }
0x82: {  	_ =	shalt  }
0x83: {  	_ =	shalt  }
0x84: {  	_ =	shalt  }
0x85: {  	_ =	shalt  }
0x86: {  	_ =	shalt  }
0x87: {  	_ =	shalt  }
.Lfunc_end0:
.L_simem_size_0:
called_computation.2_lowered:
.L_overlay_start_0:
0x88: {  	s0 =	sld [smem:$0x3FD9]  }
0x89: {  	s1 =	sld [smem:$0x3FFE];
	_ =	sdelay $0x3  }
0x8a: {  	s0 =	sadd.s32 s1, s0  }
0x8b: {  	[smem:$0x3FBF] =	sst s0  }
0x8c: {  	_ = 	snop  }
0x8d: {  	(tm) =	ssettm $0x1  }
0x8e: {  	s15 =	sld [smem:$0x3FFB];
	_ =	sdelay $0x3  }
0x8f: {  	_ =	strace s15  }
0x90: {  	s0 =	sld [smem:$0x3FFC];
	_ =	sdelay $0x3  }
0x91: {  	_ =	strace s0  }
0x92: {  	s0 =	sld [smem:$0x3FFD];
	_ =	sdelay $0x3  }
0x93: {  	_ =	strace s0  }
0x94: {  	_ =	strace $0x8FFFFFFF  }
0x95: {  	s16 =	sld [smem:$0x3FDB];
	_ =	sdelay $0x1  }
0x96: {  	s17 =	simm.s32 $_scs_section_size  }
0x97: {  	s2 =	simm.s32 $_size__tile_overlayer_lowered;
	s3 =	simm.s32 $_tile_overlayer_lowered  }
0x98: {  	s20 =	simm.s32 $0x1BFF;
	s19 =	sshll.u32 s3, $0x1;
	s0 =	sadd.s32 s17, s16  }
0x99: {  	s4 =	simm.s32 $0x0;
	s18 =	sshll.u32 s2, $0x1;
	s2 =	sadd.s32 s19, s0  }
0x9a: {  	[timem:s4], [sflag:s20] =	dma.local [hbm:s2], s18  }
0x9b: {  	_ =	swait.ge [sflag:s20], s18  }
0x9c: {  	s1 =	ssub.s32 $0x0, s18;
	[sflag:s20] =	ssyncset.done $0x0  }
0x9d: {  	[sflag:s20] =	ssyncadd.s32 s1;
	_ =	sdelay $0x1  }
0x9e: {  	s21 =	simm.s32 $0x1B8B  }
0x9f: {  	_ =	swait.ge [sflag:s21], $0x1  }
0xa0: {  	[sflag:s21] =	ssyncset.done $0x0  }
0xa1: {  	s23 =	simm.s32 $0x1B8E;
	s22 =	sld [smem:$0x3FFE];
	[sflag:s21] =	ssyncadd.s32 $0xFFFFFFFF  }
0xa2: {  	s24 =	simm.s32 $execute0_lowered;
	[smem:$0x3FD2] =	sst s23  }
0xa3: {  	s2 =	sshll.u32 s24, $0x1;
	_ =	strace $0x80000049;
	[dreg:$0x1] =	wrdreg $0xFFFFFFFF  }
0xa4: {  	s25 =	simm.s32 $_size_execute0_lowered;
	s0 =	sadd.s32 s0, s2;
	[dreg:$0x0] =	wrdreg $0x0  }
0xa5: {  	s2 =	sshll.u32 s25, $0x1;
	[dreg:$0x2] =	wrdreg s0  }
0xa6: {  	[dreg:$0x3] =	wrdreg s2  }
0xa7: {  	[dreg:$0x4] =	wrdreg $0xC0  }
0xa8: {  	_ =	task [dreg:s4], $0x5FFFF  }
0xa9: {  	[dreg:$0x1] =	wrdreg $0xFFFFFFFF  }
0xaa: {  	[dreg:$0x0] =	wrdreg $0x60  }
0xab: {  	[dreg:$0x2] =	wrdreg s22  }
0xac: {  	[dreg:$0x3] =	wrdreg $0xA  }
0xad: {  	_ =	task.clear_ibuf [dreg:s4], $0x4FFFF;
	_ =	strace $0x90000049  }
0xae: {  	s26 =	simm.s32 $0xA;
	_ =	strace $0x8000004B  }
0xaf: {  	_ =	swait.ge [sflag:s26], $0x1  }
0xb0: {  	[sflag:s26] =	ssyncadd.s32 $0xFFFFFFFF  }
0xb1: {  	_ =	strace $0x9000004B  }
0xb2: {  	_ =	sfence  }
0xb3: {  	s28 =	sld [smem:$0x0];
	_ =	sdelay $0x1  }
0xb4: {  	s29 =	srdreg.scid  }
0xb5: {  	s30 =	sshll.u32 s29, $0xD;
	s31 =	sshrl.u32 s29, $0x2  }
0xb6: {  	s1 =	sand.u32 $0x1, s29;
	s2 =	sand.u32 $0x4000, s30;
	s0 =	sadd.s32 s31, s28  }
0xb7: {  	s1 =	sor.u32 s2, s1;
	s0 =	sshll.u32 s0, $0x11  }
0xb8: {  	s0 =	sor.u32 s0, s1  }
0xb9: {  	s0 =	sadd.s32 $0x8F2B, s0  }
0xba: {  	[sflag:s0] =	ssyncadd.remote.s32 $0x1  }
0xbb: {  	_ =	sfence.sel $0xFFFF  }
0xbc: {  	[dreg:$0x0] =	wrdreg $0xFFFFFFFF;
	(pc) =	sbr.abs _section_cstart, $3  }
0xbd: {  	[dreg:$0x1] =	wrdreg $0xFFFFFFFF  }
0xbe: {  	_ =	task.clear_ibuf [dreg:s4], $0x2FFFF;
	_ =	strace $0x9FFFFFFF  }
0xbf: {  	(tm) =	ssettm $0x7FFFFFFF  }
tec
execute0_lowered:
.L_overlay_start_1:
0x0: {  	(tag) =	ssettag $0x1  }
0x1: {  	s7 =	rddreg [dreg:$0x0]  }
0x2: {  	s0 =	rddreg [dreg:$0x1]  }
0x3: {  	_ =	strace $0x8000004A;
	s3 =	stileid.u32;
	s4 =	simm.s32 $0x3E  }
0x4: {  	s1 =	sadd.s32 $0xA97400, s7;
	p0 =	sne.s32 s3, $0x0;
	[sflag:s4] =	ssyncpa.u1 $0x0  }
0x5: {  	s30 =	smin.u32 s3, $0x4;
	s2 =	simm.s32 @!p0 $0x1C3E;
	s5 =	simm.s32 @!p0 $0x0  }
0x6: {  	[spmem:s5], [sflag:s2] =	dma.local @!p0 [hbm:s1], $0x500  }
0x7: {  	s2 =	sadd.s32 s3, s30  }
0x8: {  	p1 =	slt.u32 s3, $0x4;
	s3 =	simm.s32 $0x3E80;
	s2 =	smul.u32 $0x1F40, s2  }
0x9: {  	s3 =	simm.s32 @!p1 $0x1F40  }
0xa: {  	s3 =	sadd.s32 s3, s2  }
0xb: {  	s3 =	smin.u32 s3, $0x27100  }
0xc: {  	s8 =	ssub.s32 s3, s2  }
0xd: {  	p1 =	sgt.s32 s8, $0x0  }
0xe: {  	s8 =	simm.s32 @!p1 $0x0  }
0xf: {  	s5 =	simm.s32 @!p0 $0x3E;
	s31 =	smulhi.u32 $0x10624DD3, s8  }
0x10: {  	_ =	swait.ge @!p0 [sflag:s5], $0x500  }
0x11: {  	s6 =	simm.s32 $0x2;
	[sflag:s5] =	ssyncset.done @!p0 $0x0;
	s9 =	sshrl.u32 s31, $0x9  }
0x12: {  	s11 =	simm.s32 $0x0;
	[sflag:s5] =	ssyncadd.s32 @!p0 $0xFFFFFB00;
	s10 =	smul.u32 $0x1F40, s9  }
.Ltmp0:
0x13: {  	s5 =	sadd.s32 $0x1E000, s7;
	[bflag:$0x0] =	sbarrier.arrive $0xFFFF;
	(pc) =	sbr.rel .LBB2_1-.Ltmp0, $4  }
0x14: {  	s7 =	sadd.s32 $0x28000, s7;
	[sflag:s4] =	ssyncpa.u1 $0x1;
	s4 =	simm.s32 $0x1  }
0x15: {  	[sflag:s4] =	ssyncpa.u1 $0x0;
	p1 =	sne.s32 s8, s10;
	s8 =	simm.s32 $0x1  }
0x16: {  	(ifvalue) =	ssetifvalue $0x2800;
	[sflag:s6] =	ssyncpa.u1 $0x0;
	s8 =	simm.s32 @!p1 $0x0  }
0x17: {  	vm0 =	vmmov $0xffff;
	s10 =	smov.u32 s2;
	s8 =	sadd.s32 s8, s9;
	s9 =	simm.s32 $0x0  }
.LBB2_5:
0x18: {  	p2 =	sne.s32 s11, s8  }
.Ltmp1:
0x19: {  	_ = 	snop;
	(pc) =	sbr.rel @!p2 .LBB2_6-.Ltmp1, $4  }
0x1a: {  	_ = 	snop  }
0x1b: {  	s12 =	sadd.s32 $0x1F40, s10  }
0x1c: {  	s10 =	smov.u32 s2;
	s13 =	sadd.s32 $0x1, s11;
	p1 =	slt.s32 s12, s3  }
0x1d: {  	s11 =	smov.u32 s13;
	s10 =	smov.u32 @p1 s12  }
.LBB2_1:
0x1e: {  	p1 =	sge.u32 s11, s8  }
0x1f: {  	s12 =	sxor.u32 @!p1 $0xFFFFFFFF, s11  }
0x20: {  	s12 =	sand.u32 @!p1 $0x1, s12  }
0x21: {  	s12 =	smul.u32 @!p1 $0x1F40, s12  }
0x22: {  	s13 =	sshrl.u32 @!p1 s10, $0x3  }
0x23: {  	s16 =	sand.u32 @!p1 $0x7, s10;
	s14 =	sadd.s32 @!p1 s5, s13;
	s15 =	sadd.s32 @!p1 $0x280, s12  }
0x24: {  	[tilespmem:s15], [sflag:$0x2] =	stream.linear.gather @!p1 [hbm4b:s14+s16], $0x1F40, $0x38;
	[tilespmem:$0x7F80] =	vst v63  }
0x25: {  	s13 =	sadd.s32 @!p1 s7, s13;
	s12 =	sadd.s32 @!p1 $0x4100, s12  }
0x26: {  	[tilespmem:s12], [sflag:$0x2] =	stream.linear.gather @!p1 [hbm4b:s13+s16], $0x1F40, $0x38;
	[tilespmem:$0x7F80] =	vst v63  }
0x27: {  	p1 =	seq.s32 s11, $0x0  }
.Ltmp2:
0x28: {  	_ = 	snop;
	(pc) =	sbr.rel @p1 .LBB2_5-.Ltmp2, $1  }
0x29: {  	_ =	sdelay $0x3  }
0x2a: {  	s12 =	sand.u32 $0x1, s11  }
0x2b: {  	_ =	swait.ge [sflag:s6], $0x3E80;
	p1 =	seq.s32 s12, $0x1;
	s12 =	simm.s32 $0x1F40  }
0x2c: {  	[sflag:s6] =	ssyncset.done $0x0;
	s12 =	simm.s32 @!p1 $0x0  }
0x2d: {  	[sflag:s6] =	ssyncadd.s32 $0xFFFFC180;
	s14 =	sadd.s32 $0x280, s12  }
0x2e: {  	v0 =	vld.msk [tilespmem:s14+$0x0 ss:$0x1], $0xffff;
	_ =	sdelay $0x4  }
0x2f: {  	v0 =	vmin.u32 v0, $0x2800;
	_ =	sdelay $0x3  }
0x30: {  	s13 =	simm.s32 $0x0;
	s12 =	sadd.s32 $0x4100, s12;
	s14 =	sadd.s32 $0x10, s14  }
0x31: {  	[spmem:s9] =	stream.indirect_vreg.scatter.add.s32 [tilespmem:s12], [sflag:$0x1], $0x1, v0, vm0, $0x4038;
	[tilespmem:$0x7F80] =	vst v63  }
.LBB2_3:
0x32: {  	v0 =	vld.msk [tilespmem:s14+$0x0 ss:$0x1], $0xffff;
	s13 =	sadd.s32 $0x10, s13  }
0x33: {  	p1 =	slt.u32 s13, $0x1F30;
	_ =	sdelay $0x4  }
0x34: {  	v0 =	vmin.u32 v0, $0x2800  }
.Ltmp3:
0x35: {  	(pc) =	sbr.rel @p1 .LBB2_3-.Ltmp3, $3  }
0x36: {  	_ =	sdelay $0x1  }
0x37: {  	s14 =	sadd.s32 $0x10, s14;
	s12 =	sadd.s32 $0x10, s12  }
0x38: {  	[spmem:s9] =	stream.indirect_vreg.scatter.add.s32 [tilespmem:s12], [sflag:$0x1], $0x1, v0, vm0, $0x4038;
	[tilespmem:$0x7F80] =	vst v63  }
.Ltmp4:
0x39: {  	(pc) =	sbr.rel .LBB2_5-.Ltmp4, $4  }
0x3a: {  	_ = 	snop  }
0x3b: {  	_ =	swait.ge [sflag:s4], $0x1F40  }
0x3c: {  	[sflag:s4] =	ssyncset.done $0x0  }
0x3d: {  	[sflag:s4] =	ssyncadd.s32 $0xFFFFE0C0  }
.LBB2_6:
0x3e: {  	_ =	sfence.sel $0x180000  }
0x3f: {  	s2 =	simm.s32 $0x2;
	[bflag:$0x0] =	sbarrier.arrive $0xFFFF  }
0x40: {  	s30 =	simm.s32 $0x1;
	[sflag:s2] =	ssyncpa.u1 $0x1  }
0x41: {  	[sflag:s30] =	ssyncpa.u1 $0x1  }
0x42: {  	_ =	sfence.stream.spmem  }
0x43: {  	s31 =	simm.s32 $0x3D;
	[bflag:$0x0] =	sbarrier.arrive $0xFFFF  }
0x44: {  	s2 =	simm.s32 @p0 $0x3D;
	[sflag:s31] =	ssyncpa.u1 $0x0  }
0x45: {  	[sflag:s2] =	ssyncpa.u1 @p0 $0x1  }
0x46: {  	[bflag:$0x0] =	sbarrier.arrive @p0 $0xFFFF  }
0x47: {  	_ =	strace @p0 $0x9000004A  }
0x48: {  	s3 =	simm.s32 @!p0 $0x1C3D;
	s2 =	simm.s32 @!p0 $0x0;
	[bflag:$0x2] =	sbarrier.arrive @p0 $0xFFFF  }
0x49: {  	[hbm:s1], [sflag:s3] =	dma.local @!p0 [spmem:s2], $0x500  }
0x4a: {  	s1 =	simm.s32 @!p0 $0x3D  }
0x4b: {  	_ =	swait.ge @!p0 [sflag:s1], $0x500  }
0x4c: {  	[sflag:s1] =	ssyncset.done @!p0 $0x0  }
0x4d: {  	[sflag:s1] =	ssyncadd.s32 @!p0 $0xFFFFFB00  }
0x4e: {  	[sflag:s1] =	ssyncpa.u1 @!p0 $0x1  }
0x4f: {  	[bflag:$0x0] =	sbarrier.arrive @!p0 $0xFFFF  }
0x50: {  	_ =	strace @!p0 $0x9000004A  }
0x51: {  	s0 =	sadd.s32 @!p0 $0x100000, s0;
	[bflag:$0x2] =	sbarrier.arrive @!p0 $0xFFFF  }
0x52: {  	[sflag:s0] =	ssyncadd.tile.s32 @!p0 $0x1;
	_ =	shalt  }
.Lfunc_end2:
_tile_overlayer_lowered:
.L_overlay_start_2:
0x53: {  	(tag) =	ssettag $0x2  }
0x54: {  	s0 =	rddreg [dreg:$0x0];
	s2 =	stileid.u32  }
0x55: {  	s1 =	rddreg [dreg:$0x1];
	p0 =	sne.s32 s2, $0x0  }
0x56: {  	s3 =	rddreg [dreg:$0x2];
	[bflag:$0x3] =	sbarrier.arrive $0xFFFF;
	s2 =	simm.s32 @!p0 $0x1C01  }
0x57: {  	[timem:s3], [sflag:s2] =	dma.local @!p0 [hbm:s0], s1  }
0x58: {  	s0 =	simm.s32 @!p0 $0x1  }
0x59: {  	_ =	swait.ge @!p0 [sflag:s0], s1  }
0x5a: {  	s1 =	ssub.s32 @!p0 $0x0, s1;
	[sflag:s0] =	ssyncset.done @!p0 $0x0  }
0x5b: {  	[sflag:s0] =	ssyncadd.s32 @!p0 s1  }
0x5c: {  	[bflag:$0x3] =	sbarrier.arrive $0xFFFF  }
0x5d: {  	_ =	shalt  }

// kernel: scatter_offload_async_start.3
scs
__scs_entry_jumppad:
0x0: {  	(pc) =	sbr.rel $0x88, $3  }
0x1: {  	(tag) =	ssettag $0x0;
	lr =	simm.s32 $0x1  }
0x2: {  	[smem:$0x3F98] =	sst lr;
	_ =	strace $0xD0000000  }
0x3: {  	_ = 	snop  }
0x4: {  	_ = 	snop  }
0x5: {  	_ = 	snop  }
0x6: {  	_ = 	snop  }
0x7: {  	_ = 	snop  }
__scs_overlays_trampoline_lowered:
0x8: {  	[smem:$0x3FA7] =	sst s0  }
0x9: {  	[smem:$0x3FA8] =	sst s1  }
0xa: {  	[smem:$0x3FA9] =	sst s2  }
0xb: {  	[smem:$0x3FAA] =	sst s3  }
0xc: {  	[smem:$0x3FAB] =	sst s4  }
0xd: {  	[smem:$0x3FAC] =	sst s5  }
0xe: {  	[smem:$0x3FAD] =	sst s6  }
0xf: {  	[smem:$0x3FAE] =	sst s7  }
0x10: {  	[smem:$0x3FAF] =	sst s8  }
0x11: {  	[smem:$0x3FB0] =	sst s9;
	s0 =	simm.s32 @!p0 $0x0  }
0x12: {  	s1 =	sld [smem:$0x3F96];
	s0 =	simm.s32 @p0 $0x1  }
0x13: {  	[smem:$0x3FB1] =	sst s0;
	s0 =	simm.s32 @!p1 $0x0  }
0x14: {  	s2 =	sld [smem:$0x3F95];
	s0 =	simm.s32 @p1 $0x1  }
0x15: {  	[smem:$0x3FB2] =	sst s0;
	s0 =	simm.s32 @!p2 $0x0  }
0x16: {  	s3 =	sld [smem:$0x3FDB];
	s0 =	simm.s32 @p2 $0x1  }
0x17: {  	s4 =	simm.s32 $0x1BF5;
	[smem:$0x3FB4] =	sst s0  }
0x18: {  	s0 =	sld [smem:$0x3F97];
	_ =	swait.ge [sflag:s4], $0x0  }
0x19: {  	s7 =	sld [smem:$0x3F98]  }
0x1a: {  	s8 =	sadd.s32 $0xFFFFE003, lr  }
0x1b: {  	s9 =	sadd.s32 $0xFFFFFEF7, lr;
	s5 =	simm.s32 $0xFFFFFFFF;
	p2 =	slt.u32 s8, $0xFFFFF086  }
0x1c: {  	p1 =	slt.u32 s9, $0xF7A;
	s5 =	simm.s32 @!p2 $0x0  }
0x1d: {  	s5 =	simm.s32 @p1 $0x1;
	p0 =	seq.s32 s7, s2  }
0x1e: {  	s7 =	smul.u32 @!p0 $0xF7A, s2;
	p2 =	seq.s32 @!p0 s5, $0x0  }
0x1f: {  	s9 =	smul.u32 $0xF7A, s1;
	s8 =	simm.s32 @!p0 $0x1BF5;
	p2 =	por !p2, p0  }
0x20: {  	[sflag:s8] =	ssyncset.s32 @!p0 $0xFFFFF086;
	s6 =	sadd.s32 @!p0 s3, s7;
	s7 =	simm.s32 @!p0 $0x108  }
0x21: {  	s3 =	sadd.s32 s3, s9;
	s6 =	sadd.s32 @!p0 $0x88, s6;
	s7 =	simm.s32 @p2 $0x1082  }
0x22: {  	[simem:s7], [sflag:s8] =	dma.local @!p0 [hbm:s6], $0xF7A  }
0x23: {  	s9 =	sor.u32 $0xD0000000, s2;
	s6 =	simm.s32 $0x108;
	_ =	swait.ge @!p0 [sflag:s8], $0x0  }
0x24: {  	s3 =	sadd.s32 $0x88, s3;
	s6 =	simm.s32 @!p1 $0x1082;
	[sflag:s4] =	ssyncset.s32 $0xFFFFF086  }
0x25: {  	[simem:s6], [sflag:s4] =	dma.local [hbm:s3], $0xF7A  }
0x26: {  	[smem:$0x3F98] =	sst s1;
	(tag) =	ssettag s2;
	_ =	strace s9  }
0x27: {  	s1 =	sld [smem:$0x3FA8]  }
0x28: {  	s2 =	sld [smem:$0x3FA9]  }
0x29: {  	s4 =	sld [smem:$0x3FAB]  }
0x2a: {  	p0 =	seq.s32 s5, $0x0;
	s5 =	sld [smem:$0x3FAC]  }
0x2b: {  	s6 =	sld [smem:$0x3FAD]  }
0x2c: {  	s7 =	sld [smem:$0x3FAE]  }
0x2d: {  	s3 =	simm.s32 $0x108;
	s8 =	sld [smem:$0x3FAF]  }
0x2e: {  	s3 =	simm.s32 @!p0 $0x1082;
	s9 =	sld [smem:$0x3FB0]  }
0x2f: {  	lr =	sadd.s32 s0, s3;
	s0 =	sld [smem:$0x3FA7]  }
0x30: {  	s3 =	sld [smem:$0x3FAA]  }
0x31: {  	[smem:$0x3FB3] =	sst s10  }
0x32: {  	s10 =	sld [smem:$0x3FB1];
	_ =	sdelay $0x3  }
0x33: {  	p0 =	seq.s32 s10, $0x1;
	s10 =	sld [smem:$0x3FB3];
	_ =	sdelay $0x3  }
0x34: {  	[smem:$0x3FB3] =	sst s10  }
0x35: {  	s10 =	sld [smem:$0x3FB2];
	_ =	sdelay $0x3  }
0x36: {  	p1 =	seq.s32 s10, $0x1;
	s10 =	sld [smem:$0x3FB3];
	_ =	sdelay $0x3  }
0x37: {  	[smem:$0x3FB3] =	sst s10  }
0x38: {  	s10 =	sld [smem:$0x3FB4]  }
0x39: {  	_ = 	snop;
	(pc) =	sbr.ind lr, $3  }
0x3a: {  	_ = 	snop  }
0x3b: {  	_ = 	snop  }
0x3c: {  	p2 =	seq.s32 s10, $0x1;
	s10 =	sld [smem:$0x3FB3]  }
0x3d: {  	_ =	shalt  }
0x3e: {  	_ =	shalt  }
0x3f: {  	_ =	shalt  }
0x40: {  	_ =	shalt  }
0x41: {  	_ =	shalt  }
0x42: {  	_ =	shalt  }
0x43: {  	_ =	shalt  }
0x44: {  	_ =	shalt  }
0x45: {  	_ =	shalt  }
0x46: {  	_ =	shalt  }
0x47: {  	_ =	shalt  }
0x48: {  	_ =	shalt  }
0x49: {  	_ =	shalt  }
0x4a: {  	_ =	shalt  }
0x4b: {  	_ =	shalt  }
0x4c: {  	_ =	shalt  }
0x4d: {  	_ =	shalt  }
0x4e: {  	_ =	shalt  }
0x4f: {  	_ =	shalt  }
0x50: {  	_ =	shalt  }
0x51: {  	_ =	shalt  }
0x52: {  	_ =	shalt  }
0x53: {  	_ =	shalt  }
0x54: {  	_ =	shalt  }
0x55: {  	_ =	shalt  }
0x56: {  	_ =	shalt  }
0x57: {  	_ =	shalt  }
0x58: {  	_ =	shalt  }
0x59: {  	_ =	shalt  }
0x5a: {  	_ =	shalt  }
0x5b: {  	_ =	shalt  }
0x5c: {  	_ =	shalt  }
0x5d: {  	_ =	shalt  }
0x5e: {  	_ =	shalt  }
0x5f: {  	_ =	shalt  }
0x60: {  	_ =	shalt  }
0x61: {  	_ =	shalt  }
0x62: {  	_ =	shalt  }
0x63: {  	_ =	shalt  }
0x64: {  	_ =	shalt  }
0x65: {  	_ =	shalt  }
0x66: {  	_ =	shalt  }
0x67: {  	_ =	shalt  }
0x68: {  	_ =	shalt  }
0x69: {  	_ =	shalt  }
0x6a: {  	_ =	shalt  }
0x6b: {  	_ =	shalt  }
0x6c: {  	_ =	shalt  }
0x6d: {  	_ =	shalt  }
0x6e: {  	_ =	shalt  }
0x6f: {  	_ =	shalt  }
0x70: {  	_ =	shalt  }
0x71: {  	_ =	shalt  }
0x72: {  	_ =	shalt  }
0x73: {  	_ =	shalt  }
0x74: {  	_ =	shalt  }
0x75: {  	_ =	shalt  }
0x76: {  	_ =	shalt  }
0x77: {  	_ =	shalt  }
0x78: {  	_ =	shalt  }
0x79: {  	_ =	shalt  }
0x7a: {  	_ =	shalt  }
0x7b: {  	_ =	shalt  }
0x7c: {  	_ =	shalt  }
0x7d: {  	_ =	shalt  }
0x7e: {  	_ =	shalt  }
0x7f: {  	_ =	shalt  }
0x80: {  	_ =	shalt  }
0x81: {  	_ =	shalt  }
0x82: {  	_ =	shalt  }
0x83: {  	_ =	shalt  }
0x84: {  	_ =	shalt  }
0x85: {  	_ =	shalt  }
0x86: {  	_ =	shalt  }
0x87: {  	_ =	shalt  }
.Lfunc_end0:
.L_simem_size_0:
called_computation.3_lowered:
.L_overlay_start_0:
0x88: {  	s0 =	sld [smem:$0x3FD9]  }
0x89: {  	s1 =	sld [smem:$0x3FFE];
	_ =	sdelay $0x3  }
0x8a: {  	s0 =	sadd.s32 s1, s0  }
0x8b: {  	[smem:$0x3FBF] =	sst s0  }
0x8c: {  	_ = 	snop  }
0x8d: {  	s0 =	sld [smem:$0x3FD0];
	_ =	sdelay $0x2  }
0x8e: {  	s13 =	simm.s32 $0xB;
	s2 =	simm.s32 $0x10  }
0x8f: {  	[smem:s2], [sflag:s13] =	dma.local [hbm:s0], $0x1  }
0x90: {  	_ =	swait.eq [sflag:s13], $0x1  }
0x91: {  	[sflag:s13] =	ssyncset.done $0x0  }
0x92: {  	[sflag:s13] =	ssyncadd.s32 $0xFFFFFFFF  }
0x93: {  	s14 =	sld [smem:$0x10];
	(tm) =	ssettm $0x1  }
0x94: {  	s15 =	sld [smem:$0x3FFB];
	_ =	sdelay $0x3  }
0x95: {  	_ =	strace s15  }
0x96: {  	s1 =	sld [smem:$0x3FFC];
	_ =	sdelay $0x3  }
0x97: {  	_ =	strace s1  }
0x98: {  	s1 =	sld [smem:$0x3FFD];
	_ =	sdelay $0x3  }
0x99: {  	_ =	strace s1  }
0x9a: {  	_ =	strace $0x8FFFFFFF  }
0x9b: {  	s16 =	sld [smem:$0x3FDB];
	_ =	sdelay $0x1  }
0x9c: {  	s17 =	simm.s32 $_scs_section_size  }
0x9d: {  	s3 =	simm.s32 $_size__tile_overlayer_lowered;
	s4 =	simm.s32 $_tile_overlayer_lowered  }
0x9e: {  	s20 =	simm.s32 $0x1BFF;
	s19 =	sshll.u32 s4, $0x1;
	s1 =	sadd.s32 s17, s16  }
0x9f: {  	s5 =	simm.s32 $0x0;
	s18 =	sshll.u32 s3, $0x1;
	s3 =	sadd.s32 s19, s1  }
0xa0: {  	[timem:s5], [sflag:s20] =	dma.local [hbm:s3], s18  }
0xa1: {  	_ =	swait.ge [sflag:s20], s18  }
0xa2: {  	s2 =	ssub.s32 $0x0, s18;
	[sflag:s20] =	ssyncset.done $0x0  }
0xa3: {  	[sflag:s20] =	ssyncadd.s32 s2;
	_ =	sdelay $0x1  }
0xa4: {  	s21 =	simm.s32 $0x1B8B  }
0xa5: {  	_ =	swait.ge [sflag:s21], $0x1  }
0xa6: {  	[sflag:s21] =	ssyncset.done $0x0  }
0xa7: {  	s23 =	simm.s32 $0x1B8E;
	s22 =	sld [smem:$0x3FFE];
	[sflag:s21] =	ssyncadd.s32 $0xFFFFFFFF  }
0xa8: {  	s24 =	simm.s32 $execute0_lowered;
	[smem:$0x3FD2] =	sst s23  }
0xa9: {  	s3 =	sshll.u32 s24, $0x1;
	_ =	strace $0x8000004F;
	[dreg:$0x1] =	wrdreg $0xFFFFFFFF  }
0xaa: {  	s25 =	simm.s32 $_size_execute0_lowered;
	s1 =	sadd.s32 s1, s3;
	[dreg:$0x0] =	wrdreg $0x0  }
0xab: {  	s3 =	sshll.u32 s25, $0x1;
	[dreg:$0x2] =	wrdreg s1  }
0xac: {  	[dreg:$0x3] =	wrdreg s3  }
0xad: {  	[dreg:$0x4] =	wrdreg $0xC0  }
0xae: {  	_ =	task [dreg:s5], $0x5FFFF  }
0xaf: {  	[dreg:$0x1] =	wrdreg $0xFFFFFFFF  }
0xb0: {  	[dreg:$0x0] =	wrdreg $0x60  }
0xb1: {  	[dreg:$0x2] =	wrdreg s22  }
0xb2: {  	[dreg:$0x3] =	wrdreg s14  }
0xb3: {  	[dreg:$0x4] =	wrdreg $0x9  }
0xb4: {  	_ =	task.clear_ibuf [dreg:s5], $0x5FFFF;
	_ =	strace $0x9000004F  }
0xb5: {  	s26 =	simm.s32 $0x9;
	_ =	strace $0x80000051  }
0xb6: {  	_ =	swait.ge [sflag:s26], $0x1  }
0xb7: {  	[sflag:s26] =	ssyncadd.s32 $0xFFFFFFFF  }
0xb8: {  	_ =	strace $0x90000051  }
0xb9: {  	_ =	sfence  }
0xba: {  	s28 =	sld [smem:$0x0];
	_ =	sdelay $0x1  }
0xbb: {  	s29 =	srdreg.scid  }
0xbc: {  	s30 =	sshll.u32 s29, $0xD;
	s31 =	sshrl.u32 s29, $0x2  }
0xbd: {  	s2 =	sand.u32 $0x4000, s30;
	s1 =	sand.u32 $0x1, s29;
	s0 =	sadd.s32 s31, s28  }
0xbe: {  	s1 =	sor.u32 s2, s1;
	s0 =	sshll.u32 s0, $0x11  }
0xbf: {  	s0 =	sor.u32 s0, s1  }
0xc0: {  	s0 =	sadd.s32 $0x8F2B, s0  }
0xc1: {  	[sflag:s0] =	ssyncadd.remote.s32 $0x1  }
0xc2: {  	_ =	sfence.sel $0xFFFF  }
0xc3: {  	[dreg:$0x0] =	wrdreg $0xFFFFFFFF;
	(pc) =	sbr.abs _section_cstart, $3  }
0xc4: {  	[dreg:$0x1] =	wrdreg $0xFFFFFFFF  }
0xc5: {  	_ =	task.clear_ibuf [dreg:s5], $0x2FFFF;
	_ =	strace $0x9FFFFFFF  }
0xc6: {  	(tm) =	ssettm $0x7FFFFFFF  }
0xc7: {  	_ =	shalt  }
tec
execute0_lowered:
.L_overlay_start_1:
0x0: {  	(tag) =	ssettag $0x1  }
0x1: {  	s11 =	rddreg [dreg:$0x0];
	_ =	strace $0x80000050;
	s4 =	stileid.u32  }
0x2: {  	s0 =	simm.s32 $0x1;
	s1 =	smin.u32 s4, $0x8;
	s5 =	sshll.u32 s4, $0x1  }
0x3: {  	[sflag:s0] =	ssyncpa.u1 $0x0;
	s1 =	sadd.s32 s1, s5  }
0x4: {  	v1 =	vimm.s32 $0xFFFFFFFF;
	p0 =	slt.u32 s4, $0x8;
	s6 =	smul.u32 $0x1F40, s1;
	s1 =	simm.s32 $0x5DC0  }
0x5: {  	[tilespmem:$0x10] =	vst v1;
	s1 =	simm.s32 @!p0 $0x3E80  }
0x6: {  	v0 =	vimm.s32 $0x80000000;
	[tilespmem:$0x20] =	vst v1;
	s1 =	sadd.s32 s1, s6  }
0x7: {  	[tilespmem:$0x30] =	vst v0;
	s7 =	smin.u32 s1, $0x4E200  }
0x8: {  	[tilespmem:$0x40] =	vst v0;
	s1 =	ssub.s32 s7, s6  }
0x9: {  	s3 =	simm.s32 $0x2;
	s8 =	simm.s32 $0x7;
	[tilespmem:$0x50] =	vst v0;
	p0 =	sgt.s32 s1, $0x0  }
0xa: {  	s9 =	simm.s32 $0x8;
	s31 =	simm.s32 $0x9;
	[tilespmem:$0x60] =	vst v1;
	s1 =	simm.s32 @!p0 $0x0  }
0xb: {  	s16 =	simm.s32 $0x0;
	s17 =	simm.s32 $0xF0;
	[tilespmem:$0x70] =	vst v1;
	s2 =	smulhi.u32 $0x10624DD3, s1  }
0xc: {  	s18 =	simm.s32 $0xFFFFFFFF;
	s19 =	simm.s32 $0xFFFFC280;
	s20 =	simm.s32 $0xFFFFFFFE;
	[tilespmem:$0x80] =	vst v1  }
0xd: {  	s21 =	simm.s32 $0xF;
	s25 =	simm.s32 $0x0;
	v1 =	vimm.s32 $0x0;
	[tilespmem:$0xB0] =	vst v0;
	s2 =	sshrl.u32 s2, $0x9  }
0xe: {  	s24 =	simm.s32 $0x0;
	s15 =	sshllo.u32 s4, $0x1;
	[tilespmem:$0x90] =	vst v1;
	s10 =	smul.u32 $0x1F40, s2  }
.Ltmp0:
0xf: {  	s13 =	sor.u32 $0x80, s5;
	[tilespmem:$0xA0] =	vst v1;
	[sflag:s3] =	ssyncpa.u1 $0x0;
	(pc) =	sbr.rel .LBB2_1-.Ltmp0, $4  }
0x10: {  	s14 =	sor.u32 $0x81, s5;
	[sflag:s8] =	ssyncpa.u1 $0x0;
	p0 =	sne.s32 s1, s10  }
0x11: {  	[sflag:s9] =	ssyncpa.u1 $0x0;
	s23 =	smov.u32 s6;
	s0 =	simm.s32 @!p0 $0x0  }
0x12: {  	vm0 =	vmmov $0xffff;
	v2 =	vlaneseq.u32;
	[sflag:s31] =	ssyncpa.u1 $0x0;
	s1 =	sadd.s32 $0x1E800, s11;
	s10 =	sadd.s32 s0, s2  }
0x13: {  	vm1 =	vmxor vm1, vm1;
	vm2 =	vmmov $0x1;
	vm3 =	vcmask $0x3F3C;
	p0 =	por $0x0, $0x0;
	s11 =	sadd.s32 $0x1, s10;
	s12 =	sadd.s32 $0x2, s10  }
.LBB2_9:
0x14: {  	p1 =	slt.u32 s24, $0x3  }
0x15: {  	s0 =	simm.s32 @!p1 $0x2  }
0x16: {  	_ =	swait.ge @!p1 [sflag:s0], $0x1F40  }
0x17: {  	[sflag:s0] =	ssyncset.done @!p1 $0x0  }
0x18: {  	[sflag:s0] =	ssyncadd.s32 @!p1 $0xFFFFE0C0;
	s0 =	simm.s32 @!p1 $0x9  }
0x19: {  	_ =	swait.ge @!p1 [sflag:s0], $0x10  }
0x1a: {  	[sflag:s0] =	ssyncset.done @!p1 $0x0  }
0x1b: {  	[sflag:s0] =	ssyncadd.s32 @!p1 $0xFFFFFFF0;
	p1 =	sne.s32 s24, s12  }
.Ltmp1:
0x1c: {  	s2 =	sadd.s32 $0x1F40, s23;
	(pc) =	sbr.rel @!p1 .LBB2_10-.Ltmp1, $4  }
0x1d: {  	s3 =	smov.u32 s6;
	s31 =	sadd.s32 $0x1, s24;
	s17 =	sadd.s32 $0x1F40, s17  }
0x1e: {  	s18 =	sadd.s32 $0x1, s18;
	s25 =	smov.u32 s23;
	p2 =	slt.s32 s2, s7  }
0x1f: {  	p0 =	por !p0, !p0;
	s19 =	sadd.s32 $0x1F40, s19;
	s3 =	smov.u32 @p2 s2  }
0x20: {  	s20 =	sadd.s32 $0x1, s20;
	s23 =	smov.u32 s3;
	s24 =	smov.u32 s31  }
.LBB2_1:
0x21: {  	p1 =	sge.u32 s24, s10  }
0x22: {  	s0 =	smulhi.u32 @!p1 $0xAAAAAAAB, s24;
	_ =	sdelay $0x1  }
0x23: {  	s0 =	sshrl.u32 @!p1 s0, $0x1  }
0x24: {  	s0 =	smul.u32 @!p1 $0x3, s0;
	_ =	sdelay $0x1  }
0x25: {  	s0 =	ssub.s32 @!p1 s24, s0  }
0x26: {  	s0 =	smul.u32 @!p1 $0x7D00, s0;
	_ =	sdelay $0x1  }
0x27: {  	s3 =	rddreg [dreg:$0x1];
	s2 =	sshrl.u32 @!p1 s23, $0x3;
	s0 =	sshrl.u32 @!p1 s0, $0x2  }
0x28: {  	s2 =	sadd.s32 @!p1 s3, s2;
	s3 =	sand.u32 @!p1 $0x7, s23;
	s0 =	sadd.s32 @!p1 $0x100, s0  }
0x29: {  	[tilespmem:s0], [sflag:$0x7] =	stream.linear.gather @!p1 [hbm4b:s2+s3], $0x1F40, $0x38;
	[tilespmem:$0x11A60] =	vst v63  }
0x2a: {  	s0 =	sadd.s32 $0xFFFFFFFF, s24  }
0x2b: {  	p1 =	sge.u32 s0, s10  }
.Ltmp2:
0x2c: {  	_ = 	snop;
	(pc) =	sbr.rel @p1 .LBB2_5-.Ltmp2, $1  }
0x2d: {  	_ =	sdelay $0x3  }
0x2e: {  	s2 =	smulhi.u32 $0xAAAAAAAB, s0;
	_ =	sdelay $0x1  }
0x2f: {  	s2 =	sshrl.u32 s2, $0x1  }
0x30: {  	s2 =	smul.u32 $0x3, s2;
	_ =	sdelay $0x1  }
0x31: {  	s2 =	ssub.s32 s0, s2  }
0x32: {  	s2 =	smul.u32 $0x7D00, s2  }
0x33: {  	_ =	swait.ge [sflag:s8], $0x1F40  }
0x34: {  	[sflag:s8] =	ssyncset.done $0x0;
	s2 =	sshrl.u32 s2, $0x2  }
0x35: {  	[sflag:s8] =	ssyncadd.s32 $0xFFFFE0C0;
	(ifvalue) =	ssetifvalue $0xFFFFFFFF;
	v3 =	vld.msk [tilespmem:s2+$0x100 ss:$0x1], $0xffff;
	_ =	sdelay $0x2  }
0x36: {  	s30 =	smulhi.u32 $0xAAAAAAAB, s18;
	p1 =	sne.s32 s24, $0x1  }
0x37: {  	v4 =	vimm.s32 @!p1 $0x0  }
0x38: {  	s2 =	sshrl.u32 s30, $0x1;
	v4 =	vperm.xlane @!p1 v3, v4  }
0x39: {  	s3 =	sshll.u32 s24, $0x4;
	s2 =	smul.u32 $0xFFFE8900, s2;
	vm4 =	vlt.u32 v3, $0x2800  }
0x3a: {  	s3 =	sand.u32 $0x10, s3;
	v3 =	vnsel vm4, $0xFFFFFFFE, v3;
	vm4 =	vlt.u32 @!p1 v4, $0x2800  }
0x3b: {  	s2 =	sshra.s32 s2, $0x2;
	[tilespmem:s3+$0x60] =	vst v3;
	v3 =	vnsel @!p1 vm4, $0xFFFFFFFE, v4  }
0x3c: {  	s26 =	sadd.s32 s2, s17;
	[tilespmem:$0x80] =	vst @!p1 v3  }
0x3d: {  	v3 =	vld.msk [tilespmem:s26+$0x0 ss:$0x1], $0xffff;
	_ =	sdelay $0x4  }
0x3e: {  	(xrf1) =	vunique.msk.u32 $0xffff, v3;
	_ =	sdelay $0xd  }
0x3f: {  	v4 =	vimm.s32 $0xFFFFFFFF;
	v5, _, _ =	vpop (xrf1)  }
0x40: {  	vm5 =	vne.s32 v3, v4;
	vm4 =	veq.s32 v5, v2  }
0x41: {  	vm6 =	vlt.u32 v3, $0x2800;
	vm4 =	vmand vm5, vm4  }
0x42: {  	vm4 =	vmand vm6, vm4  }
0x43: {  	v4 =	vnsel vm4, $0xFFFFFFFF, v3  }
0x44: {  	s31 =	sand.u32 $0x1, s0  }
0x45: {  	s0 =	simm.s32 $0x1F40;
	p1 =	seq.s32 s31, $0x1  }
0x46: {  	s0 =	simm.s32 @!p1 $0x0  }
0x47: {  	s2 =	sadd.s32 $0x7DF0, s0;
	(ifvalue) =	ssetifvalue $0xFFFFFFFF  }
0x48: {  	v3 =	vperm.xlane v3, v1;
	[tilespmem:s2], [sflag:$0x8] =	stream.indirect_vreg.gather [hbm4b:s1+s16], $0x1, v4, vm0, $0x4038;
	v4 =	vnsel vm6, $0xFFFFFFFE, v4;
	[tilespmem:$0x11A60] =	vst v63  }
0x49: {  	s22 =	sadd.s32 $0xFFFFFFF0, s26;
	s3 =	simm.s32 $0x0;
	[tilespmem:s26+$0x0] =	vst v4  }
.LBB2_3:
0x4a: {  	v4 =	vld.msk [tilespmem:s22+$0x0 ss:$0x1], $0xffff;
	s3 =	sadd.s32 $0x10, s3;
	v5 =	vmov v3;
	s26 =	smov.u32 s22  }
0x4b: {  	p1 =	slt.u32 s3, $0x1F30;
	_ =	sdelay $0x4  }
0x4c: {  	v3 =	vperm.xlane v4, v1;
	(xrf1) =	vunique.msk.u32 $0xffff, v4;
	_ =	sdelay $0xd  }
0x4d: {  	v6, _, _ =	vpop (xrf1)  }
0x4e: {  	vm5 =	vne.s32 v4, v5;
	vm4 =	veq.s32 v6, v2  }
0x4f: {  	vm6 =	vlt.u32 v4, $0x2800;
	vm4 =	vmand vm5, vm4  }
0x50: {  	vm4 =	vmand vm6, vm4  }
0x51: {  	v4 =	vnsel vm4, $0xFFFFFFFF, v4  }
.Ltmp3:
0x52: {  	v5 =	vnsel vm6, $0xFFFFFFFE, v4;
	(pc) =	sbr.rel @p1 .LBB2_3-.Ltmp3, $3  }
0x53: {  	_ =	sdelay $0x1  }
0x54: {  	s22 =	sadd.s32 $0xFFFFFFF0, s22;
	s2 =	sadd.s32 $0xFFFFFFF0, s2;
	(ifvalue) =	ssetifvalue $0xFFFFFFFF  }
0x55: {  	[tilespmem:s2], [sflag:$0x8] =	stream.indirect_vreg.gather [hbm4b:s1+s16], $0x1, v4, vm0, $0x4038;
	[tilespmem:s26+$0x0] =	vst v5  }
0x56: {  	s2 =	sshrl.u32 s25, $0x3;
	s3 =	rddreg [dreg:$0x0]  }
0x57: {  	s0 =	sadd.s32 $0x9D40, s0;
	s2 =	sadd.s32 s3, s2  }
0x58: {  	[tilespmem:s0], [sflag:$0x8] =	stream.linear.gather [hbm:s2], $0x1F40, $0x38;
	[tilespmem:$0x11A60] =	vst v63  }
.LBB2_5:
0x59: {  	p1 =	slt.u32 s24, $0x2  }
0x5a: {  	p2 =	sge.u32 @!p1 s24, s12  }
0x5b: {  	p1 =	por p1, p2  }
.Ltmp4:
0x5c: {  	_ = 	snop;
	(pc) =	sbr.rel @p1 .LBB2_9-.Ltmp4, $1  }
0x5d: {  	_ =	sdelay $0x3  }
0x5e: {  	s0 =	sadd.s32 $0xFFFFFFFE, s24  }
0x5f: {  	s2 =	smulhi.u32 $0xAAAAAAAB, s0;
	_ =	sdelay $0x1  }
0x60: {  	s2 =	sshrl.u32 s2, $0x1  }
0x61: {  	s2 =	smul.u32 $0x3, s2;
	_ =	sdelay $0x1  }
0x62: {  	s0 =	ssub.s32 s0, s2  }
0x63: {  	_ =	swait.ge [sflag:s9], $0x3E80;
	s0 =	smul.u32 $0x1F40, s0  }
0x64: {  	p1 =	sne.s32 s24, s11;
	[sflag:s9] =	ssyncset.done $0x0  }
0x65: {  	[sflag:s9] =	ssyncadd.s32 $0xFFFFC180;
	s2 =	sadd.s32 @!p1 $0x203F, s0  }
0x66: {  	[spmem:s14] =	stream.linear.scatter @!p1 [tilespmem:s2], [sflag:$0x1], $0x1, $0x38;
	[tilespmem:$0x11A60] =	vst v63  }
0x67: {  	s2 =	simm.s32 @!p1 $0x1  }
0x68: {  	_ =	swait.ge @!p1 [sflag:s2], $0x1  }
0x69: {  	s3 =	sshll.u32 s24, $0x4;
	[sflag:s2] =	ssyncset.done @!p1 $0x0  }
0x6a: {  	s25 =	sand.u32 $0x10, s3;
	[sflag:s2] =	ssyncadd.s32 @!p1 $0xFFFFFFFF  }
0x6b: {  	s2 =	sxor.u32 $0x10, s25;
	v4 =	vld [tilespmem:s25+$0x10]  }
0x6c: {  	v5 =	vld [tilespmem:s2+$0x60]  }
0x6d: {  	v3 =	vld [tilespmem:$0x80];
	_ =	sdelay $0x2  }
0x6e: {  	(v2sf) =	vpush v4, $0x0  }
0x6f: {  	(v2sf) =	vpush v5, $0x0  }
0x70: {  	(v2sf) =	vpush v3, $0x0;
	_ =	sdelay $0xc  }
0x71: {  	s4 =	spop (v2sf)  }
0x72: {  	s22 =	spop (v2sf)  }
0x73: {  	s28 =	spop (v2sf)  }
0x74: {  	p3 =	seq.s32 s4, s22;
	p2 =	seq.s32 s28, s4  }
0x75: {  	p2 =	por p3, p2  }
0x76: {  	s26 =	sand.u32 $0x1, s24;
	v4 =	vpsel p2, $0xFFFFFFFF, v4  }
0x77: {  	s29 =	smul.u32 $0x1F40, s26;
	[tilespmem:s25+$0x10] =	vst.msk $0x1, v4  }
0x78: {  	v4 =	vld [tilespmem:$0x30]  }
0x79: {  	v5 =	vld [tilespmem:s29+$0x9D40]  }
0x7a: {  	v6 =	vld [tilespmem:s25+$0x40];
	_ =	sdelay $0x3  }
0x7b: {  	vm4 =	vmmov vm1;
	vm6 =	vmmov vm2;
	vm5 =	vgt.s32 v4, v5  }
0x7c: {  	s3 =	sshll.u32 s26, $0x4;
	vm4 =	vmmov @p3 vm2;
	v5 =	vsel vm5, v4, v5;
	vm5 =	vgt.s32 v4, v6  }
0x7d: {  	s26 =	sor.u32 $0x11A40, s3;
	vm6 =	vmmov @p2 vm1;
	v4 =	vsel vm5, v4, v6;
	[tilespmem:s29+$0x9D40] =	vst.msk vm4, v5  }
0x7e: {  	[tilespmem:s26+$0x0] =	vst.msk vm6, v4  }
0x7f: {  	v4 =	vld [tilespmem:s29+$0x7DF0];
	_ =	sdelay $0x4  }
0x80: {  	v4 =	vshift.insert v4, v1, s21  }
0x81: {  	s4 =	sor.u32 $0x40, s2  }
0x82: {  	v5 =	vimm.s32 $0x80000000;
	[tilespmem:s4+$0x0] =	vst.msk $0x1, v4  }
0x83: {  	[tilespmem:s29+$0x7DFF] =	vst.msk $0x1, v5  }
0x84: {  	v4 =	vld [tilespmem:s0+$0x2030];
	_ =	sdelay $0x1  }
0x85: {  	s0 =	simm.s32 $0x1  }
0x86: {  	s22 =	smulhi.u32 $0xAAAAAAAB, s20;
	s0 =	simm.s32 @!p0 $0x0  }
0x87: {  	s0 =	smul.u32 $0x7D00, s0  }
0x88: {  	s3 =	sshrl.u32 s22, $0x1;
	v4 =	vshift.insert v4, v1, s21  }
0x89: {  	s3 =	smul.u32 $0xFFFE8900, s3;
	s0 =	sshrl.u32 s0, $0x2  }
0x8a: {  	s22 =	sadd.s32 $0x9D40, s0;
	[tilespmem:s2+$0x10] =	vst.msk $0x1, v4  }
0x8b: {  	s4 =	sshra.s32 s3, $0x2;
	v6 =	vld [tilespmem:s22+$0x0]  }
0x8c: {  	s2 =	sadd.s32 s4, s19  }
0x8d: {  	v7 =	vld [tilespmem:s2+$0x0];
	_ =	sdelay $0x2  }
0x8e: {  	vm4 =	vgt.s32 v6, v5  }
0x8f: {  	v5 =	vsel vm4, v6, v5  }
0x90: {  	vm4 =	vne.s32 v7, $0xFFFFFFFF;
	v5 =	vxor.u32 $0x80000000, v5  }
0x91: {  	(xrf0) =	vmax.seg.scan.u32 vm4, v5  }
0x92: {  	s4 =	sadd.s32 $0x5EC0, s0  }
0x93: {  	v8 =	vld [tilespmem:s4+$0x0]  }
0x94: {  	v6 =	vld [tilespmem:$0xA0];
	_ =	sdelay $0x2  }
0x95: {  	v5 =	vperm.xlane v4, v1;
	v9, _, _ =	vpop (xrf0)  }
0x96: {  	vm6 =	veq.s32 v7, v3;
	v9 =	vxor.u32 $0x80000000, v9  }
0x97: {  	vm8 =	veq.s32 v7, v5;
	vm5 =	veq.s32 v6, $0x1;
	vm7 =	vgt.s32 v9, v8  }
0x98: {  	vm8 =	vmor vm8, vm6;
	v6 =	vsel vm7, v9, v8;
	vm7 =	vgt.u32 v7, $0xFFFFFFFD  }
0x99: {  	v10 =	vld [tilespmem:$0x90];
	vm9 =	vmand vm4, vm3;
	vm4 =	vmor vm5, vm6;
	vm5 =	vmor vm8, vm7  }
0x9a: {  	v8 =	vsel vm5, $0xFFFFFFFF, v7;
	_ =	sdelay $0x1  }
0x9b: {  	s30 =	sadd.s32 $0xDBC0, s0  }
0x9c: {  	s31 =	simm.s32 $0x0;
	s3 =	sadd.s32 $0x10, s30;
	s0 =	sadd.s32 $0x10, s22;
	v11 =	vsel vm9, $0x80000000, v9;
	v6 =	vsel vm6, v9, v6  }
0x9d: {  	s2 =	sadd.s32 $0x10, s2;
	s22 =	sadd.s32 $0x10, s4;
	[tilespmem:s30+$0x0] =	vst v6;
	v6 =	vsel vm6, v9, v10;
	v7 =	vshift.insert v11, v0, s21;
	(ifvalue) =	ssetifvalue $0xFFFFFFFF  }
.LBB2_7:
0x9e: {  	[hbm4b:s1+s16] =	stream.indirect_vreg.scatter [tilespmem:s30], [sflag:$0x2], $0x1, v8, vm0, $0x4038;
	[tilespmem:$0x11A60] =	vst v63  }
0x9f: {  	s31 =	sadd.s32 $0x10, s31;
	s30 =	smov.u32 s3;
	v8 =	vld [tilespmem:s0+$0x0]  }
0xa0: {  	p2 =	slt.u32 s31, $0x1F30  }
0xa1: {  	v9 =	vld [tilespmem:s2+$0x0];
	_ =	sdelay $0x2  }
0xa2: {  	vm5 =	vgt.s32 v8, v7  }
0xa3: {  	v7 =	vsel vm5, v8, v7  }
0xa4: {  	vm5 =	vne.s32 v9, $0xFFFFFFFF;
	v7 =	vxor.u32 $0x80000000, v7  }
0xa5: {  	(xrf0) =	vmax.seg.scan.u32 vm5, v7;
	_ =	sdelay $0x2  }
0xa6: {  	v7 =	vld [tilespmem:s22+$0x0];
	_ =	sdelay $0x1  }
0xa7: {  	vm6 =	veq.s32 v9, v3;
	vm7 =	veq.s32 v9, v5  }
0xa8: {  	vm8 =	vgt.u32 v9, $0xFFFFFFFD;
	vm4 =	vmor vm4, vm6;
	vm7 =	vmor vm7, vm6;
	v8, _, _ =	vpop (xrf0)  }
0xa9: {  	vm5 =	vmand vm5, vm3;
	vm7 =	vmor vm7, vm8;
	v10 =	vxor.u32 $0x80000000, v8  }
.Ltmp5:
0xaa: {  	v8 =	vsel vm7, $0xFFFFFFFF, v9;
	vm7 =	vgt.s32 v10, v7;
	v9 =	vsel vm5, $0x80000000, v10;
	(pc) =	sbr.rel @p2 .LBB2_7-.Ltmp5, $4  }
0xab: {  	v6 =	vsel vm6, v10, v6;
	v11 =	vsel vm7, v10, v7;
	v7 =	vshift.insert v9, v0, s21  }
0xac: {  	v9 =	vsel vm6, v10, v11  }
0xad: {  	s0 =	sadd.s32 $0x10, s0;
	s2 =	sadd.s32 $0x10, s2;
	[tilespmem:s3+$0x0] =	vst v9  }
0xae: {  	s22 =	sadd.s32 $0x10, s22;
	s3 =	sadd.s32 $0x10, s3;
	(ifvalue) =	ssetifvalue $0xFFFFFFFF  }
0xaf: {  	_ =	sdelay $0x3  }
0xb0: {  	[hbm4b:s1+s16] =	stream.indirect_vreg.scatter [tilespmem:s30], [sflag:$0x2], $0x1, v8, vm0, $0x4038;
	[tilespmem:$0x11A60] =	vst v63  }
0xb1: {  	v3 =	vld [tilespmem:s29+$0xFAF0];
	_ =	sdelay $0x4  }
0xb2: {  	v3 =	vshift.insert v3, v1, s21  }
0xb3: {  	s0 =	simm.s32 $0x30  }
0xb4: {  	[tilespmem:s0+$0x0] =	vst.msk $0x1, v3  }
0xb5: {  	v3 =	vsel vm4, $0x1, v1;
	[tilespmem:$0x90] =	vst v6  }
0xb6: {  	s0 =	sadd.s32 @!p1 $0xFAFF, s29;
	[tilespmem:$0xA0] =	vst v3  }
0xb7: {  	[spmem:s15] =	stream.linear.scatter @!p1 [tilespmem:s0], [sflag:$0x1], $0x1, $0x38;
	[tilespmem:$0x11A60] =	vst v63  }
0xb8: {  	s0 =	simm.s32 @!p1 $0x1  }
0xb9: {  	v3 =	vmctz.xlane @!p1 vm4;
	_ =	swait.ge @!p1 [sflag:s0], $0x1  }
0xba: {  	(v2sf) =	vpush @!p1 v4, $0x0  }
0xbb: {  	(v2sf) =	vpush @!p1 v3, $0x0;
	_ =	sdelay $0xd  }
0xbc: {  	s2 =	spop @!p1 (v2sf)  }
0xbd: {  	s3 =	spop @!p1 (v2sf)  }
0xbe: {  	p2 =	sne.s32 @!p1 s28, s2;
	p3 =	slt.s32 @!p1 s3, $0xF  }
0xbf: {  	[sflag:s0] =	ssyncset.done @!p1 $0x0;
	p2 =	por p2, p1;
	p3 =	por !p3, p1  }
0xc0: {  	[sflag:s0] =	ssyncadd.s32 @!p1 $0xFFFFFFFF;
	v3 =	vimm.s32 @!p2 $0xFFFFFFFF;
	s3 =	simm.s32 @p3 $0xF  }
0xc1: {  	[tilespmem:$0x80] =	vst @!p2 v3;
	s2 =	sadd.s32 @!p1 $0x90, s3  }
0xc2: {  	[spmem:s5] =	stream.linear.scatter @!p1 [tilespmem:s2], [sflag:$0x1], $0x1, $0x38;
	[tilespmem:$0x11A60] =	vst v63  }
0xc3: {  	_ =	swait.ge @!p1 [sflag:s0], $0x1  }
0xc4: {  	[sflag:s0] =	ssyncset.done @!p1 $0x0  }
0xc5: {  	s2 =	simm.s32 @!p1 $0x80;
	[sflag:s0] =	ssyncadd.s32 @!p1 $0xFFFFFFFF  }
0xc6: {  	[spmem:s13] =	stream.linear.scatter @!p1 [tilespmem:s2], [sflag:$0x1], $0x1, $0x38;
	[tilespmem:$0x11A60] =	vst v63  }
0xc7: {  	_ =	swait.ge @!p1 [sflag:s0], $0x1  }
0xc8: {  	[sflag:s0] =	ssyncset.done @!p1 $0x0  }
0xc9: {  	[sflag:s0] =	ssyncadd.s32 @!p1 $0xFFFFFFFF;
	(ifvalue) =	ssetifvalue $0xFFFFFFFF;
	v3 =	vld [tilespmem:s25+$0x10];
	_ =	sdelay $0x3  }
.Ltmp6:
0xca: {  	_ = 	snop;
	(pc) =	sbr.rel .LBB2_9-.Ltmp6, $3  }
0xcb: {  	_ =	sdelay $0x1  }
0xcc: {  	(ifvalue) =	ssetifvalue $0xFFFFFFFF  }
0xcd: {  	[hbm4b:s1+s16] =	stream.indirect_vreg.scatter [tilespmem:s26], [sflag:$0x9], $0x1, v3, vm0, $0x4038;
	[tilespmem:$0x11A60] =	vst v63  }
.LBB2_10:
0xce: {  	_ =	sfence.sel $0x180000  }
0xcf: {  	s0 =	simm.s32 $0x7;
	[bflag:$0x0] =	sbarrier.arrive $0xFFFF  }
0xd0: {  	s26 =	simm.s32 $0x8;
	[sflag:s0] =	ssyncpa.u1 $0x1  }
0xd1: {  	s28 =	simm.s32 $0x9;
	[sflag:s26] =	ssyncpa.u1 $0x1  }
0xd2: {  	[sflag:s28] =	ssyncpa.u1 $0x1  }
0xd3: {  	_ =	sfence.stream.spmem  }
0xd4: {  	s29 =	simm.s32 $0x3;
	[bflag:$0x0] =	sbarrier.arrive $0xFFFF  }
0xd5: {  	s30 =	simm.s32 $0x4;
	[sflag:s29] =	ssyncpa.u1 $0x1  }
0xd6: {  	s31 =	simm.s32 $0x3C;
	s2 =	stileid.u32;
	[sflag:s30] =	ssyncpa.u1 $0x1  }
0xd7: {  	p0 =	sne.s32 s2, $0x0;
	[sflag:s31] =	ssyncpa.u1 $0x1  }
0xd8: {  	s0 =	simm.s32 @p0 $0x1;
	_ =	sfence @p0  }
0xd9: {  	[sflag:s0] =	ssyncpa.u1 @p0 $0x1;
	s0 =	simm.s32 @p0 $0x2  }
0xda: {  	[sflag:s0] =	ssyncpa.u1 @p0 $0x1  }
0xdb: {  	_ =	strace @p0 $0x90000050  }
0xdc: {  	[bflag:$0x2] =	sbarrier.arrive @p0 $0xFFFF  }
0xdd: {  	_ =	shalt @p0  }
.LBB2_11:
0xde: {  	_ =	sfence.stream.spmem;
	s0 =	simm.s32 $0x5  }
0xdf: {  	s2 =	simm.s32 $0x80;
	s3 =	simm.s32 $0xC0;
	[sflag:s0] =	ssyncpa.u1 $0x0  }
0xe0: {  	[tilespmem:s3], [sflag:$0x5] =	stream.linear.gather [spmem:s2], $0x20, $0x38;
	[tilespmem:$0x11A60] =	vst v63  }
0xe1: {  	s30 =	simm.s32 $0xE0;
	s2 =	simm.s32 $0x0  }
0xe2: {  	[tilespmem:s30], [sflag:$0x5] =	stream.linear.gather [spmem:s2], $0x20, $0x38;
	[tilespmem:$0x11A60] =	vst v63  }
.Ltmp7:
0xe3: {  	_ = 	snop;
	(pc) =	sbr.rel .LBB2_12-.Ltmp7, $4  }
0xe4: {  	_ =	swait.ge [sflag:s0], $0x40  }
0xe5: {  	[sflag:s0] =	ssyncset.done $0x0  }
0xe6: {  	s31 =	simm.s32 $0x6;
	[sflag:s0] =	ssyncadd.s32 $0xFFFFFFC0  }
0xe7: {  	s3 =	simm.s32 $0x0;
	[sflag:s31] =	ssyncpa.u1 $0x0  }
.LBB2_17:
0xe8: {  	p0 =	sgt.u32 s4, $0x27FF  }
0xe9: {  	s0 =	sshrl.u32 @!p0 s4, $0x3  }
0xea: {  	s4 =	sand.u32 @!p0 $0x7, s4;
	s5 =	simm.s32 @!p0 $0xB0;
	s0 =	sadd.s32 @!p0 s1, s0  }
0xeb: {  	[tilespmem:s5], [sflag:$0x6] =	stream.linear.gather @!p0 [hbm4b:s0+s4], $0x1, $0x38;
	[tilespmem:$0x11A60] =	vst v63  }
0xec: {  	s0 =	simm.s32 @!p0 $0x6  }
0xed: {  	_ =	swait.ge @!p0 [sflag:s0], $0x1  }
0xee: {  	[sflag:s0] =	ssyncset.done @!p0 $0x0  }
0xef: {  	[sflag:s0] =	ssyncadd.s32 @!p0 $0xFFFFFFFF  }
0xf0: {  	v1 =	vld.msk @!p0 [tilespmem:$0xB0], $0x1  }
0xf1: {  	v2 =	vld.msk @!p0 [tilespmem:s3+$0xE0], $0x1;
	_ =	sdelay $0x4  }
0xf2: {  	vm0 =	vgt.s32 @!p0 v2, v1  }
0xf3: {  	v1 =	vsel @!p0 vm0, v2, v1  }
0xf4: {  	[tilespmem:s3+$0xE0] =	vst.msk @!p0 $0x1, v1  }
0xf5: {  	[tilespmem:s2+$0xC0] =	vst.msk $0x1, v0  }
0xf6: {  	v0 =	vld.msk [tilespmem:s3+$0xE0], $0x1;
	_ =	sdelay $0x4  }
0xf7: {  	[tilespmem:s2+$0xE0] =	vst.msk $0x1, v0;
	s2 =	sadd.s32 $0x1, s2  }
.LBB2_19:
0xf8: {  	s3 =	sadd.s32 $0x1, s3  }
0xf9: {  	p0 =	sne.s32 s3, $0x20  }
.Ltmp8:
0xfa: {  	_ = 	snop;
	(pc) =	sbr.rel @!p0 .LBB2_20-.Ltmp8, $1  }
0xfb: {  	_ =	sdelay $0x3  }
.LBB2_12:
0xfc: {  	v0 =	vld.msk [tilespmem:s3+$0xC0], $0x1;
	_ =	sdelay $0x4  }
0xfd: {  	(v2sf) =	vpush v0, $0x0;
	_ =	sdelay $0xe  }
0xfe: {  	s4 =	spop (v2sf)  }
0xff: {  	p0 =	seq.s32 s4, $0xFFFFFFFF  }
.Ltmp9:
0x100: {  	_ = 	snop;
	(pc) =	sbr.rel @p0 .LBB2_19-.Ltmp9, $1  }
0x101: {  	_ =	sdelay $0x3  }
0x102: {  	p0 =	slt.s32 s2, $0x1  }
.Ltmp10:
0x103: {  	_ = 	snop;
	(pc) =	sbr.rel @p0 .LBB2_17-.Ltmp10, $1  }
0x104: {  	_ =	sdelay $0x3  }
0x105: {  	s0 =	simm.s32 $0xC0;
	p0 =	por $0x0, $0x0  }
0x106: {  	v1 =	vld.msk @!p0 [tilespmem:s0+$0x0], $0x1;
	_ =	sdelay $0x4  }
0x107: {  	(v2sf) =	vpush @!p0 v1, $0x0;
	_ =	sdelay $0xd  }
0x108: {  	p2 =	sne.s32 s2, $0x1  }
.Ltmp11:
0x109: {  	s5 =	spop @!p0 (v2sf);
	(pc) =	sbr.rel @!p2 .LBB2_16-.Ltmp11, $4  }
0x10a: {  	p1 =	seq.s32 @!p0 s4, s5  }
0x10b: {  	s5 =	simm.s32 $0x0;
	p1 =	por !p1, p0  }
0x10c: {  	s7 =	simm.s32 $0xFFFFFFFF;
	s5 =	simm.s32 @p1 $0xFFFFFFFF  }
0x10d: {  	s6 =	simm.s32 $0x1;
	s5 =	smov.u32 @p0 s7  }
.LBB2_15:
0x10e: {  	s7 =	smov.u32 s5;
	p0 =	sne.s32 s5, $0xFFFFFFFF  }
0x10f: {  	s0 =	sadd.s32 $0x1, s0;
	s5 =	smov.u32 s6;
	s6 =	sadd.s32 $0x1, s6  }
0x110: {  	p1 =	sne.s32 s2, s6;
	v1 =	vld.msk @!p0 [tilespmem:s0+$0x0], $0x1;
	_ =	sdelay $0x4  }
0x111: {  	(v2sf) =	vpush @!p0 v1, $0x0;
	_ =	sdelay $0xe  }
.Ltmp12:
0x112: {  	s8 =	spop @!p0 (v2sf);
	(pc) =	sbr.rel @p1 .LBB2_15-.Ltmp12, $4  }
0x113: {  	p2 =	seq.s32 @!p0 s4, s8  }
0x114: {  	p2 =	por !p2, p0  }
0x115: {  	s5 =	simm.s32 @p2 $0xFFFFFFFF  }
0x116: {  	s5 =	smov.u32 @p0 s7  }
.LBB2_16:
0x117: {  	p0 =	sne.s32 s5, $0xFFFFFFFF  }
.Ltmp13:
0x118: {  	_ = 	snop;
	(pc) =	sbr.rel @!p0 .LBB2_17-.Ltmp13, $1  }
0x119: {  	_ =	sdelay $0x3  }
0x11a: {  	v0 =	vld.msk [tilespmem:s3+$0xE0], $0x1  }
0x11b: {  	v1 =	vld.msk [tilespmem:s5+$0xE0], $0x1;
	_ =	sdelay $0x2  }
.Ltmp14:
0x11c: {  	_ = 	snop;
	(pc) =	sbr.rel .LBB2_19-.Ltmp14, $4  }
0x11d: {  	_ = 	snop  }
0x11e: {  	vm0 =	vgt.s32 v1, v0  }
0x11f: {  	v0 =	vsel vm0, v1, v0  }
0x120: {  	[tilespmem:s5+$0xE0] =	vst.msk $0x1, v0  }
.LBB2_20:
0x121: {  	p0 =	slt.s32 s2, $0x1  }
.Ltmp15:
0x122: {  	_ = 	snop;
	(pc) =	sbr.rel @p0 .LBB2_24-.Ltmp15, $3  }
0x123: {  	_ =	sdelay $0x1  }
0x124: {  	s0 =	simm.s32 $0x6  }
0x125: {  	s3 =	simm.s32 $0x0;
	[sflag:s0] =	ssyncpa.u1 $0x1  }
0x126: {  	s0 =	simm.s32 $0xC0  }
0x127: {  	v0 =	vld.msk [tilespmem:s0+$0x0], $0x1;
	_ =	sdelay $0x4  }
0x128: {  	(v2sf) =	vpush v0, $0x0;
	_ =	sdelay $0xe  }
0x129: {  	s2 =	sadd.s32 $0xFFFFFFFF, s2;
	s4 =	spop (v2sf)  }
0x12a: {  	p1 =	sne.s32 s2, $0x0;
	p0 =	sgt.u32 s4, $0x27FF  }
.Ltmp16:
0x12b: {  	s5 =	sshrl.u32 @!p0 s4, $0x3;
	(pc) =	sbr.rel @!p1 .LBB2_23-.Ltmp16, $4  }
0x12c: {  	s0 =	simm.s32 $0xE0;
	s4 =	sand.u32 @!p0 $0x7, s4;
	s5 =	sadd.s32 @!p0 s1, s5  }
0x12d: {  	[hbm4b:s5+s4] =	stream.linear.scatter @!p0 [tilespmem:s0], [sflag:$0x5], $0x1, $0x38;
	[tilespmem:$0x11A60] =	vst v63  }
0x12e: {  	s5 =	simm.s32 $0x0  }
0x12f: {  	s4 =	simm.s32 $0xC1;
	s5 =	simm.s32 @!p0 $0x4  }
.LBB2_22:
0x130: {  	v0 =	vld.msk [tilespmem:s4+$0x0], $0x1;
	s2 =	sadd.s32 $0xFFFFFFFF, s2;
	s3 =	sadd.s32 s3, s5  }
0x131: {  	p0 =	sne.s32 s2, $0x0;
	_ =	sdelay $0x3  }
0x132: {  	(v2sf) =	vpush v0, $0x0;
	_ =	sdelay $0xe  }
.Ltmp17:
0x133: {  	s6 =	spop (v2sf);
	(pc) =	sbr.rel @p0 .LBB2_22-.Ltmp17, $4  }
0x134: {  	s5 =	simm.s32 $0x0;
	p1 =	sgt.u32 s6, $0x27FF  }
0x135: {  	s0 =	sadd.s32 $0x1, s0;
	s5 =	simm.s32 @!p1 $0x4;
	s7 =	sshrl.u32 @!p1 s6, $0x3  }
0x136: {  	s4 =	sadd.s32 $0x1, s4;
	s6 =	sand.u32 @!p1 $0x7, s6;
	s7 =	sadd.s32 @!p1 s1, s7  }
0x137: {  	[hbm4b:s7+s6] =	stream.linear.scatter @!p1 [tilespmem:s0], [sflag:$0x5], $0x1, $0x38;
	[tilespmem:$0x11A60] =	vst v63  }
.LBB2_23:
0x138: {  	s0 =	sadd.s32 s3, s5  }
0x139: {  	s3 =	sshrl.u32 s0, $0x2  }
.LBB2_24:
0x13a: {  	s0 =	simm.s32 $0x5  }
0x13b: {  	_ =	swait.ge [sflag:s0], s3  }
0x13c: {  	s1 =	ssub.s32 $0x0, s3;
	[sflag:s0] =	ssyncset.done $0x0  }
0x13d: {  	[sflag:s0] =	ssyncadd.s32 s1  }
0x13e: {  	[sflag:s0] =	ssyncpa.u1 $0x1  }
0x13f: {  	s29 =	simm.s32 $0x1;
	_ =	sfence  }
0x140: {  	s30 =	simm.s32 $0x2;
	[sflag:s29] =	ssyncpa.u1 $0x1  }
0x141: {  	[sflag:s30] =	ssyncpa.u1 $0x1  }
0x142: {  	_ =	strace $0x90000050  }
0x143: {  	[bflag:$0x2] =	sbarrier.arrive $0xFFFF  }
0x144: {  	s31 =	rddreg [dreg:$0x2]  }
0x145: {  	s0 =	sadd.s32 $0x100000, s31  }
0x146: {  	[sflag:s0] =	ssyncadd.tile.s32 $0x1;
	_ =	shalt  }
.Lfunc_end2:
_tile_overlayer_lowered:
.L_overlay_start_2:
0x147: {  	(tag) =	ssettag $0x2  }
0x148: {  	s0 =	rddreg [dreg:$0x0];
	s2 =	stileid.u32  }
0x149: {  	s1 =	rddreg [dreg:$0x1];
	p0 =	sne.s32 s2, $0x0  }
0x14a: {  	s3 =	rddreg [dreg:$0x2];
	[bflag:$0x3] =	sbarrier.arrive $0xFFFF;
	s2 =	simm.s32 @!p0 $0x1C01  }
0x14b: {  	[timem:s3], [sflag:s2] =	dma.local @!p0 [hbm:s0], s1  }
0x14c: {  	s0 =	simm.s32 @!p0 $0x1  }
0x14d: {  	_ =	swait.ge @!p0 [sflag:s0], s1  }
0x14e: {  	s1 =	ssub.s32 @!p0 $0x0, s1;
	[sflag:s0] =	ssyncset.done @!p0 $0x0  }
0x14f: {  	[sflag:s0] =	ssyncadd.s32 @!p0 s1  }
0x150: {  	[bflag:$0x3] =	sbarrier.arrive $0xFFFF  }
0x151: {  	_ =	shalt  }

// kernel: scatter_offload_async_start.4
scs
__scs_entry_jumppad:
0x0: {  	(pc) =	sbr.rel $0x88, $3  }
0x1: {  	(tag) =	ssettag $0x0;
	lr =	simm.s32 $0x1  }
0x2: {  	[smem:$0x3F98] =	sst lr;
	_ =	strace $0xD0000000  }
0x3: {  	_ = 	snop  }
0x4: {  	_ = 	snop  }
0x5: {  	_ = 	snop  }
0x6: {  	_ = 	snop  }
0x7: {  	_ = 	snop  }
__scs_overlays_trampoline_lowered:
0x8: {  	[smem:$0x3FA7] =	sst s0  }
0x9: {  	[smem:$0x3FA8] =	sst s1  }
0xa: {  	[smem:$0x3FA9] =	sst s2  }
0xb: {  	[smem:$0x3FAA] =	sst s3  }
0xc: {  	[smem:$0x3FAB] =	sst s4  }
0xd: {  	[smem:$0x3FAC] =	sst s5  }
0xe: {  	[smem:$0x3FAD] =	sst s6  }
0xf: {  	[smem:$0x3FAE] =	sst s7  }
0x10: {  	[smem:$0x3FAF] =	sst s8  }
0x11: {  	[smem:$0x3FB0] =	sst s9;
	s0 =	simm.s32 @!p0 $0x0  }
0x12: {  	s1 =	sld [smem:$0x3F96];
	s0 =	simm.s32 @p0 $0x1  }
0x13: {  	[smem:$0x3FB1] =	sst s0;
	s0 =	simm.s32 @!p1 $0x0  }
0x14: {  	s2 =	sld [smem:$0x3F95];
	s0 =	simm.s32 @p1 $0x1  }
0x15: {  	[smem:$0x3FB2] =	sst s0;
	s0 =	simm.s32 @!p2 $0x0  }
0x16: {  	s3 =	sld [smem:$0x3FDB];
	s0 =	simm.s32 @p2 $0x1  }
0x17: {  	s4 =	simm.s32 $0x1BF5;
	[smem:$0x3FB4] =	sst s0  }
0x18: {  	s0 =	sld [smem:$0x3F97];
	_ =	swait.ge [sflag:s4], $0x0  }
0x19: {  	s7 =	sld [smem:$0x3F98]  }
0x1a: {  	s8 =	sadd.s32 $0xFFFFE003, lr  }
0x1b: {  	s9 =	sadd.s32 $0xFFFFFEF7, lr;
	s5 =	simm.s32 $0xFFFFFFFF;
	p2 =	slt.u32 s8, $0xFFFFF086  }
0x1c: {  	p1 =	slt.u32 s9, $0xF7A;
	s5 =	simm.s32 @!p2 $0x0  }
0x1d: {  	s5 =	simm.s32 @p1 $0x1;
	p0 =	seq.s32 s7, s2  }
0x1e: {  	s7 =	smul.u32 @!p0 $0xF7A, s2;
	p2 =	seq.s32 @!p0 s5, $0x0  }
0x1f: {  	s9 =	smul.u32 $0xF7A, s1;
	s8 =	simm.s32 @!p0 $0x1BF5;
	p2 =	por !p2, p0  }
0x20: {  	[sflag:s8] =	ssyncset.s32 @!p0 $0xFFFFF086;
	s6 =	sadd.s32 @!p0 s3, s7;
	s7 =	simm.s32 @!p0 $0x108  }
0x21: {  	s3 =	sadd.s32 s3, s9;
	s6 =	sadd.s32 @!p0 $0x88, s6;
	s7 =	simm.s32 @p2 $0x1082  }
0x22: {  	[simem:s7], [sflag:s8] =	dma.local @!p0 [hbm:s6], $0xF7A  }
0x23: {  	s9 =	sor.u32 $0xD0000000, s2;
	s6 =	simm.s32 $0x108;
	_ =	swait.ge @!p0 [sflag:s8], $0x0  }
0x24: {  	s3 =	sadd.s32 $0x88, s3;
	s6 =	simm.s32 @!p1 $0x1082;
	[sflag:s4] =	ssyncset.s32 $0xFFFFF086  }
0x25: {  	[simem:s6], [sflag:s4] =	dma.local [hbm:s3], $0xF7A  }
0x26: {  	[smem:$0x3F98] =	sst s1;
	(tag) =	ssettag s2;
	_ =	strace s9  }
0x27: {  	s1 =	sld [smem:$0x3FA8]  }
0x28: {  	s2 =	sld [smem:$0x3FA9]  }
0x29: {  	s4 =	sld [smem:$0x3FAB]  }
0x2a: {  	p0 =	seq.s32 s5, $0x0;
	s5 =	sld [smem:$0x3FAC]  }
0x2b: {  	s6 =	sld [smem:$0x3FAD]  }
0x2c: {  	s7 =	sld [smem:$0x3FAE]  }
0x2d: {  	s3 =	simm.s32 $0x108;
	s8 =	sld [smem:$0x3FAF]  }
0x2e: {  	s3 =	simm.s32 @!p0 $0x1082;
	s9 =	sld [smem:$0x3FB0]  }
0x2f: {  	lr =	sadd.s32 s0, s3;
	s0 =	sld [smem:$0x3FA7]  }
0x30: {  	s3 =	sld [smem:$0x3FAA]  }
0x31: {  	[smem:$0x3FB3] =	sst s10  }
0x32: {  	s10 =	sld [smem:$0x3FB1];
	_ =	sdelay $0x3  }
0x33: {  	p0 =	seq.s32 s10, $0x1;
	s10 =	sld [smem:$0x3FB3];
	_ =	sdelay $0x3  }
0x34: {  	[smem:$0x3FB3] =	sst s10  }
0x35: {  	s10 =	sld [smem:$0x3FB2];
	_ =	sdelay $0x3  }
0x36: {  	p1 =	seq.s32 s10, $0x1;
	s10 =	sld [smem:$0x3FB3];
	_ =	sdelay $0x3  }
0x37: {  	[smem:$0x3FB3] =	sst s10  }
0x38: {  	s10 =	sld [smem:$0x3FB4]  }
0x39: {  	_ = 	snop;
	(pc) =	sbr.ind lr, $3  }
0x3a: {  	_ = 	snop  }
0x3b: {  	_ = 	snop  }
0x3c: {  	p2 =	seq.s32 s10, $0x1;
	s10 =	sld [smem:$0x3FB3]  }
0x3d: {  	_ =	shalt  }
0x3e: {  	_ =	shalt  }
0x3f: {  	_ =	shalt  }
0x40: {  	_ =	shalt  }
0x41: {  	_ =	shalt  }
0x42: {  	_ =	shalt  }
0x43: {  	_ =	shalt  }
0x44: {  	_ =	shalt  }
0x45: {  	_ =	shalt  }
0x46: {  	_ =	shalt  }
0x47: {  	_ =	shalt  }
0x48: {  	_ =	shalt  }
0x49: {  	_ =	shalt  }
0x4a: {  	_ =	shalt  }
0x4b: {  	_ =	shalt  }
0x4c: {  	_ =	shalt  }
0x4d: {  	_ =	shalt  }
0x4e: {  	_ =	shalt  }
0x4f: {  	_ =	shalt  }
0x50: {  	_ =	shalt  }
0x51: {  	_ =	shalt  }
0x52: {  	_ =	shalt  }
0x53: {  	_ =	shalt  }
0x54: {  	_ =	shalt  }
0x55: {  	_ =	shalt  }
0x56: {  	_ =	shalt  }
0x57: {  	_ =	shalt  }
0x58: {  	_ =	shalt  }
0x59: {  	_ =	shalt  }
0x5a: {  	_ =	shalt  }
0x5b: {  	_ =	shalt  }
0x5c: {  	_ =	shalt  }
0x5d: {  	_ =	shalt  }
0x5e: {  	_ =	shalt  }
0x5f: {  	_ =	shalt  }
0x60: {  	_ =	shalt  }
0x61: {  	_ =	shalt  }
0x62: {  	_ =	shalt  }
0x63: {  	_ =	shalt  }
0x64: {  	_ =	shalt  }
0x65: {  	_ =	shalt  }
0x66: {  	_ =	shalt  }
0x67: {  	_ =	shalt  }
0x68: {  	_ =	shalt  }
0x69: {  	_ =	shalt  }
0x6a: {  	_ =	shalt  }
0x6b: {  	_ =	shalt  }
0x6c: {  	_ =	shalt  }
0x6d: {  	_ =	shalt  }
0x6e: {  	_ =	shalt  }
0x6f: {  	_ =	shalt  }
0x70: {  	_ =	shalt  }
0x71: {  	_ =	shalt  }
0x72: {  	_ =	shalt  }
0x73: {  	_ =	shalt  }
0x74: {  	_ =	shalt  }
0x75: {  	_ =	shalt  }
0x76: {  	_ =	shalt  }
0x77: {  	_ =	shalt  }
0x78: {  	_ =	shalt  }
0x79: {  	_ =	shalt  }
0x7a: {  	_ =	shalt  }
0x7b: {  	_ =	shalt  }
0x7c: {  	_ =	shalt  }
0x7d: {  	_ =	shalt  }
0x7e: {  	_ =	shalt  }
0x7f: {  	_ =	shalt  }
0x80: {  	_ =	shalt  }
0x81: {  	_ =	shalt  }
0x82: {  	_ =	shalt  }
0x83: {  	_ =	shalt  }
0x84: {  	_ =	shalt  }
0x85: {  	_ =	shalt  }
0x86: {  	_ =	shalt  }
0x87: {  	_ =	shalt  }
.Lfunc_end0:
.L_simem_size_0:
called_computation.4_lowered:
.L_overlay_start_0:
0x88: {  	s0 =	sld [smem:$0x3FD9]  }
0x89: {  	s1 =	sld [smem:$0x3FFE];
	_ =	sdelay $0x3  }
0x8a: {  	s0 =	sadd.s32 s1, s0  }
0x8b: {  	[smem:$0x3FBF] =	sst s0  }
0x8c: {  	_ = 	snop  }
0x8d: {  	s0 =	sld [smem:$0x3FD0];
	_ =	sdelay $0x2  }
0x8e: {  	s13 =	simm.s32 $0xB;
	s2 =	simm.s32 $0x10  }
0x8f: {  	[smem:s2], [sflag:s13] =	dma.local [hbm:s0], $0x1  }
0x90: {  	_ =	swait.eq [sflag:s13], $0x1  }
0x91: {  	[sflag:s13] =	ssyncset.done $0x0  }
0x92: {  	[sflag:s13] =	ssyncadd.s32 $0xFFFFFFFF  }
0x93: {  	s14 =	sld [smem:$0x10];
	(tm) =	ssettm $0x1  }
0x94: {  	s15 =	sld [smem:$0x3FFB];
	_ =	sdelay $0x3  }
0x95: {  	_ =	strace s15  }
0x96: {  	s1 =	sld [smem:$0x3FFC];
	_ =	sdelay $0x3  }
0x97: {  	_ =	strace s1  }
0x98: {  	s1 =	sld [smem:$0x3FFD];
	_ =	sdelay $0x3  }
0x99: {  	_ =	strace s1  }
0x9a: {  	_ =	strace $0x8FFFFFFF  }
0x9b: {  	s16 =	sld [smem:$0x3FDB];
	_ =	sdelay $0x1  }
0x9c: {  	s17 =	simm.s32 $_scs_section_size  }
0x9d: {  	s3 =	simm.s32 $_size__tile_overlayer_lowered;
	s4 =	simm.s32 $_tile_overlayer_lowered  }
0x9e: {  	s20 =	simm.s32 $0x1BFF;
	s19 =	sshll.u32 s4, $0x1;
	s1 =	sadd.s32 s17, s16  }
0x9f: {  	s5 =	simm.s32 $0x0;
	s18 =	sshll.u32 s3, $0x1;
	s3 =	sadd.s32 s19, s1  }
0xa0: {  	[timem:s5], [sflag:s20] =	dma.local [hbm:s3], s18  }
0xa1: {  	_ =	swait.ge [sflag:s20], s18  }
0xa2: {  	s2 =	ssub.s32 $0x0, s18;
	[sflag:s20] =	ssyncset.done $0x0  }
0xa3: {  	[sflag:s20] =	ssyncadd.s32 s2;
	_ =	sdelay $0x1  }
0xa4: {  	s21 =	simm.s32 $0x1B8B  }
0xa5: {  	_ =	swait.ge [sflag:s21], $0x1  }
0xa6: {  	[sflag:s21] =	ssyncset.done $0x0  }
0xa7: {  	s23 =	simm.s32 $0x1B8E;
	s22 =	sld [smem:$0x3FFE];
	[sflag:s21] =	ssyncadd.s32 $0xFFFFFFFF  }
0xa8: {  	s24 =	simm.s32 $execute0_lowered;
	[smem:$0x3FD2] =	sst s23  }
0xa9: {  	s3 =	sshll.u32 s24, $0x1;
	_ =	strace $0x80000055;
	[dreg:$0x1] =	wrdreg $0xFFFFFFFF  }
0xaa: {  	s25 =	simm.s32 $_size_execute0_lowered;
	s1 =	sadd.s32 s1, s3;
	[dreg:$0x0] =	wrdreg $0x0  }
0xab: {  	s3 =	sshll.u32 s25, $0x1;
	[dreg:$0x2] =	wrdreg s1  }
0xac: {  	[dreg:$0x3] =	wrdreg s3  }
0xad: {  	[dreg:$0x4] =	wrdreg $0xC0  }
0xae: {  	_ =	task [dreg:s5], $0x5FFFF  }
0xaf: {  	[dreg:$0x1] =	wrdreg $0xFFFFFFFF  }
0xb0: {  	[dreg:$0x0] =	wrdreg $0x60  }
0xb1: {  	[dreg:$0x2] =	wrdreg s14  }
0xb2: {  	[dreg:$0x3] =	wrdreg s22  }
0xb3: {  	[dreg:$0x4] =	wrdreg $0x9  }
0xb4: {  	_ =	task.clear_ibuf [dreg:s5], $0x5FFFF;
	_ =	strace $0x90000055  }
0xb5: {  	s26 =	simm.s32 $0x9;
	_ =	strace $0x80000057  }
0xb6: {  	_ =	swait.ge [sflag:s26], $0x1  }
0xb7: {  	[sflag:s26] =	ssyncadd.s32 $0xFFFFFFFF  }
0xb8: {  	_ =	strace $0x90000057  }
0xb9: {  	_ =	sfence  }
0xba: {  	s28 =	sld [smem:$0x0];
	_ =	sdelay $0x1  }
0xbb: {  	s29 =	srdreg.scid  }
0xbc: {  	s30 =	sshll.u32 s29, $0xD;
	s31 =	sshrl.u32 s29, $0x2  }
0xbd: {  	s2 =	sand.u32 $0x4000, s30;
	s1 =	sand.u32 $0x1, s29;
	s0 =	sadd.s32 s31, s28  }
0xbe: {  	s1 =	sor.u32 s2, s1;
	s0 =	sshll.u32 s0, $0x11  }
0xbf: {  	s0 =	sor.u32 s0, s1  }
0xc0: {  	s0 =	sadd.s32 $0x8F2B, s0  }
0xc1: {  	[sflag:s0] =	ssyncadd.remote.s32 $0x1  }
0xc2: {  	_ =	sfence.sel $0xFFFF  }
0xc3: {  	[dreg:$0x0] =	wrdreg $0xFFFFFFFF;
	(pc) =	sbr.abs _section_cstart, $3  }
0xc4: {  	[dreg:$0x1] =	wrdreg $0xFFFFFFFF  }
0xc5: {  	_ =	task.clear_ibuf [dreg:s5], $0x2FFFF;
	_ =	strace $0x9FFFFFFF  }
0xc6: {  	(tm) =	ssettm $0x7FFFFFFF  }
0xc7: {  	_ =	shalt  }
tec
execute0_lowered:
.L_overlay_start_1:
0x0: {  	(tag) =	ssettag $0x1  }
0x1: {  	s1 =	rddreg [dreg:$0x0]  }
0x2: {  	s3 =	rddreg [dreg:$0x1]  }
0x3: {  	s14 =	stileid.u32;
	_ =	strace $0x80000056;
	s0 =	simm.s32 $0x1  }
0x4: {  	v1 =	vimm.s32 $0xFFFFFFFF;
	s2 =	smin.u32 s14, $0x4;
	[sflag:s0] =	ssyncpa.u1 $0x0  }
0x5: {  	s2 =	sadd.s32 s14, s2;
	[tilespmem:$0x10] =	vst v1  }
0x6: {  	v0 =	vimm.f32 $0.0e+00;
	p0 =	slt.u32 s14, $0x4;
	[tilespmem:$0x20] =	vst v1;
	s4 =	smul.u32 $0x1F40, s2;
	s2 =	simm.s32 $0x3E80  }
0x7: {  	[tilespmem:$0x30] =	vst v0;
	s2 =	simm.s32 @!p0 $0x1F40  }
0x8: {  	[tilespmem:$0x40] =	vst v0;
	s2 =	sadd.s32 s2, s4  }
0x9: {  	[tilespmem:$0x50] =	vst v0;
	s5 =	smin.u32 s2, $0x27100  }
0xa: {  	s7 =	simm.s32 $0x2;
	[tilespmem:$0x60] =	vst v1;
	s2 =	ssub.s32 s5, s4  }
0xb: {  	s8 =	simm.s32 $0x8;
	s31 =	simm.s32 $0x9;
	[tilespmem:$0x70] =	vst v1;
	p0 =	sgt.s32 s2, $0x0  }
0xc: {  	s16 =	simm.s32 $0x0;
	s17 =	simm.s32 $0xF0;
	[tilespmem:$0x80] =	vst v1;
	s2 =	simm.s32 @!p0 $0x0  }
0xd: {  	s18 =	simm.s32 $0xFFFFFFFF;
	s19 =	simm.s32 $0xFFFFC280;
	v1 =	vimm.s32 $0x0;
	[tilespmem:$0xB0] =	vst v0;
	s6 =	smulhi.u32 $0x10624DD3, s2  }
0xe: {  	s20 =	simm.s32 $0xFFFFFFFE;
	s21 =	simm.s32 $0xF;
	s25 =	simm.s32 $0x0;
	[tilespmem:$0x90] =	vst v1  }
0xf: {  	[tilespmem:$0xA0] =	vst v1;
	[sflag:s7] =	ssyncpa.u1 $0x0;
	s7 =	simm.s32 $0x7;
	s9 =	sshrl.u32 s6, $0x9  }
0x10: {  	s24 =	simm.s32 $0x0;
	[sflag:s7] =	ssyncpa.u1 $0x0;
	s10 =	smul.u32 $0x1F40, s9  }
.Ltmp0:
0x11: {  	[sflag:s8] =	ssyncpa.u1 $0x0;
	s23 =	smov.u32 s4;
	(pc) =	sbr.rel .LBB2_1-.Ltmp0, $4  }
0x12: {  	[sflag:s31] =	ssyncpa.u1 $0x0;
	s6 =	sadd.s32 $0x5000, s3;
	p0 =	sne.s32 s2, s10  }
0x13: {  	s10 =	sshll.u32 s14, $0x1;
	s14 =	sshllo.u32 s14, $0x1;
	s0 =	simm.s32 @!p0 $0x0  }
0x14: {  	vm0 =	vmmov $0xffff;
	v2 =	vlaneseq.u32;
	s13 =	sor.u32 $0x81, s10;
	s15 =	sor.u32 $0x80, s10;
	s9 =	sadd.s32 s0, s9  }
0x15: {  	vm1 =	vmxor vm1, vm1;
	vm2 =	vmmov $0x1;
	vm3 =	vcmask $0x3F3C;
	p0 =	por $0x0, $0x0;
	s11 =	sadd.s32 $0x1, s9;
	s12 =	sadd.s32 $0x2, s9  }
.LBB2_9:
0x16: {  	p1 =	slt.u32 s24, $0x3  }
0x17: {  	s0 =	simm.s32 @!p1 $0x2  }
0x18: {  	_ =	swait.ge @!p1 [sflag:s0], $0x1F40  }
0x19: {  	[sflag:s0] =	ssyncset.done @!p1 $0x0  }
0x1a: {  	[sflag:s0] =	ssyncadd.s32 @!p1 $0xFFFFE0C0;
	s0 =	simm.s32 @!p1 $0x9  }
0x1b: {  	_ =	swait.ge @!p1 [sflag:s0], $0x10  }
0x1c: {  	[sflag:s0] =	ssyncset.done @!p1 $0x0  }
0x1d: {  	[sflag:s0] =	ssyncadd.s32 @!p1 $0xFFFFFFF0;
	p1 =	sne.s32 s24, s12  }
.Ltmp1:
0x1e: {  	s2 =	sadd.s32 $0x1F40, s23;
	(pc) =	sbr.rel @!p1 .LBB2_10-.Ltmp1, $4  }
0x1f: {  	s22 =	smov.u32 s4;
	s31 =	sadd.s32 $0x1, s24;
	s17 =	sadd.s32 $0x1F40, s17  }
0x20: {  	s18 =	sadd.s32 $0x1, s18;
	s25 =	smov.u32 s23;
	p2 =	slt.s32 s2, s5  }
0x21: {  	p0 =	por !p0, !p0;
	s19 =	sadd.s32 $0x1F40, s19;
	s22 =	smov.u32 @p2 s2  }
0x22: {  	s20 =	sadd.s32 $0x1, s20;
	s23 =	smov.u32 s22;
	s24 =	smov.u32 s31  }
.LBB2_1:
0x23: {  	p1 =	sge.u32 s24, s9  }
0x24: {  	s0 =	smulhi.u32 @!p1 $0xAAAAAAAB, s24;
	_ =	sdelay $0x1  }
0x25: {  	s0 =	sshrl.u32 @!p1 s0, $0x1  }
0x26: {  	s0 =	smul.u32 @!p1 $0x3, s0;
	_ =	sdelay $0x1  }
0x27: {  	s0 =	ssub.s32 @!p1 s24, s0  }
0x28: {  	s0 =	smul.u32 @!p1 $0x7D00, s0;
	_ =	sdelay $0x1  }
0x29: {  	s2 =	sshrl.u32 @!p1 s23, $0x3;
	s0 =	sshrl.u32 @!p1 s0, $0x2  }
0x2a: {  	s22 =	sand.u32 @!p1 $0x7, s23;
	s2 =	sadd.s32 @!p1 s3, s2;
	s0 =	sadd.s32 @!p1 $0x100, s0  }
0x2b: {  	[tilespmem:s0], [sflag:$0x7] =	stream.linear.gather @!p1 [hbm4b:s2+s22], $0x1F40, $0x38;
	[tilespmem:$0x11A60] =	vst v63  }
0x2c: {  	s0 =	sadd.s32 $0xFFFFFFFF, s24  }
0x2d: {  	p1 =	sge.u32 s0, s9  }
.Ltmp2:
0x2e: {  	_ = 	snop;
	(pc) =	sbr.rel @p1 .LBB2_5-.Ltmp2, $1  }
0x2f: {  	_ =	sdelay $0x3  }
0x30: {  	s2 =	smulhi.u32 $0xAAAAAAAB, s0;
	_ =	sdelay $0x1  }
0x31: {  	s2 =	sshrl.u32 s2, $0x1  }
0x32: {  	s2 =	smul.u32 $0x3, s2;
	_ =	sdelay $0x1  }
0x33: {  	s2 =	ssub.s32 s0, s2  }
0x34: {  	s2 =	smul.u32 $0x7D00, s2  }
0x35: {  	_ =	swait.ge [sflag:s7], $0x1F40  }
0x36: {  	[sflag:s7] =	ssyncset.done $0x0;
	s2 =	sshrl.u32 s2, $0x2  }
0x37: {  	[sflag:s7] =	ssyncadd.s32 $0xFFFFE0C0;
	(ifvalue) =	ssetifvalue $0xFFFFFFFF;
	v3 =	vld.msk [tilespmem:s2+$0x100 ss:$0x1], $0xffff;
	_ =	sdelay $0x2  }
0x38: {  	s30 =	smulhi.u32 $0xAAAAAAAB, s18;
	p1 =	sne.s32 s24, $0x1  }
0x39: {  	v4 =	vimm.s32 @!p1 $0x0  }
0x3a: {  	s2 =	sshrl.u32 s30, $0x1;
	v4 =	vperm.xlane @!p1 v3, v4  }
0x3b: {  	s22 =	sshll.u32 s24, $0x4;
	s2 =	smul.u32 $0xFFFE8900, s2;
	vm4 =	vlt.u32 v3, $0xF4400  }
0x3c: {  	s22 =	sand.u32 $0x10, s22;
	v3 =	vnsel vm4, $0xFFFFFFFE, v3;
	vm4 =	vlt.u32 @!p1 v4, $0xF4400  }
0x3d: {  	s2 =	sshra.s32 s2, $0x2;
	[tilespmem:s22+$0x60] =	vst v3;
	v3 =	vnsel @!p1 vm4, $0xFFFFFFFE, v4  }
0x3e: {  	s28 =	sadd.s32 s2, s17;
	[tilespmem:$0x80] =	vst @!p1 v3  }
0x3f: {  	v3 =	vld.msk [tilespmem:s28+$0x0 ss:$0x1], $0xffff;
	_ =	sdelay $0x4  }
0x40: {  	(xrf1) =	vunique.msk.u32 $0xffff, v3;
	_ =	sdelay $0xd  }
0x41: {  	v4 =	vimm.s32 $0xFFFFFFFF;
	v5, _, _ =	vpop (xrf1)  }
0x42: {  	vm5 =	vne.s32 v3, v4;
	vm4 =	veq.s32 v5, v2  }
0x43: {  	vm6 =	vlt.u32 v3, $0xF4400;
	vm4 =	vmand vm5, vm4  }
0x44: {  	vm4 =	vmand vm6, vm4  }
0x45: {  	v4 =	vnsel vm4, $0xFFFFFFFF, v3  }
0x46: {  	s31 =	sand.u32 $0x1, s0  }
0x47: {  	s0 =	simm.s32 $0x1F40;
	p1 =	seq.s32 s31, $0x1  }
0x48: {  	s0 =	simm.s32 @!p1 $0x0  }
0x49: {  	s26 =	sadd.s32 $0x7DF0, s0;
	(ifvalue) =	ssetifvalue $0xFFFFFFFF  }
0x4a: {  	v3 =	vperm.xlane v3, v1;
	[tilespmem:s26], [sflag:$0x8] =	stream.indirect_vreg.gather [hbm4b:s1+s16], $0x1, v4, vm0, $0x4038;
	v4 =	vnsel vm6, $0xFFFFFFFE, v4;
	[tilespmem:$0x11A60] =	vst v63  }
0x4b: {  	s2 =	simm.s32 $0x0;
	s22 =	sadd.s32 $0xFFFFFFF0, s28;
	[tilespmem:s28+$0x0] =	vst v4  }
.LBB2_3:
0x4c: {  	v4 =	vld.msk [tilespmem:s22+$0x0 ss:$0x1], $0xffff;
	s2 =	sadd.s32 $0x10, s2;
	v5 =	vmov v3;
	s28 =	smov.u32 s22  }
0x4d: {  	p1 =	slt.u32 s2, $0x1F30;
	_ =	sdelay $0x4  }
0x4e: {  	v3 =	vperm.xlane v4, v1;
	(xrf1) =	vunique.msk.u32 $0xffff, v4;
	_ =	sdelay $0xd  }
0x4f: {  	v6, _, _ =	vpop (xrf1)  }
0x50: {  	vm5 =	vne.s32 v4, v5;
	vm4 =	veq.s32 v6, v2  }
0x51: {  	vm6 =	vlt.u32 v4, $0xF4400;
	vm4 =	vmand vm5, vm4  }
0x52: {  	vm4 =	vmand vm6, vm4  }
0x53: {  	v4 =	vnsel vm4, $0xFFFFFFFF, v4  }
.Ltmp3:
0x54: {  	v5 =	vnsel vm6, $0xFFFFFFFE, v4;
	(pc) =	sbr.rel @p1 .LBB2_3-.Ltmp3, $3  }
0x55: {  	_ =	sdelay $0x1  }
0x56: {  	s22 =	sadd.s32 $0xFFFFFFF0, s22;
	s26 =	sadd.s32 $0xFFFFFFF0, s26;
	(ifvalue) =	ssetifvalue $0xFFFFFFFF  }
0x57: {  	[tilespmem:s26], [sflag:$0x8] =	stream.indirect_vreg.gather [hbm4b:s1+s16], $0x1, v4, vm0, $0x4038;
	[tilespmem:s28+$0x0] =	vst v5  }
0x58: {  	s2 =	sshrl.u32 s25, $0x3  }
0x59: {  	s0 =	sadd.s32 $0x9D40, s0;
	s2 =	sadd.s32 s6, s2  }
0x5a: {  	[tilespmem:s0], [sflag:$0x8] =	stream.linear.gather [hbm:s2], $0x1F40, $0x38;
	[tilespmem:$0x11A60] =	vst v63  }
.LBB2_5:
0x5b: {  	p1 =	slt.u32 s24, $0x2  }
0x5c: {  	p2 =	sge.u32 @!p1 s24, s12  }
0x5d: {  	p1 =	por p1, p2  }
.Ltmp4:
0x5e: {  	_ = 	snop;
	(pc) =	sbr.rel @p1 .LBB2_9-.Ltmp4, $1  }
0x5f: {  	_ =	sdelay $0x3  }
0x60: {  	s0 =	sadd.s32 $0xFFFFFFFE, s24  }
0x61: {  	s2 =	smulhi.u32 $0xAAAAAAAB, s0;
	_ =	sdelay $0x1  }
0x62: {  	s2 =	sshrl.u32 s2, $0x1  }
0x63: {  	s2 =	smul.u32 $0x3, s2;
	_ =	sdelay $0x1  }
0x64: {  	s0 =	ssub.s32 s0, s2  }
0x65: {  	_ =	swait.ge [sflag:s8], $0x3E80;
	s0 =	smul.u32 $0x1F40, s0  }
0x66: {  	p1 =	sne.s32 s24, s11;
	[sflag:s8] =	ssyncset.done $0x0  }
0x67: {  	[sflag:s8] =	ssyncadd.s32 $0xFFFFC180;
	s2 =	sadd.s32 @!p1 $0x203F, s0  }
0x68: {  	[spmem:s13] =	stream.linear.scatter @!p1 [tilespmem:s2], [sflag:$0x1], $0x1, $0x38;
	[tilespmem:$0x11A60] =	vst v63  }
0x69: {  	s2 =	simm.s32 @!p1 $0x1  }
0x6a: {  	_ =	swait.ge @!p1 [sflag:s2], $0x1  }
0x6b: {  	s22 =	sshll.u32 s24, $0x4;
	[sflag:s2] =	ssyncset.done @!p1 $0x0  }
0x6c: {  	s25 =	sand.u32 $0x10, s22;
	[sflag:s2] =	ssyncadd.s32 @!p1 $0xFFFFFFFF  }
0x6d: {  	s2 =	sxor.u32 $0x10, s25;
	v4 =	vld [tilespmem:s25+$0x10]  }
0x6e: {  	v5 =	vld [tilespmem:s2+$0x60]  }
0x6f: {  	v3 =	vld [tilespmem:$0x80];
	_ =	sdelay $0x2  }
0x70: {  	(v2sf) =	vpush v4, $0x0  }
0x71: {  	(v2sf) =	vpush v5, $0x0  }
0x72: {  	(v2sf) =	vpush v3, $0x0;
	_ =	sdelay $0xc  }
0x73: {  	s22 =	spop (v2sf)  }
0x74: {  	s26 =	spop (v2sf)  }
0x75: {  	s28 =	spop (v2sf)  }
0x76: {  	p2 =	seq.s32 s22, s26;
	p3 =	seq.s32 s28, s22  }
0x77: {  	p3 =	por p2, p3  }
0x78: {  	s26 =	sand.u32 $0x1, s24;
	v4 =	vpsel p3, $0xFFFFFFFF, v4  }
0x79: {  	s29 =	smul.u32 $0x1F40, s26;
	[tilespmem:s25+$0x10] =	vst.msk $0x1, v4  }
0x7a: {  	v4 =	vld [tilespmem:$0x30]  }
0x7b: {  	v5 =	vld [tilespmem:s29+$0x9D40]  }
0x7c: {  	v6 =	vld [tilespmem:s25+$0x40];
	_ =	sdelay $0x3  }
0x7d: {  	vm4 =	vmmov vm1;
	v5 =	vadd.f32 v5, v4  }
0x7e: {  	vm5 =	vmmov vm2;
	vm4 =	vmmov @p2 vm2;
	s22 =	sshll.u32 s26, $0x4;
	v4 =	vadd.f32 v6, v4  }
0x7f: {  	s26 =	sor.u32 $0x11A40, s22;
	vm5 =	vmmov @p3 vm1;
	[tilespmem:s29+$0x9D40] =	vst.msk vm4, v5  }
0x80: {  	[tilespmem:s26+$0x0] =	vst.msk vm5, v4  }
0x81: {  	v4 =	vld [tilespmem:s29+$0x7DF0];
	_ =	sdelay $0x3  }
0x82: {  	v5 =	vimm.f32 $0.0e+00  }
0x83: {  	v4 =	vshift.insert v4, v5, s21  }
0x84: {  	s22 =	sor.u32 $0x40, s2  }
0x85: {  	[tilespmem:s22+$0x0] =	vst.msk $0x1, v4  }
0x86: {  	[tilespmem:s29+$0x7DFF] =	vst.msk $0x1, v5  }
0x87: {  	v4 =	vld [tilespmem:s0+$0x2030];
	_ =	sdelay $0x1  }
0x88: {  	s22 =	smulhi.u32 $0xAAAAAAAB, s20;
	s0 =	simm.s32 $0x1  }
0x89: {  	s0 =	simm.s32 @!p0 $0x0  }
0x8a: {  	s22 =	sshrl.u32 s22, $0x1;
	s0 =	smul.u32 $0x7D00, s0  }
0x8b: {  	s22 =	smul.u32 $0xFFFE8900, s22;
	v4 =	vshift.insert v4, v1, s21  }
0x8c: {  	s0 =	sshrl.u32 s0, $0x2  }
0x8d: {  	s22 =	sshra.s32 s22, $0x2;
	s30 =	sadd.s32 $0x9D40, s0;
	[tilespmem:s2+$0x10] =	vst.msk $0x1, v4  }
0x8e: {  	s22 =	sadd.s32 s22, s19;
	v6 =	vld [tilespmem:s30+$0x0]  }
0x8f: {  	v7 =	vld [tilespmem:s22+$0x0];
	_ =	sdelay $0x3  }
0x90: {  	v5 =	vadd.f32 v6, v5  }
0x91: {  	vm4 =	vne.s32 v7, $0xFFFFFFFF  }
0x92: {  	(xrf2) =	vadd.seg.scan.f32 vm4, v5;
	_ =	sdelay $0x3  }
0x93: {  	s31 =	sadd.s32 $0x5EC0, s0;
	v5 =	vperm.xlane v4, v1  }
0x94: {  	v6 =	vld [tilespmem:s31+$0x0]  }
0x95: {  	vm5 =	veq.s32 v7, v3;
	vm6 =	veq.s32 v7, v5  }
0x96: {  	vm7 =	vgt.u32 v7, $0xFFFFFFFD;
	vm6 =	vmor vm6, vm5  }
0x97: {  	vm6 =	vmor vm6, vm7  }
0x98: {  	v9 =	vld [tilespmem:$0xA0];
	v7 =	vsel vm6, $0xFFFFFFFF, v7  }
0x99: {  	v10 =	vld [tilespmem:$0x90];
	v6 =	vsel vm5, $0x0, v6;
	v8, _, _ =	vpop (xrf2)  }
0x9a: {  	v6 =	vadd.f32 v8, v6  }
0x9b: {  	s0 =	sadd.s32 $0xDBC0, s0  }
0x9c: {  	vm4 =	vmand vm4, vm3;
	[tilespmem:s0+$0x0] =	vst v6;
	(ifvalue) =	ssetifvalue $0xFFFFFFFF  }
0x9d: {  	vm6 =	veq.s32 v9, $0x1;
	[hbm4b:s1+s16] =	stream.indirect_vreg.scatter [tilespmem:s0], [sflag:$0x2], $0x1, v7, vm0, $0x4038;
	v7 =	vsel vm4, $0x0, v8;
	[tilespmem:$0x11A60] =	vst v63  }
0x9e: {  	s2 =	simm.s32 $0x0;
	s22 =	sadd.s32 $0x10, s22;
	vm4 =	vmor vm6, vm5;
	v6 =	vsel vm5, v8, v10;
	v7 =	vshift.insert v7, v0, s21  }
.LBB2_7:
0x9f: {  	v8 =	vld [tilespmem:s22+$0x0];
	s30 =	sadd.s32 $0x10, s30  }
0xa0: {  	s31 =	sadd.s32 $0x10, s31;
	v9 =	vld [tilespmem:s30+$0x0]  }
0xa1: {  	s2 =	sadd.s32 $0x10, s2;
	v10 =	vld [tilespmem:s31+$0x0]  }
0xa2: {  	p2 =	slt.u32 s2, $0x1F30;
	_ =	sdelay $0x2  }
0xa3: {  	v7 =	vadd.f32 v9, v7  }
0xa4: {  	vm5 =	vne.s32 v8, $0xFFFFFFFF  }
0xa5: {  	vm6 =	vmand vm5, vm3;
	(xrf2) =	vadd.seg.scan.f32 vm5, v7;
	_ =	sdelay $0x5  }
0xa6: {  	vm7 =	veq.s32 v8, v5;
	vm5 =	veq.s32 v8, v3  }
0xa7: {  	vm8 =	vgt.u32 v8, $0xFFFFFFFD;
	vm4 =	vmor vm4, vm5;
	vm7 =	vmor vm7, vm5  }
0xa8: {  	vm7 =	vmor vm7, vm8  }
0xa9: {  	v8 =	vsel vm7, $0xFFFFFFFF, v8  }
.Ltmp5:
0xaa: {  	v7 =	vsel vm5, $0x0, v10;
	v9, _, _ =	vpop (xrf2);
	(pc) =	sbr.rel @p2 .LBB2_7-.Ltmp5, $4  }
0xab: {  	v6 =	vsel vm5, v9, v6;
	v10 =	vadd.f32 v9, v7;
	v7 =	vsel vm6, $0x0, v9  }
0xac: {  	s0 =	sadd.s32 $0x10, s0;
	v7 =	vshift.insert v7, v0, s21  }
0xad: {  	s22 =	sadd.s32 $0x10, s22;
	[tilespmem:s0+$0x0] =	vst v10;
	(ifvalue) =	ssetifvalue $0xFFFFFFFF  }
0xae: {  	[hbm4b:s1+s16] =	stream.indirect_vreg.scatter [tilespmem:s0], [sflag:$0x2], $0x1, v8, vm0, $0x4038;
	[tilespmem:$0x11A60] =	vst v63  }
0xaf: {  	v3 =	vld [tilespmem:s29+$0xFAF0];
	_ =	sdelay $0x4  }
0xb0: {  	v3 =	vshift.insert v3, v0, s21  }
0xb1: {  	s0 =	simm.s32 $0x30  }
0xb2: {  	[tilespmem:s0+$0x0] =	vst.msk $0x1, v3  }
0xb3: {  	v3 =	vsel vm4, $0x1, v1;
	[tilespmem:$0x90] =	vst v6  }
0xb4: {  	s0 =	sadd.s32 @!p1 $0xFAFF, s29;
	[tilespmem:$0xA0] =	vst v3  }
0xb5: {  	[spmem:s14] =	stream.linear.scatter @!p1 [tilespmem:s0], [sflag:$0x1], $0x1, $0x38;
	[tilespmem:$0x11A60] =	vst v63  }
0xb6: {  	s0 =	simm.s32 @!p1 $0x1  }
0xb7: {  	v3 =	vmctz.xlane @!p1 vm4;
	_ =	swait.ge @!p1 [sflag:s0], $0x1  }
0xb8: {  	(v2sf) =	vpush @!p1 v4, $0x0  }
0xb9: {  	(v2sf) =	vpush @!p1 v3, $0x0;
	_ =	sdelay $0xd  }
0xba: {  	s2 =	spop @!p1 (v2sf)  }
0xbb: {  	s22 =	spop @!p1 (v2sf)  }
0xbc: {  	p2 =	sne.s32 @!p1 s28, s2;
	p3 =	slt.s32 @!p1 s22, $0xF  }
0xbd: {  	[sflag:s0] =	ssyncset.done @!p1 $0x0;
	p2 =	por p2, p1;
	p3 =	por !p3, p1  }
0xbe: {  	[sflag:s0] =	ssyncadd.s32 @!p1 $0xFFFFFFFF;
	v3 =	vimm.s32 @!p2 $0xFFFFFFFF;
	s22 =	simm.s32 @p3 $0xF  }
0xbf: {  	[tilespmem:$0x80] =	vst @!p2 v3;
	s2 =	sadd.s32 @!p1 $0x90, s22  }
0xc0: {  	[spmem:s10] =	stream.linear.scatter @!p1 [tilespmem:s2], [sflag:$0x1], $0x1, $0x38;
	[tilespmem:$0x11A60] =	vst v63  }
0xc1: {  	_ =	swait.ge @!p1 [sflag:s0], $0x1  }
0xc2: {  	[sflag:s0] =	ssyncset.done @!p1 $0x0  }
0xc3: {  	s2 =	simm.s32 @!p1 $0x80;
	[sflag:s0] =	ssyncadd.s32 @!p1 $0xFFFFFFFF  }
0xc4: {  	[spmem:s15] =	stream.linear.scatter @!p1 [tilespmem:s2], [sflag:$0x1], $0x1, $0x38;
	[tilespmem:$0x11A60] =	vst v63  }
0xc5: {  	_ =	swait.ge @!p1 [sflag:s0], $0x1  }
0xc6: {  	[sflag:s0] =	ssyncset.done @!p1 $0x0  }
0xc7: {  	[sflag:s0] =	ssyncadd.s32 @!p1 $0xFFFFFFFF;
	(ifvalue) =	ssetifvalue $0xFFFFFFFF;
	v3 =	vld [tilespmem:s25+$0x10];
	_ =	sdelay $0x3  }
.Ltmp6:
0xc8: {  	_ = 	snop;
	(pc) =	sbr.rel .LBB2_9-.Ltmp6, $3  }
0xc9: {  	_ =	sdelay $0x1  }
0xca: {  	(ifvalue) =	ssetifvalue $0xFFFFFFFF  }
0xcb: {  	[hbm4b:s1+s16] =	stream.indirect_vreg.scatter [tilespmem:s26], [sflag:$0x9], $0x1, v3, vm0, $0x4038;
	[tilespmem:$0x11A60] =	vst v63  }
.LBB2_10:
0xcc: {  	_ =	sfence.sel $0x180000  }
0xcd: {  	s0 =	simm.s32 $0x7;
	[bflag:$0x0] =	sbarrier.arrive $0xFFFF  }
0xce: {  	s26 =	simm.s32 $0x8;
	[sflag:s0] =	ssyncpa.u1 $0x1  }
0xcf: {  	s28 =	simm.s32 $0x9;
	[sflag:s26] =	ssyncpa.u1 $0x1  }
0xd0: {  	[sflag:s28] =	ssyncpa.u1 $0x1  }
0xd1: {  	_ =	sfence.stream.spmem  }
0xd2: {  	s29 =	simm.s32 $0x3;
	[bflag:$0x0] =	sbarrier.arrive $0xFFFF  }
0xd3: {  	s30 =	simm.s32 $0x4;
	[sflag:s29] =	ssyncpa.u1 $0x1  }
0xd4: {  	s31 =	simm.s32 $0x3C;
	s2 =	stileid.u32;
	[sflag:s30] =	ssyncpa.u1 $0x1  }
0xd5: {  	p0 =	sne.s32 s2, $0x0;
	[sflag:s31] =	ssyncpa.u1 $0x1  }
0xd6: {  	s0 =	simm.s32 @p0 $0x1;
	_ =	sfence @p0  }
0xd7: {  	[sflag:s0] =	ssyncpa.u1 @p0 $0x1;
	s0 =	simm.s32 @p0 $0x2  }
0xd8: {  	[sflag:s0] =	ssyncpa.u1 @p0 $0x1  }
0xd9: {  	_ =	strace @p0 $0x90000056  }
0xda: {  	[bflag:$0x2] =	sbarrier.arrive @p0 $0xFFFF  }
0xdb: {  	_ =	shalt @p0  }
.LBB2_11:
0xdc: {  	_ =	sfence.stream.spmem;
	s0 =	simm.s32 $0x5  }
0xdd: {  	s2 =	simm.s32 $0x80;
	s3 =	simm.s32 $0xC0;
	[sflag:s0] =	ssyncpa.u1 $0x0  }
0xde: {  	[tilespmem:s3], [sflag:$0x5] =	stream.linear.gather [spmem:s2], $0x20, $0x38;
	[tilespmem:$0x11A60] =	vst v63  }
0xdf: {  	s2 =	simm.s32 $0x0;
	s3 =	simm.s32 $0xE0  }
0xe0: {  	[tilespmem:s3], [sflag:$0x5] =	stream.linear.gather [spmem:s2], $0x20, $0x38;
	[tilespmem:$0x11A60] =	vst v63  }
.Ltmp7:
0xe1: {  	_ = 	snop;
	(pc) =	sbr.rel .LBB2_12-.Ltmp7, $4  }
0xe2: {  	_ =	swait.ge [sflag:s0], $0x40  }
0xe3: {  	[sflag:s0] =	ssyncset.done $0x0  }
0xe4: {  	s31 =	simm.s32 $0x6;
	[sflag:s0] =	ssyncadd.s32 $0xFFFFFFC0  }
0xe5: {  	s4 =	simm.s32 $0x0;
	[sflag:s31] =	ssyncpa.u1 $0x0  }
.LBB2_17:
0xe6: {  	p0 =	sgt.u32 s5, $0xF43FF  }
0xe7: {  	s0 =	sshrl.u32 @!p0 s5, $0x3  }
0xe8: {  	s5 =	sand.u32 @!p0 $0x7, s5;
	s6 =	simm.s32 @!p0 $0xB0;
	s0 =	sadd.s32 @!p0 s1, s0  }
0xe9: {  	[tilespmem:s6], [sflag:$0x6] =	stream.linear.gather @!p0 [hbm4b:s0+s5], $0x1, $0x38;
	[tilespmem:$0x11A60] =	vst v63  }
0xea: {  	s0 =	simm.s32 @!p0 $0x6  }
0xeb: {  	_ =	swait.ge @!p0 [sflag:s0], $0x1  }
0xec: {  	[sflag:s0] =	ssyncset.done @!p0 $0x0  }
0xed: {  	[sflag:s0] =	ssyncadd.s32 @!p0 $0xFFFFFFFF  }
0xee: {  	v2 =	vmov @!p0 s4;
	v1 =	vld.msk @!p0 [tilespmem:$0xB0], $0x1;
	_ =	sdelay $0x3  }
0xef: {  	s0 =	simm.s32 @!p0 $0xE0  }
0xf0: {  	[tilespmem:v2+s0+$0x0], v1 =	vst.idx.ret.add.f32.msk @!p0 $0x1, v1  }
0xf1: {  	[tilespmem:s2+$0xC0] =	vst.msk $0x1, v0  }
0xf2: {  	v0 =	vld.msk [tilespmem:s4+$0xE0], $0x1;
	_ =	sdelay $0x4  }
0xf3: {  	[tilespmem:s2+$0xE0] =	vst.msk $0x1, v0;
	s2 =	sadd.s32 $0x1, s2  }
.LBB2_19:
0xf4: {  	s4 =	sadd.s32 $0x1, s4  }
0xf5: {  	p0 =	sne.s32 s4, $0x20  }
.Ltmp8:
0xf6: {  	_ = 	snop;
	(pc) =	sbr.rel @!p0 .LBB2_20-.Ltmp8, $1  }
0xf7: {  	_ =	sdelay $0x3  }
.LBB2_12:
0xf8: {  	v0 =	vld.msk [tilespmem:s4+$0xC0], $0x1;
	_ =	sdelay $0x4  }
0xf9: {  	(v2sf) =	vpush v0, $0x0;
	_ =	sdelay $0xe  }
0xfa: {  	s5 =	spop (v2sf)  }
0xfb: {  	p0 =	seq.s32 s5, $0xFFFFFFFF  }
.Ltmp9:
0xfc: {  	_ = 	snop;
	(pc) =	sbr.rel @p0 .LBB2_19-.Ltmp9, $1  }
0xfd: {  	_ =	sdelay $0x3  }
0xfe: {  	p0 =	slt.s32 s2, $0x1  }
.Ltmp10:
0xff: {  	_ = 	snop;
	(pc) =	sbr.rel @p0 .LBB2_17-.Ltmp10, $1  }
0x100: {  	_ =	sdelay $0x3  }
0x101: {  	s0 =	simm.s32 $0xC0;
	p0 =	por $0x0, $0x0  }
0x102: {  	v1 =	vld.msk @!p0 [tilespmem:s0+$0x0], $0x1;
	_ =	sdelay $0x4  }
0x103: {  	(v2sf) =	vpush @!p0 v1, $0x0;
	_ =	sdelay $0xd  }
0x104: {  	p2 =	sne.s32 s2, $0x1  }
.Ltmp11:
0x105: {  	s6 =	spop @!p0 (v2sf);
	(pc) =	sbr.rel @!p2 .LBB2_16-.Ltmp11, $4  }
0x106: {  	p1 =	seq.s32 @!p0 s5, s6  }
0x107: {  	s6 =	simm.s32 $0x0;
	p1 =	por !p1, p0  }
0x108: {  	s8 =	simm.s32 $0xFFFFFFFF;
	s6 =	simm.s32 @p1 $0xFFFFFFFF  }
0x109: {  	s7 =	simm.s32 $0x1;
	s6 =	smov.u32 @p0 s8  }
.LBB2_15:
0x10a: {  	s8 =	smov.u32 s6;
	p0 =	sne.s32 s6, $0xFFFFFFFF  }
0x10b: {  	s0 =	sadd.s32 $0x1, s0;
	s6 =	smov.u32 s7;
	s7 =	sadd.s32 $0x1, s7  }
0x10c: {  	p1 =	sne.s32 s2, s7;
	v1 =	vld.msk @!p0 [tilespmem:s0+$0x0], $0x1;
	_ =	sdelay $0x4  }
0x10d: {  	(v2sf) =	vpush @!p0 v1, $0x0;
	_ =	sdelay $0xe  }
.Ltmp12:
0x10e: {  	s9 =	spop @!p0 (v2sf);
	(pc) =	sbr.rel @p1 .LBB2_15-.Ltmp12, $4  }
0x10f: {  	p2 =	seq.s32 @!p0 s5, s9  }
0x110: {  	p2 =	por !p2, p0  }
0x111: {  	s6 =	simm.s32 @p2 $0xFFFFFFFF  }
0x112: {  	s6 =	smov.u32 @p0 s8  }
.LBB2_16:
0x113: {  	p0 =	sne.s32 s6, $0xFFFFFFFF  }
.Ltmp13:
0x114: {  	_ = 	snop;
	(pc) =	sbr.rel @!p0 .LBB2_17-.Ltmp13, $1  }
0x115: {  	_ =	sdelay $0x3  }
0x116: {  	v0 =	vld.msk [tilespmem:s4+$0xE0], $0x1;
	v1 =	vmov s6  }
.Ltmp14:
0x117: {  	_ = 	snop;
	(pc) =	sbr.rel .LBB2_19-.Ltmp14, $2  }
0x118: {  	_ =	sdelay $0x2  }
0x119: {  	[tilespmem:v1+s3+$0x0], v0 =	vst.idx.ret.add.f32.msk $0x1, v0  }
.LBB2_20:
0x11a: {  	p0 =	slt.s32 s2, $0x1  }
.Ltmp15:
0x11b: {  	_ = 	snop;
	(pc) =	sbr.rel @p0 .LBB2_24-.Ltmp15, $3  }
0x11c: {  	_ =	sdelay $0x1  }
0x11d: {  	s0 =	simm.s32 $0x6  }
0x11e: {  	s3 =	simm.s32 $0x0;
	[sflag:s0] =	ssyncpa.u1 $0x1  }
0x11f: {  	s0 =	simm.s32 $0xC0  }
0x120: {  	v0 =	vld.msk [tilespmem:s0+$0x0], $0x1;
	_ =	sdelay $0x4  }
0x121: {  	(v2sf) =	vpush v0, $0x0;
	_ =	sdelay $0xe  }
0x122: {  	s2 =	sadd.s32 $0xFFFFFFFF, s2;
	s4 =	spop (v2sf)  }
0x123: {  	p1 =	sne.s32 s2, $0x0;
	p0 =	sgt.u32 s4, $0xF43FF  }
.Ltmp16:
0x124: {  	s5 =	sshrl.u32 @!p0 s4, $0x3;
	(pc) =	sbr.rel @!p1 .LBB2_23-.Ltmp16, $4  }
0x125: {  	s0 =	simm.s32 $0xE0;
	s4 =	sand.u32 @!p0 $0x7, s4;
	s5 =	sadd.s32 @!p0 s1, s5  }
0x126: {  	[hbm4b:s5+s4] =	stream.linear.scatter @!p0 [tilespmem:s0], [sflag:$0x5], $0x1, $0x38;
	[tilespmem:$0x11A60] =	vst v63  }
0x127: {  	s5 =	simm.s32 $0x0  }
0x128: {  	s4 =	simm.s32 $0xC1;
	s5 =	simm.s32 @!p0 $0x4  }
.LBB2_22:
0x129: {  	v0 =	vld.msk [tilespmem:s4+$0x0], $0x1;
	s2 =	sadd.s32 $0xFFFFFFFF, s2;
	s3 =	sadd.s32 s3, s5  }
0x12a: {  	p0 =	sne.s32 s2, $0x0;
	_ =	sdelay $0x3  }
0x12b: {  	(v2sf) =	vpush v0, $0x0;
	_ =	sdelay $0xe  }
.Ltmp17:
0x12c: {  	s6 =	spop (v2sf);
	(pc) =	sbr.rel @p0 .LBB2_22-.Ltmp17, $4  }
0x12d: {  	s5 =	simm.s32 $0x0;
	p1 =	sgt.u32 s6, $0xF43FF  }
0x12e: {  	s0 =	sadd.s32 $0x1, s0;
	s5 =	simm.s32 @!p1 $0x4;
	s7 =	sshrl.u32 @!p1 s6, $0x3  }
0x12f: {  	s4 =	sadd.s32 $0x1, s4;
	s6 =	sand.u32 @!p1 $0x7, s6;
	s7 =	sadd.s32 @!p1 s1, s7  }
0x130: {  	[hbm4b:s7+s6] =	stream.linear.scatter @!p1 [tilespmem:s0], [sflag:$0x5], $0x1, $0x38;
	[tilespmem:$0x11A60] =	vst v63  }
.LBB2_23:
0x131: {  	s0 =	sadd.s32 s3, s5  }
0x132: {  	s3 =	sshrl.u32 s0, $0x2  }
.LBB2_24:
0x133: {  	s0 =	simm.s32 $0x5  }
0x134: {  	_ =	swait.ge [sflag:s0], s3  }
0x135: {  	s1 =	ssub.s32 $0x0, s3;
	[sflag:s0] =	ssyncset.done $0x0  }
0x136: {  	[sflag:s0] =	ssyncadd.s32 s1  }
0x137: {  	[sflag:s0] =	ssyncpa.u1 $0x1  }
0x138: {  	s29 =	simm.s32 $0x1;
	_ =	sfence  }
0x139: {  	s30 =	simm.s32 $0x2;
	[sflag:s29] =	ssyncpa.u1 $0x1  }
0x13a: {  	[sflag:s30] =	ssyncpa.u1 $0x1  }
0x13b: {  	_ =	strace $0x90000056  }
0x13c: {  	[bflag:$0x2] =	sbarrier.arrive $0xFFFF  }
0x13d: {  	s31 =	rddreg [dreg:$0x2]  }
0x13e: {  	s0 =	sadd.s32 $0x100000, s31  }
0x13f: {  	[sflag:s0] =	ssyncadd.tile.s32 $0x1;
	_ =	shalt  }
.Lfunc_end2:
_tile_overlayer_lowered:
.L_overlay_start_2:
0x140: {  	(tag) =	ssettag $0x2  }
0x141: {  	s0 =	rddreg [dreg:$0x0];
	s2 =	stileid.u32  }
0x142: {  	s1 =	rddreg [dreg:$0x1];
	p0 =	sne.s32 s2, $0x0  }
0x143: {  	s3 =	rddreg [dreg:$0x2];
	[bflag:$0x3] =	sbarrier.arrive $0xFFFF;
	s2 =	simm.s32 @!p0 $0x1C01  }
0x144: {  	[timem:s3], [sflag:s2] =	dma.local @!p0 [hbm:s0], s1  }
0x145: {  	s0 =	simm.s32 @!p0 $0x1  }
0x146: {  	_ =	swait.ge @!p0 [sflag:s0], s1  }
0x147: {  	s1 =	ssub.s32 @!p0 $0x0, s1;
	[sflag:s0] =	ssyncset.done @!p0 $0x0  }
0x148: {  	[sflag:s0] =	ssyncadd.s32 @!p0 s1  }
0x149: {  	[bflag:$0x3] =	sbarrier.arrive $0xFFFF  }
0x14a: {  	_ =	shalt  }

// kernel: scatter_offload_async_start
scs
__scs_entry_jumppad:
0x0: {  	(pc) =	sbr.rel $0x88, $3  }
0x1: {  	(tag) =	ssettag $0x0;
	lr =	simm.s32 $0x1  }
0x2: {  	[smem:$0x3F98] =	sst lr;
	_ =	strace $0xD0000000  }
0x3: {  	_ = 	snop  }
0x4: {  	_ = 	snop  }
0x5: {  	_ = 	snop  }
0x6: {  	_ = 	snop  }
0x7: {  	_ = 	snop  }
__scs_overlays_trampoline_lowered:
0x8: {  	[smem:$0x3FA7] =	sst s0  }
0x9: {  	[smem:$0x3FA8] =	sst s1  }
0xa: {  	[smem:$0x3FA9] =	sst s2  }
0xb: {  	[smem:$0x3FAA] =	sst s3  }
0xc: {  	[smem:$0x3FAB] =	sst s4  }
0xd: {  	[smem:$0x3FAC] =	sst s5  }
0xe: {  	[smem:$0x3FAD] =	sst s6  }
0xf: {  	[smem:$0x3FAE] =	sst s7  }
0x10: {  	[smem:$0x3FAF] =	sst s8  }
0x11: {  	[smem:$0x3FB0] =	sst s9;
	s0 =	simm.s32 @!p0 $0x0  }
0x12: {  	s1 =	sld [smem:$0x3F96];
	s0 =	simm.s32 @p0 $0x1  }
0x13: {  	[smem:$0x3FB1] =	sst s0;
	s0 =	simm.s32 @!p1 $0x0  }
0x14: {  	s2 =	sld [smem:$0x3F95];
	s0 =	simm.s32 @p1 $0x1  }
0x15: {  	[smem:$0x3FB2] =	sst s0;
	s0 =	simm.s32 @!p2 $0x0  }
0x16: {  	s3 =	sld [smem:$0x3FDB];
	s0 =	simm.s32 @p2 $0x1  }
0x17: {  	s4 =	simm.s32 $0x1BF5;
	[smem:$0x3FB4] =	sst s0  }
0x18: {  	s0 =	sld [smem:$0x3F97];
	_ =	swait.ge [sflag:s4], $0x0  }
0x19: {  	s7 =	sld [smem:$0x3F98]  }
0x1a: {  	s8 =	sadd.s32 $0xFFFFE003, lr  }
0x1b: {  	s9 =	sadd.s32 $0xFFFFFEF7, lr;
	s5 =	simm.s32 $0xFFFFFFFF;
	p2 =	slt.u32 s8, $0xFFFFF086  }
0x1c: {  	p1 =	slt.u32 s9, $0xF7A;
	s5 =	simm.s32 @!p2 $0x0  }
0x1d: {  	s5 =	simm.s32 @p1 $0x1;
	p0 =	seq.s32 s7, s2  }
0x1e: {  	s7 =	smul.u32 @!p0 $0xF7A, s2;
	p2 =	seq.s32 @!p0 s5, $0x0  }
0x1f: {  	s9 =	smul.u32 $0xF7A, s1;
	s8 =	simm.s32 @!p0 $0x1BF5;
	p2 =	por !p2, p0  }
0x20: {  	[sflag:s8] =	ssyncset.s32 @!p0 $0xFFFFF086;
	s6 =	sadd.s32 @!p0 s3, s7;
	s7 =	simm.s32 @!p0 $0x108  }
0x21: {  	s3 =	sadd.s32 s3, s9;
	s6 =	sadd.s32 @!p0 $0x88, s6;
	s7 =	simm.s32 @p2 $0x1082  }
0x22: {  	[simem:s7], [sflag:s8] =	dma.local @!p0 [hbm:s6], $0xF7A  }
0x23: {  	s9 =	sor.u32 $0xD0000000, s2;
	s6 =	simm.s32 $0x108;
	_ =	swait.ge @!p0 [sflag:s8], $0x0  }
0x24: {  	s3 =	sadd.s32 $0x88, s3;
	s6 =	simm.s32 @!p1 $0x1082;
	[sflag:s4] =	ssyncset.s32 $0xFFFFF086  }
0x25: {  	[simem:s6], [sflag:s4] =	dma.local [hbm:s3], $0xF7A  }
0x26: {  	[smem:$0x3F98] =	sst s1;
	(tag) =	ssettag s2;
	_ =	strace s9  }
0x27: {  	s1 =	sld [smem:$0x3FA8]  }
0x28: {  	s2 =	sld [smem:$0x3FA9]  }
0x29: {  	s4 =	sld [smem:$0x3FAB]  }
0x2a: {  	p0 =	seq.s32 s5, $0x0;
	s5 =	sld [smem:$0x3FAC]  }
0x2b: {  	s6 =	sld [smem:$0x3FAD]  }
0x2c: {  	s7 =	sld [smem:$0x3FAE]  }
0x2d: {  	s3 =	simm.s32 $0x108;
	s8 =	sld [smem:$0x3FAF]  }
0x2e: {  	s3 =	simm.s32 @!p0 $0x1082;
	s9 =	sld [smem:$0x3FB0]  }
0x2f: {  	lr =	sadd.s32 s0, s3;
	s0 =	sld [smem:$0x3FA7]  }
0x30: {  	s3 =	sld [smem:$0x3FAA]  }
0x31: {  	[smem:$0x3FB3] =	sst s10  }
0x32: {  	s10 =	sld [smem:$0x3FB1];
	_ =	sdelay $0x3  }
0x33: {  	p0 =	seq.s32 s10, $0x1;
	s10 =	sld [smem:$0x3FB3];
	_ =	sdelay $0x3  }
0x34: {  	[smem:$0x3FB3] =	sst s10  }
0x35: {  	s10 =	sld [smem:$0x3FB2];
	_ =	sdelay $0x3  }
0x36: {  	p1 =	seq.s32 s10, $0x1;
	s10 =	sld [smem:$0x3FB3];
	_ =	sdelay $0x3  }
0x37: {  	[smem:$0x3FB3] =	sst s10  }
0x38: {  	s10 =	sld [smem:$0x3FB4]  }
0x39: {  	_ = 	snop;
	(pc) =	sbr.ind lr, $3  }
0x3a: {  	_ = 	snop  }
0x3b: {  	_ = 	snop  }
0x3c: {  	p2 =	seq.s32 s10, $0x1;
	s10 =	sld [smem:$0x3FB3]  }
0x3d: {  	_ =	shalt  }
0x3e: {  	_ =	shalt  }
0x3f: {  	_ =	shalt  }
0x40: {  	_ =	shalt  }
0x41: {  	_ =	shalt  }
0x42: {  	_ =	shalt  }
0x43: {  	_ =	shalt  }
0x44: {  	_ =	shalt  }
0x45: {  	_ =	shalt  }
0x46: {  	_ =	shalt  }
0x47: {  	_ =	shalt  }
0x48: {  	_ =	shalt  }
0x49: {  	_ =	shalt  }
0x4a: {  	_ =	shalt  }
0x4b: {  	_ =	shalt  }
0x4c: {  	_ =	shalt  }
0x4d: {  	_ =	shalt  }
0x4e: {  	_ =	shalt  }
0x4f: {  	_ =	shalt  }
0x50: {  	_ =	shalt  }
0x51: {  	_ =	shalt  }
0x52: {  	_ =	shalt  }
0x53: {  	_ =	shalt  }
0x54: {  	_ =	shalt  }
0x55: {  	_ =	shalt  }
0x56: {  	_ =	shalt  }
0x57: {  	_ =	shalt  }
0x58: {  	_ =	shalt  }
0x59: {  	_ =	shalt  }
0x5a: {  	_ =	shalt  }
0x5b: {  	_ =	shalt  }
0x5c: {  	_ =	shalt  }
0x5d: {  	_ =	shalt  }
0x5e: {  	_ =	shalt  }
0x5f: {  	_ =	shalt  }
0x60: {  	_ =	shalt  }
0x61: {  	_ =	shalt  }
0x62: {  	_ =	shalt  }
0x63: {  	_ =	shalt  }
0x64: {  	_ =	shalt  }
0x65: {  	_ =	shalt  }
0x66: {  	_ =	shalt  }
0x67: {  	_ =	shalt  }
0x68: {  	_ =	shalt  }
0x69: {  	_ =	shalt  }
0x6a: {  	_ =	shalt  }
0x6b: {  	_ =	shalt  }
0x6c: {  	_ =	shalt  }
0x6d: {  	_ =	shalt  }
0x6e: {  	_ =	shalt  }
0x6f: {  	_ =	shalt  }
0x70: {  	_ =	shalt  }
0x71: {  	_ =	shalt  }
0x72: {  	_ =	shalt  }
0x73: {  	_ =	shalt  }
0x74: {  	_ =	shalt  }
0x75: {  	_ =	shalt  }
0x76: {  	_ =	shalt  }
0x77: {  	_ =	shalt  }
0x78: {  	_ =	shalt  }
0x79: {  	_ =	shalt  }
0x7a: {  	_ =	shalt  }
0x7b: {  	_ =	shalt  }
0x7c: {  	_ =	shalt  }
0x7d: {  	_ =	shalt  }
0x7e: {  	_ =	shalt  }
0x7f: {  	_ =	shalt  }
0x80: {  	_ =	shalt  }
0x81: {  	_ =	shalt  }
0x82: {  	_ =	shalt  }
0x83: {  	_ =	shalt  }
0x84: {  	_ =	shalt  }
0x85: {  	_ =	shalt  }
0x86: {  	_ =	shalt  }
0x87: {  	_ =	shalt  }
.Lfunc_end0:
.L_simem_size_0:
called_computation_lowered:
.L_overlay_start_0:
0x88: {  	s0 =	sld [smem:$0x3FD9]  }
0x89: {  	s1 =	sld [smem:$0x3FFE];
	_ =	sdelay $0x3  }
0x8a: {  	s0 =	sadd.s32 s1, s0  }
0x8b: {  	[smem:$0x3FBF] =	sst s0  }
0x8c: {  	_ = 	snop  }
0x8d: {  	s0 =	sld [smem:$0x3FD0];
	_ =	sdelay $0x2  }
0x8e: {  	s13 =	simm.s32 $0xB;
	s2 =	simm.s32 $0x10  }
0x8f: {  	[smem:s2], [sflag:s13] =	dma.local [hbm:s0], $0x1  }
0x90: {  	_ =	swait.eq [sflag:s13], $0x1  }
0x91: {  	[sflag:s13] =	ssyncset.done $0x0  }
0x92: {  	[sflag:s13] =	ssyncadd.s32 $0xFFFFFFFF  }
0x93: {  	s14 =	sld [smem:$0x10];
	(tm) =	ssettm $0x1  }
0x94: {  	s15 =	sld [smem:$0x3FFB];
	_ =	sdelay $0x3  }
0x95: {  	_ =	strace s15  }
0x96: {  	s1 =	sld [smem:$0x3FFC];
	_ =	sdelay $0x3  }
0x97: {  	_ =	strace s1  }
0x98: {  	s1 =	sld [smem:$0x3FFD];
	_ =	sdelay $0x3  }
0x99: {  	_ =	strace s1  }
0x9a: {  	_ =	strace $0x8FFFFFFF  }
0x9b: {  	s16 =	sld [smem:$0x3FDB];
	_ =	sdelay $0x1  }
0x9c: {  	s17 =	simm.s32 $_scs_section_size  }
0x9d: {  	s3 =	simm.s32 $_size__tile_overlayer_lowered;
	s4 =	simm.s32 $_tile_overlayer_lowered  }
0x9e: {  	s20 =	simm.s32 $0x1BFF;
	s19 =	sshll.u32 s4, $0x1;
	s1 =	sadd.s32 s17, s16  }
0x9f: {  	s5 =	simm.s32 $0x0;
	s18 =	sshll.u32 s3, $0x1;
	s3 =	sadd.s32 s19, s1  }
0xa0: {  	[timem:s5], [sflag:s20] =	dma.local [hbm:s3], s18  }
0xa1: {  	_ =	swait.ge [sflag:s20], s18  }
0xa2: {  	s2 =	ssub.s32 $0x0, s18;
	[sflag:s20] =	ssyncset.done $0x0  }
0xa3: {  	[sflag:s20] =	ssyncadd.s32 s2;
	_ =	sdelay $0x1  }
0xa4: {  	s21 =	simm.s32 $0x1B8B  }
0xa5: {  	_ =	swait.ge [sflag:s21], $0x1  }
0xa6: {  	[sflag:s21] =	ssyncset.done $0x0  }
0xa7: {  	s23 =	simm.s32 $0x1B8E;
	s22 =	sld [smem:$0x3FFE];
	[sflag:s21] =	ssyncadd.s32 $0xFFFFFFFF  }
0xa8: {  	s24 =	simm.s32 $execute0_lowered;
	[smem:$0x3FD2] =	sst s23  }
0xa9: {  	s3 =	sshll.u32 s24, $0x1;
	_ =	strace $0x80000046;
	[dreg:$0x1] =	wrdreg $0xFFFFFFFF  }
0xaa: {  	s25 =	simm.s32 $_size_execute0_lowered;
	s1 =	sadd.s32 s1, s3;
	[dreg:$0x0] =	wrdreg $0x0  }
0xab: {  	s3 =	sshll.u32 s25, $0x1;
	[dreg:$0x2] =	wrdreg s1  }
0xac: {  	[dreg:$0x3] =	wrdreg s3  }
0xad: {  	[dreg:$0x4] =	wrdreg $0xC0  }
0xae: {  	_ =	task [dreg:s5], $0x5FFFF  }
0xaf: {  	[dreg:$0x1] =	wrdreg $0xFFFFFFFF  }
0xb0: {  	[dreg:$0x0] =	wrdreg $0x60  }
0xb1: {  	[dreg:$0x2] =	wrdreg s22  }
0xb2: {  	[dreg:$0x3] =	wrdreg s14  }
0xb3: {  	[dreg:$0x4] =	wrdreg $0x9  }
0xb4: {  	_ =	task.clear_ibuf [dreg:s5], $0x5FFFF;
	_ =	strace $0x90000046  }
0xb5: {  	s26 =	simm.s32 $0x9;
	_ =	strace $0x80000048  }
0xb6: {  	_ =	swait.ge [sflag:s26], $0x1  }
0xb7: {  	[sflag:s26] =	ssyncadd.s32 $0xFFFFFFFF  }
0xb8: {  	_ =	strace $0x90000048  }
0xb9: {  	_ =	sfence  }
0xba: {  	s28 =	sld [smem:$0x0];
	_ =	sdelay $0x1  }
0xbb: {  	s29 =	srdreg.scid  }
0xbc: {  	s30 =	sshll.u32 s29, $0xD;
	s31 =	sshrl.u32 s29, $0x2  }
0xbd: {  	s2 =	sand.u32 $0x4000, s30;
	s1 =	sand.u32 $0x1, s29;
	s0 =	sadd.s32 s31, s28  }
0xbe: {  	s1 =	sor.u32 s2, s1;
	s0 =	sshll.u32 s0, $0x11  }
0xbf: {  	s0 =	sor.u32 s0, s1  }
0xc0: {  	s0 =	sadd.s32 $0x8F2B, s0  }
0xc1: {  	[sflag:s0] =	ssyncadd.remote.s32 $0x1  }
0xc2: {  	_ =	sfence.sel $0xFFFF  }
0xc3: {  	[dreg:$0x0] =	wrdreg $0xFFFFFFFF;
	(pc) =	sbr.abs _section_cstart, $3  }
0xc4: {  	[dreg:$0x1] =	wrdreg $0xFFFFFFFF  }
0xc5: {  	_ =	task.clear_ibuf [dreg:s5], $0x2FFFF;
	_ =	strace $0x9FFFFFFF  }
0xc6: {  	(tm) =	ssettm $0x7FFFFFFF  }
0xc7: {  	_ =	shalt  }
tec
execute0_lowered:
.L_overlay_start_1:
0x0: {  	(tag) =	ssettag $0x1  }
0x1: {  	s0 =	rddreg [dreg:$0x0]  }
0x2: {  	s3 =	rddreg [dreg:$0x1];
	s14 =	stileid.u32  }
0x3: {  	_ =	strace $0x80000047;
	s2 =	simm.s32 $0x1;
	s1 =	smin.u32 s14, $0x4  }
0x4: {  	v1 =	vimm.s32 $0xFFFFFFFF;
	[sflag:s2] =	ssyncpa.u1 $0x0;
	s1 =	sadd.s32 s14, s1  }
0x5: {  	p0 =	slt.u32 s14, $0x4;
	[tilespmem:$0x10] =	vst v1;
	s4 =	smul.u32 $0x1F40, s1;
	s1 =	simm.s32 $0x3E80  }
0x6: {  	v0 =	vimm.f32 $0.0e+00;
	[tilespmem:$0x20] =	vst v1;
	s1 =	simm.s32 @!p0 $0x1F40  }
0x7: {  	[tilespmem:$0x30] =	vst v0;
	s1 =	sadd.s32 s1, s4  }
0x8: {  	[tilespmem:$0x40] =	vst v0;
	s5 =	smin.u32 s1, $0x27100  }
0x9: {  	[tilespmem:$0x50] =	vst v0;
	s9 =	ssub.s32 s5, s4  }
0xa: {  	s7 =	simm.s32 $0x2;
	[tilespmem:$0x60] =	vst v1;
	p0 =	sgt.s32 s9, $0x0  }
0xb: {  	s8 =	simm.s32 $0x8;
	s31 =	simm.s32 $0x9;
	[tilespmem:$0x70] =	vst v1;
	s9 =	simm.s32 @!p0 $0x0  }
0xc: {  	s16 =	simm.s32 $0x0;
	s17 =	simm.s32 $0xF0;
	[tilespmem:$0x80] =	vst v1;
	s30 =	smulhi.u32 $0x10624DD3, s9  }
0xd: {  	s18 =	simm.s32 $0xFFFFFFFF;
	s19 =	simm.s32 $0xFFFFC280;
	s20 =	simm.s32 $0xFFFFFFFE;
	v1 =	vimm.s32 $0x0;
	[tilespmem:$0xB0] =	vst v0  }
0xe: {  	s21 =	simm.s32 $0xF;
	s25 =	simm.s32 $0x0;
	[tilespmem:$0x90] =	vst v1;
	s10 =	sshrl.u32 s30, $0x9  }
0xf: {  	[tilespmem:$0xA0] =	vst v1;
	[sflag:s7] =	ssyncpa.u1 $0x0;
	s7 =	simm.s32 $0x7;
	s11 =	smul.u32 $0x1F40, s10  }
0x10: {  	s24 =	simm.s32 $0x0;
	s6 =	sadd.s32 $0x28000, s0;
	[sflag:s7] =	ssyncpa.u1 $0x0  }
.Ltmp0:
0x11: {  	[sflag:s8] =	ssyncpa.u1 $0x0;
	p0 =	sne.s32 s9, s11;
	(pc) =	sbr.rel .LBB2_1-.Ltmp0, $4  }
0x12: {  	s23 =	smov.u32 s4;
	s1 =	sadd.s32 $0x37000, s0;
	s2 =	simm.s32 @!p0 $0x0  }
0x13: {  	[sflag:s31] =	ssyncpa.u1 $0x0;
	p0 =	por $0x0, $0x0;
	s9 =	sadd.s32 s2, s10  }
0x14: {  	vm0 =	vmmov $0xffff;
	v2 =	vlaneseq.u32;
	s10 =	sshll.u32 s14, $0x1;
	s14 =	sshllo.u32 s14, $0x1;
	s11 =	sadd.s32 $0x1, s9  }
0x15: {  	vm1 =	vmxor vm1, vm1;
	vm2 =	vmmov $0x1;
	vm3 =	vcmask $0x3F3C;
	s12 =	sadd.s32 $0x2, s9;
	s13 =	sor.u32 $0x81, s10;
	s15 =	sor.u32 $0x80, s10  }
.LBB2_9:
0x16: {  	p1 =	slt.u32 s24, $0x3  }
0x17: {  	s0 =	simm.s32 @!p1 $0x2  }
0x18: {  	_ =	swait.ge @!p1 [sflag:s0], $0x1F40  }
0x19: {  	[sflag:s0] =	ssyncset.done @!p1 $0x0  }
0x1a: {  	[sflag:s0] =	ssyncadd.s32 @!p1 $0xFFFFE0C0;
	s0 =	simm.s32 @!p1 $0x9  }
0x1b: {  	_ =	swait.ge @!p1 [sflag:s0], $0x10  }
0x1c: {  	[sflag:s0] =	ssyncset.done @!p1 $0x0  }
0x1d: {  	[sflag:s0] =	ssyncadd.s32 @!p1 $0xFFFFFFF0;
	p1 =	sne.s32 s24, s12  }
.Ltmp1:
0x1e: {  	s2 =	sadd.s32 $0x1F40, s23;
	(pc) =	sbr.rel @!p1 .LBB2_10-.Ltmp1, $4  }
0x1f: {  	s22 =	smov.u32 s4;
	s31 =	sadd.s32 $0x1, s24;
	s17 =	sadd.s32 $0x1F40, s17  }
0x20: {  	s18 =	sadd.s32 $0x1, s18;
	s25 =	smov.u32 s23;
	p2 =	slt.s32 s2, s5  }
0x21: {  	p0 =	por !p0, !p0;
	s19 =	sadd.s32 $0x1F40, s19;
	s22 =	smov.u32 @p2 s2  }
0x22: {  	s20 =	sadd.s32 $0x1, s20;
	s23 =	smov.u32 s22;
	s24 =	smov.u32 s31  }
.LBB2_1:
0x23: {  	p1 =	sge.u32 s24, s9  }
0x24: {  	s0 =	smulhi.u32 @!p1 $0xAAAAAAAB, s24;
	_ =	sdelay $0x1  }
0x25: {  	s0 =	sshrl.u32 @!p1 s0, $0x1  }
0x26: {  	s0 =	smul.u32 @!p1 $0x3, s0;
	_ =	sdelay $0x1  }
0x27: {  	s0 =	ssub.s32 @!p1 s24, s0  }
0x28: {  	s0 =	smul.u32 @!p1 $0x7D00, s0;
	_ =	sdelay $0x1  }
0x29: {  	s2 =	sshrl.u32 @!p1 s23, $0x3;
	s0 =	sshrl.u32 @!p1 s0, $0x2  }
0x2a: {  	s22 =	sand.u32 @!p1 $0x7, s23;
	s2 =	sadd.s32 @!p1 s3, s2;
	s0 =	sadd.s32 @!p1 $0x100, s0  }
0x2b: {  	[tilespmem:s0], [sflag:$0x7] =	stream.linear.gather @!p1 [hbm4b:s2+s22], $0x1F40, $0x38;
	[tilespmem:$0x11A60] =	vst v63  }
0x2c: {  	s0 =	sadd.s32 $0xFFFFFFFF, s24  }
0x2d: {  	p1 =	sge.u32 s0, s9  }
.Ltmp2:
0x2e: {  	_ = 	snop;
	(pc) =	sbr.rel @p1 .LBB2_5-.Ltmp2, $1  }
0x2f: {  	_ =	sdelay $0x3  }
0x30: {  	s2 =	smulhi.u32 $0xAAAAAAAB, s0;
	_ =	sdelay $0x1  }
0x31: {  	s2 =	sshrl.u32 s2, $0x1  }
0x32: {  	s2 =	smul.u32 $0x3, s2;
	_ =	sdelay $0x1  }
0x33: {  	s2 =	ssub.s32 s0, s2  }
0x34: {  	s2 =	smul.u32 $0x7D00, s2  }
0x35: {  	_ =	swait.ge [sflag:s7], $0x1F40  }
0x36: {  	[sflag:s7] =	ssyncset.done $0x0;
	s2 =	sshrl.u32 s2, $0x2  }
0x37: {  	[sflag:s7] =	ssyncadd.s32 $0xFFFFE0C0;
	(ifvalue) =	ssetifvalue $0xFFFFFFFF;
	v3 =	vld.msk [tilespmem:s2+$0x100 ss:$0x1], $0xffff;
	_ =	sdelay $0x2  }
0x38: {  	s30 =	smulhi.u32 $0xAAAAAAAB, s18;
	p1 =	sne.s32 s24, $0x1  }
0x39: {  	v4 =	vimm.s32 @!p1 $0x0  }
0x3a: {  	s2 =	sshrl.u32 s30, $0x1;
	v4 =	vperm.xlane @!p1 v3, v4  }
0x3b: {  	s22 =	sshll.u32 s24, $0x4;
	s2 =	smul.u32 $0xFFFE8900, s2;
	vm4 =	vlt.u32 v3, $0x2800  }
0x3c: {  	s22 =	sand.u32 $0x10, s22;
	v3 =	vnsel vm4, $0xFFFFFFFE, v3;
	vm4 =	vlt.u32 @!p1 v4, $0x2800  }
0x3d: {  	s2 =	sshra.s32 s2, $0x2;
	[tilespmem:s22+$0x60] =	vst v3;
	v3 =	vnsel @!p1 vm4, $0xFFFFFFFE, v4  }
0x3e: {  	s28 =	sadd.s32 s2, s17;
	[tilespmem:$0x80] =	vst @!p1 v3  }
0x3f: {  	v3 =	vld.msk [tilespmem:s28+$0x0 ss:$0x1], $0xffff;
	_ =	sdelay $0x4  }
0x40: {  	(xrf1) =	vunique.msk.u32 $0xffff, v3;
	_ =	sdelay $0xd  }
0x41: {  	v4 =	vimm.s32 $0xFFFFFFFF;
	v5, _, _ =	vpop (xrf1)  }
0x42: {  	vm5 =	vne.s32 v3, v4;
	vm4 =	veq.s32 v5, v2  }
0x43: {  	vm6 =	vlt.u32 v3, $0x2800;
	vm4 =	vmand vm5, vm4  }
0x44: {  	vm4 =	vmand vm6, vm4  }
0x45: {  	v4 =	vnsel vm4, $0xFFFFFFFF, v3  }
0x46: {  	s31 =	sand.u32 $0x1, s0  }
0x47: {  	s0 =	simm.s32 $0x1F40;
	p1 =	seq.s32 s31, $0x1  }
0x48: {  	s0 =	simm.s32 @!p1 $0x0  }
0x49: {  	s26 =	sadd.s32 $0x7DF0, s0;
	(ifvalue) =	ssetifvalue $0xFFFFFFFF  }
0x4a: {  	v3 =	vperm.xlane v3, v1;
	[tilespmem:s26], [sflag:$0x8] =	stream.indirect_vreg.gather [hbm4b:s1+s16], $0x1, v4, vm0, $0x4038;
	v4 =	vnsel vm6, $0xFFFFFFFE, v4;
	[tilespmem:$0x11A60] =	vst v63  }
0x4b: {  	s2 =	simm.s32 $0x0;
	s22 =	sadd.s32 $0xFFFFFFF0, s28;
	[tilespmem:s28+$0x0] =	vst v4  }
.LBB2_3:
0x4c: {  	v4 =	vld.msk [tilespmem:s22+$0x0 ss:$0x1], $0xffff;
	s2 =	sadd.s32 $0x10, s2;
	v5 =	vmov v3;
	s28 =	smov.u32 s22  }
0x4d: {  	p1 =	slt.u32 s2, $0x1F30;
	_ =	sdelay $0x4  }
0x4e: {  	v3 =	vperm.xlane v4, v1;
	(xrf1) =	vunique.msk.u32 $0xffff, v4;
	_ =	sdelay $0xd  }
0x4f: {  	v6, _, _ =	vpop (xrf1)  }
0x50: {  	vm5 =	vne.s32 v4, v5;
	vm4 =	veq.s32 v6, v2  }
0x51: {  	vm6 =	vlt.u32 v4, $0x2800;
	vm4 =	vmand vm5, vm4  }
0x52: {  	vm4 =	vmand vm6, vm4  }
0x53: {  	v4 =	vnsel vm4, $0xFFFFFFFF, v4  }
.Ltmp3:
0x54: {  	v5 =	vnsel vm6, $0xFFFFFFFE, v4;
	(pc) =	sbr.rel @p1 .LBB2_3-.Ltmp3, $3  }
0x55: {  	_ =	sdelay $0x1  }
0x56: {  	s22 =	sadd.s32 $0xFFFFFFF0, s22;
	s26 =	sadd.s32 $0xFFFFFFF0, s26;
	(ifvalue) =	ssetifvalue $0xFFFFFFFF  }
0x57: {  	[tilespmem:s26], [sflag:$0x8] =	stream.indirect_vreg.gather [hbm4b:s1+s16], $0x1, v4, vm0, $0x4038;
	[tilespmem:s28+$0x0] =	vst v5  }
0x58: {  	s2 =	sshrl.u32 s25, $0x3  }
0x59: {  	s0 =	sadd.s32 $0x9D40, s0;
	s2 =	sadd.s32 s6, s2  }
0x5a: {  	[tilespmem:s0], [sflag:$0x8] =	stream.linear.gather [hbm:s2], $0x1F40, $0x38;
	[tilespmem:$0x11A60] =	vst v63  }
.LBB2_5:
0x5b: {  	p1 =	slt.u32 s24, $0x2  }
0x5c: {  	p2 =	sge.u32 @!p1 s24, s12  }
0x5d: {  	p1 =	por p1, p2  }
.Ltmp4:
0x5e: {  	_ = 	snop;
	(pc) =	sbr.rel @p1 .LBB2_9-.Ltmp4, $1  }
0x5f: {  	_ =	sdelay $0x3  }
0x60: {  	s0 =	sadd.s32 $0xFFFFFFFE, s24  }
0x61: {  	s2 =	smulhi.u32 $0xAAAAAAAB, s0;
	_ =	sdelay $0x1  }
0x62: {  	s2 =	sshrl.u32 s2, $0x1  }
0x63: {  	s2 =	smul.u32 $0x3, s2;
	_ =	sdelay $0x1  }
0x64: {  	s0 =	ssub.s32 s0, s2  }
0x65: {  	_ =	swait.ge [sflag:s8], $0x3E80;
	s0 =	smul.u32 $0x1F40, s0  }
0x66: {  	p1 =	sne.s32 s24, s11;
	[sflag:s8] =	ssyncset.done $0x0  }
0x67: {  	[sflag:s8] =	ssyncadd.s32 $0xFFFFC180;
	s2 =	sadd.s32 @!p1 $0x203F, s0  }
0x68: {  	[spmem:s13] =	stream.linear.scatter @!p1 [tilespmem:s2], [sflag:$0x1], $0x1, $0x38;
	[tilespmem:$0x11A60] =	vst v63  }
0x69: {  	s2 =	simm.s32 @!p1 $0x1  }
0x6a: {  	_ =	swait.ge @!p1 [sflag:s2], $0x1  }
0x6b: {  	s22 =	sshll.u32 s24, $0x4;
	[sflag:s2] =	ssyncset.done @!p1 $0x0  }
0x6c: {  	s25 =	sand.u32 $0x10, s22;
	[sflag:s2] =	ssyncadd.s32 @!p1 $0xFFFFFFFF  }
0x6d: {  	s2 =	sxor.u32 $0x10, s25;
	v4 =	vld [tilespmem:s25+$0x10]  }
0x6e: {  	v5 =	vld [tilespmem:s2+$0x60]  }
0x6f: {  	v3 =	vld [tilespmem:$0x80];
	_ =	sdelay $0x2  }
0x70: {  	(v2sf) =	vpush v4, $0x0  }
0x71: {  	(v2sf) =	vpush v5, $0x0  }
0x72: {  	(v2sf) =	vpush v3, $0x0;
	_ =	sdelay $0xc  }
0x73: {  	s22 =	spop (v2sf)  }
0x74: {  	s26 =	spop (v2sf)  }
0x75: {  	s28 =	spop (v2sf)  }
0x76: {  	p2 =	seq.s32 s22, s26;
	p3 =	seq.s32 s28, s22  }
0x77: {  	p3 =	por p2, p3  }
0x78: {  	s26 =	sand.u32 $0x1, s24;
	v4 =	vpsel p3, $0xFFFFFFFF, v4  }
0x79: {  	s29 =	smul.u32 $0x1F40, s26;
	[tilespmem:s25+$0x10] =	vst.msk $0x1, v4  }
0x7a: {  	v4 =	vld [tilespmem:$0x30]  }
0x7b: {  	v5 =	vld [tilespmem:s29+$0x9D40]  }
0x7c: {  	v6 =	vld [tilespmem:s25+$0x40];
	_ =	sdelay $0x3  }
0x7d: {  	vm4 =	vmmov vm1;
	v5 =	vadd.f32 v5, v4  }
0x7e: {  	vm5 =	vmmov vm2;
	vm4 =	vmmov @p2 vm2;
	s22 =	sshll.u32 s26, $0x4;
	v4 =	vadd.f32 v6, v4  }
0x7f: {  	s26 =	sor.u32 $0x11A40, s22;
	vm5 =	vmmov @p3 vm1;
	[tilespmem:s29+$0x9D40] =	vst.msk vm4, v5  }
0x80: {  	[tilespmem:s26+$0x0] =	vst.msk vm5, v4  }
0x81: {  	v4 =	vld [tilespmem:s29+$0x7DF0];
	_ =	sdelay $0x3  }
0x82: {  	v5 =	vimm.f32 $0.0e+00  }
0x83: {  	v4 =	vshift.insert v4, v5, s21  }
0x84: {  	s22 =	sor.u32 $0x40, s2  }
0x85: {  	[tilespmem:s22+$0x0] =	vst.msk $0x1, v4  }
0x86: {  	[tilespmem:s29+$0x7DFF] =	vst.msk $0x1, v5  }
0x87: {  	v4 =	vld [tilespmem:s0+$0x2030];
	_ =	sdelay $0x1  }
0x88: {  	s22 =	smulhi.u32 $0xAAAAAAAB, s20;
	s0 =	simm.s32 $0x1  }
0x89: {  	s0 =	simm.s32 @!p0 $0x0  }
0x8a: {  	s22 =	sshrl.u32 s22, $0x1;
	s0 =	smul.u32 $0x7D00, s0  }
0x8b: {  	s22 =	smul.u32 $0xFFFE8900, s22;
	v4 =	vshift.insert v4, v1, s21  }
0x8c: {  	s0 =	sshrl.u32 s0, $0x2  }
0x8d: {  	s22 =	sshra.s32 s22, $0x2;
	s30 =	sadd.s32 $0x9D40, s0;
	[tilespmem:s2+$0x10] =	vst.msk $0x1, v4  }
0x8e: {  	s22 =	sadd.s32 s22, s19;
	v6 =	vld [tilespmem:s30+$0x0]  }
0x8f: {  	v7 =	vld [tilespmem:s22+$0x0];
	_ =	sdelay $0x3  }
0x90: {  	v5 =	vadd.f32 v6, v5  }
0x91: {  	vm4 =	vne.s32 v7, $0xFFFFFFFF  }
0x92: {  	(xrf2) =	vadd.seg.scan.f32 vm4, v5;
	_ =	sdelay $0x3  }
0x93: {  	s31 =	sadd.s32 $0x5EC0, s0;
	v5 =	vperm.xlane v4, v1  }
0x94: {  	v6 =	vld [tilespmem:s31+$0x0]  }
0x95: {  	vm5 =	veq.s32 v7, v3;
	vm6 =	veq.s32 v7, v5  }
0x96: {  	vm7 =	vgt.u32 v7, $0xFFFFFFFD;
	vm6 =	vmor vm6, vm5  }
0x97: {  	vm6 =	vmor vm6, vm7  }
0x98: {  	v9 =	vld [tilespmem:$0xA0];
	v7 =	vsel vm6, $0xFFFFFFFF, v7  }
0x99: {  	v10 =	vld [tilespmem:$0x90];
	v6 =	vsel vm5, $0x0, v6;
	v8, _, _ =	vpop (xrf2)  }
0x9a: {  	v6 =	vadd.f32 v8, v6  }
0x9b: {  	s0 =	sadd.s32 $0xDBC0, s0  }
0x9c: {  	vm4 =	vmand vm4, vm3;
	[tilespmem:s0+$0x0] =	vst v6;
	(ifvalue) =	ssetifvalue $0xFFFFFFFF  }
0x9d: {  	vm6 =	veq.s32 v9, $0x1;
	[hbm4b:s1+s16] =	stream.indirect_vreg.scatter [tilespmem:s0], [sflag:$0x2], $0x1, v7, vm0, $0x4038;
	v7 =	vsel vm4, $0x0, v8;
	[tilespmem:$0x11A60] =	vst v63  }
0x9e: {  	s2 =	simm.s32 $0x0;
	s22 =	sadd.s32 $0x10, s22;
	vm4 =	vmor vm6, vm5;
	v6 =	vsel vm5, v8, v10;
	v7 =	vshift.insert v7, v0, s21  }
.LBB2_7:
0x9f: {  	v8 =	vld [tilespmem:s22+$0x0];
	s30 =	sadd.s32 $0x10, s30  }
0xa0: {  	s31 =	sadd.s32 $0x10, s31;
	v9 =	vld [tilespmem:s30+$0x0]  }
0xa1: {  	s2 =	sadd.s32 $0x10, s2;
	v10 =	vld [tilespmem:s31+$0x0]  }
0xa2: {  	p2 =	slt.u32 s2, $0x1F30;
	_ =	sdelay $0x2  }
0xa3: {  	v7 =	vadd.f32 v9, v7  }
0xa4: {  	vm5 =	vne.s32 v8, $0xFFFFFFFF  }
0xa5: {  	vm6 =	vmand vm5, vm3;
	(xrf2) =	vadd.seg.scan.f32 vm5, v7;
	_ =	sdelay $0x5  }
0xa6: {  	vm7 =	veq.s32 v8, v5;
	vm5 =	veq.s32 v8, v3  }
0xa7: {  	vm8 =	vgt.u32 v8, $0xFFFFFFFD;
	vm4 =	vmor vm4, vm5;
	vm7 =	vmor vm7, vm5  }
0xa8: {  	vm7 =	vmor vm7, vm8  }
0xa9: {  	v8 =	vsel vm7, $0xFFFFFFFF, v8  }
.Ltmp5:
0xaa: {  	v7 =	vsel vm5, $0x0, v10;
	v9, _, _ =	vpop (xrf2);
	(pc) =	sbr.rel @p2 .LBB2_7-.Ltmp5, $4  }
0xab: {  	v6 =	vsel vm5, v9, v6;
	v10 =	vadd.f32 v9, v7;
	v7 =	vsel vm6, $0x0, v9  }
0xac: {  	s0 =	sadd.s32 $0x10, s0;
	v7 =	vshift.insert v7, v0, s21  }
0xad: {  	s22 =	sadd.s32 $0x10, s22;
	[tilespmem:s0+$0x0] =	vst v10;
	(ifvalue) =	ssetifvalue $0xFFFFFFFF  }
0xae: {  	[hbm4b:s1+s16] =	stream.indirect_vreg.scatter [tilespmem:s0], [sflag:$0x2], $0x1, v8, vm0, $0x4038;
	[tilespmem:$0x11A60] =	vst v63  }
0xaf: {  	v3 =	vld [tilespmem:s29+$0xFAF0];
	_ =	sdelay $0x4  }
0xb0: {  	v3 =	vshift.insert v3, v0, s21  }
0xb1: {  	s0 =	simm.s32 $0x30  }
0xb2: {  	[tilespmem:s0+$0x0] =	vst.msk $0x1, v3  }
0xb3: {  	v3 =	vsel vm4, $0x1, v1;
	[tilespmem:$0x90] =	vst v6  }
0xb4: {  	s0 =	sadd.s32 @!p1 $0xFAFF, s29;
	[tilespmem:$0xA0] =	vst v3  }
0xb5: {  	[spmem:s14] =	stream.linear.scatter @!p1 [tilespmem:s0], [sflag:$0x1], $0x1, $0x38;
	[tilespmem:$0x11A60] =	vst v63  }
0xb6: {  	s0 =	simm.s32 @!p1 $0x1  }
0xb7: {  	v3 =	vmctz.xlane @!p1 vm4;
	_ =	swait.ge @!p1 [sflag:s0], $0x1  }
0xb8: {  	(v2sf) =	vpush @!p1 v4, $0x0  }
0xb9: {  	(v2sf) =	vpush @!p1 v3, $0x0;
	_ =	sdelay $0xd  }
0xba: {  	s2 =	spop @!p1 (v2sf)  }
0xbb: {  	s22 =	spop @!p1 (v2sf)  }
0xbc: {  	p2 =	sne.s32 @!p1 s28, s2;
	p3 =	slt.s32 @!p1 s22, $0xF  }
0xbd: {  	[sflag:s0] =	ssyncset.done @!p1 $0x0;
	p2 =	por p2, p1;
	p3 =	por !p3, p1  }
0xbe: {  	[sflag:s0] =	ssyncadd.s32 @!p1 $0xFFFFFFFF;
	v3 =	vimm.s32 @!p2 $0xFFFFFFFF;
	s22 =	simm.s32 @p3 $0xF  }
0xbf: {  	[tilespmem:$0x80] =	vst @!p2 v3;
	s2 =	sadd.s32 @!p1 $0x90, s22  }
0xc0: {  	[spmem:s10] =	stream.linear.scatter @!p1 [tilespmem:s2], [sflag:$0x1], $0x1, $0x38;
	[tilespmem:$0x11A60] =	vst v63  }
0xc1: {  	_ =	swait.ge @!p1 [sflag:s0], $0x1  }
0xc2: {  	[sflag:s0] =	ssyncset.done @!p1 $0x0  }
0xc3: {  	s2 =	simm.s32 @!p1 $0x80;
	[sflag:s0] =	ssyncadd.s32 @!p1 $0xFFFFFFFF  }
0xc4: {  	[spmem:s15] =	stream.linear.scatter @!p1 [tilespmem:s2], [sflag:$0x1], $0x1, $0x38;
	[tilespmem:$0x11A60] =	vst v63  }
0xc5: {  	_ =	swait.ge @!p1 [sflag:s0], $0x1  }
0xc6: {  	[sflag:s0] =	ssyncset.done @!p1 $0x0  }
0xc7: {  	[sflag:s0] =	ssyncadd.s32 @!p1 $0xFFFFFFFF;
	(ifvalue) =	ssetifvalue $0xFFFFFFFF;
	v3 =	vld [tilespmem:s25+$0x10];
	_ =	sdelay $0x3  }
.Ltmp6:
0xc8: {  	_ = 	snop;
	(pc) =	sbr.rel .LBB2_9-.Ltmp6, $3  }
0xc9: {  	_ =	sdelay $0x1  }
0xca: {  	(ifvalue) =	ssetifvalue $0xFFFFFFFF  }
0xcb: {  	[hbm4b:s1+s16] =	stream.indirect_vreg.scatter [tilespmem:s26], [sflag:$0x9], $0x1, v3, vm0, $0x4038;
	[tilespmem:$0x11A60] =	vst v63  }
.LBB2_10:
0xcc: {  	_ =	sfence.sel $0x180000  }
0xcd: {  	s0 =	simm.s32 $0x7;
	[bflag:$0x0] =	sbarrier.arrive $0xFFFF  }
0xce: {  	s26 =	simm.s32 $0x8;
	[sflag:s0] =	ssyncpa.u1 $0x1  }
0xcf: {  	s28 =	simm.s32 $0x9;
	[sflag:s26] =	ssyncpa.u1 $0x1  }
0xd0: {  	[sflag:s28] =	ssyncpa.u1 $0x1  }
0xd1: {  	_ =	sfence.stream.spmem  }
0xd2: {  	s29 =	simm.s32 $0x3;
	[bflag:$0x0] =	sbarrier.arrive $0xFFFF  }
0xd3: {  	s30 =	simm.s32 $0x4;
	[sflag:s29] =	ssyncpa.u1 $0x1  }
0xd4: {  	s31 =	simm.s32 $0x3C;
	s2 =	stileid.u32;
	[sflag:s30] =	ssyncpa.u1 $0x1  }
0xd5: {  	p0 =	sne.s32 s2, $0x0;
	[sflag:s31] =	ssyncpa.u1 $0x1  }
0xd6: {  	s0 =	simm.s32 @p0 $0x1;
	_ =	sfence @p0  }
0xd7: {  	[sflag:s0] =	ssyncpa.u1 @p0 $0x1;
	s0 =	simm.s32 @p0 $0x2  }
0xd8: {  	[sflag:s0] =	ssyncpa.u1 @p0 $0x1  }
0xd9: {  	_ =	strace @p0 $0x90000047  }
0xda: {  	[bflag:$0x2] =	sbarrier.arrive @p0 $0xFFFF  }
0xdb: {  	_ =	shalt @p0  }
.LBB2_11:
0xdc: {  	_ =	sfence.stream.spmem;
	s0 =	simm.s32 $0x5  }
0xdd: {  	s2 =	simm.s32 $0x80;
	s3 =	simm.s32 $0xC0;
	[sflag:s0] =	ssyncpa.u1 $0x0  }
0xde: {  	[tilespmem:s3], [sflag:$0x5] =	stream.linear.gather [spmem:s2], $0x20, $0x38;
	[tilespmem:$0x11A60] =	vst v63  }
0xdf: {  	s2 =	simm.s32 $0x0;
	s3 =	simm.s32 $0xE0  }
0xe0: {  	[tilespmem:s3], [sflag:$0x5] =	stream.linear.gather [spmem:s2], $0x20, $0x38;
	[tilespmem:$0x11A60] =	vst v63  }
.Ltmp7:
0xe1: {  	_ = 	snop;
	(pc) =	sbr.rel .LBB2_12-.Ltmp7, $4  }
0xe2: {  	_ =	swait.ge [sflag:s0], $0x40  }
0xe3: {  	[sflag:s0] =	ssyncset.done $0x0  }
0xe4: {  	s31 =	simm.s32 $0x6;
	[sflag:s0] =	ssyncadd.s32 $0xFFFFFFC0  }
0xe5: {  	s4 =	simm.s32 $0x0;
	[sflag:s31] =	ssyncpa.u1 $0x0  }
.LBB2_17:
0xe6: {  	p0 =	sgt.u32 s5, $0x27FF  }
0xe7: {  	s0 =	sshrl.u32 @!p0 s5, $0x3  }
0xe8: {  	s5 =	sand.u32 @!p0 $0x7, s5;
	s6 =	simm.s32 @!p0 $0xB0;
	s0 =	sadd.s32 @!p0 s1, s0  }
0xe9: {  	[tilespmem:s6], [sflag:$0x6] =	stream.linear.gather @!p0 [hbm4b:s0+s5], $0x1, $0x38;
	[tilespmem:$0x11A60] =	vst v63  }
0xea: {  	s0 =	simm.s32 @!p0 $0x6  }
0xeb: {  	_ =	swait.ge @!p0 [sflag:s0], $0x1  }
0xec: {  	[sflag:s0] =	ssyncset.done @!p0 $0x0  }
0xed: {  	[sflag:s0] =	ssyncadd.s32 @!p0 $0xFFFFFFFF  }
0xee: {  	v2 =	vmov @!p0 s4;
	v1 =	vld.msk @!p0 [tilespmem:$0xB0], $0x1;
	_ =	sdelay $0x3  }
0xef: {  	s0 =	simm.s32 @!p0 $0xE0  }
0xf0: {  	[tilespmem:v2+s0+$0x0], v1 =	vst.idx.ret.add.f32.msk @!p0 $0x1, v1  }
0xf1: {  	[tilespmem:s2+$0xC0] =	vst.msk $0x1, v0  }
0xf2: {  	v0 =	vld.msk [tilespmem:s4+$0xE0], $0x1;
	_ =	sdelay $0x4  }
0xf3: {  	[tilespmem:s2+$0xE0] =	vst.msk $0x1, v0;
	s2 =	sadd.s32 $0x1, s2  }
.LBB2_19:
0xf4: {  	s4 =	sadd.s32 $0x1, s4  }
0xf5: {  	p0 =	sne.s32 s4, $0x20  }
.Ltmp8:
0xf6: {  	_ = 	snop;
	(pc) =	sbr.rel @!p0 .LBB2_20-.Ltmp8, $1  }
0xf7: {  	_ =	sdelay $0x3  }
.LBB2_12:
0xf8: {  	v0 =	vld.msk [tilespmem:s4+$0xC0], $0x1;
	_ =	sdelay $0x4  }
0xf9: {  	(v2sf) =	vpush v0, $0x0;
	_ =	sdelay $0xe  }
0xfa: {  	s5 =	spop (v2sf)  }
0xfb: {  	p0 =	seq.s32 s5, $0xFFFFFFFF  }
.Ltmp9:
0xfc: {  	_ = 	snop;
	(pc) =	sbr.rel @p0 .LBB2_19-.Ltmp9, $1  }
0xfd: {  	_ =	sdelay $0x3  }
0xfe: {  	p0 =	slt.s32 s2, $0x1  }
.Ltmp10:
0xff: {  	_ = 	snop;
	(pc) =	sbr.rel @p0 .LBB2_17-.Ltmp10, $1  }
0x100: {  	_ =	sdelay $0x3  }
0x101: {  	s0 =	simm.s32 $0xC0;
	p0 =	por $0x0, $0x0  }
0x102: {  	v1 =	vld.msk @!p0 [tilespmem:s0+$0x0], $0x1;
	_ =	sdelay $0x4  }
0x103: {  	(v2sf) =	vpush @!p0 v1, $0x0;
	_ =	sdelay $0xd  }
0x104: {  	p2 =	sne.s32 s2, $0x1  }
.Ltmp11:
0x105: {  	s6 =	spop @!p0 (v2sf);
	(pc) =	sbr.rel @!p2 .LBB2_16-.Ltmp11, $4  }
0x106: {  	p1 =	seq.s32 @!p0 s5, s6  }
0x107: {  	s6 =	simm.s32 $0x0;
	p1 =	por !p1, p0  }
0x108: {  	s8 =	simm.s32 $0xFFFFFFFF;
	s6 =	simm.s32 @p1 $0xFFFFFFFF  }
0x109: {  	s7 =	simm.s32 $0x1;
	s6 =	smov.u32 @p0 s8  }
.LBB2_15:
0x10a: {  	s8 =	smov.u32 s6;
	p0 =	sne.s32 s6, $0xFFFFFFFF  }
0x10b: {  	s0 =	sadd.s32 $0x1, s0;
	s6 =	smov.u32 s7;
	s7 =	sadd.s32 $0x1, s7  }
0x10c: {  	p1 =	sne.s32 s2, s7;
	v1 =	vld.msk @!p0 [tilespmem:s0+$0x0], $0x1;
	_ =	sdelay $0x4  }
0x10d: {  	(v2sf) =	vpush @!p0 v1, $0x0;
	_ =	sdelay $0xe  }
.Ltmp12:
0x10e: {  	s9 =	spop @!p0 (v2sf);
	(pc) =	sbr.rel @p1 .LBB2_15-.Ltmp12, $4  }
0x10f: {  	p2 =	seq.s32 @!p0 s5, s9  }
0x110: {  	p2 =	por !p2, p0  }
0x111: {  	s6 =	simm.s32 @p2 $0xFFFFFFFF  }
0x112: {  	s6 =	smov.u32 @p0 s8  }
.LBB2_16:
0x113: {  	p0 =	sne.s32 s6, $0xFFFFFFFF  }
.Ltmp13:
0x114: {  	_ = 	snop;
	(pc) =	sbr.rel @!p0 .LBB2_17-.Ltmp13, $1  }
0x115: {  	_ =	sdelay $0x3  }
0x116: {  	v0 =	vld.msk [tilespmem:s4+$0xE0], $0x1;
	v1 =	vmov s6  }
.Ltmp14:
0x117: {  	_ = 	snop;
	(pc) =	sbr.rel .LBB2_19-.Ltmp14, $2  }
0x118: {  	_ =	sdelay $0x2  }
0x119: {  	[tilespmem:v1+s3+$0x0], v0 =	vst.idx.ret.add.f32.msk $0x1, v0  }
.LBB2_20:
0x11a: {  	p0 =	slt.s32 s2, $0x1  }
.Ltmp15:
0x11b: {  	_ = 	snop;
	(pc) =	sbr.rel @p0 .LBB2_24-.Ltmp15, $3  }
0x11c: {  	_ =	sdelay $0x1  }
0x11d: {  	s0 =	simm.s32 $0x6  }
0x11e: {  	s3 =	simm.s32 $0x0;
	[sflag:s0] =	ssyncpa.u1 $0x1  }
0x11f: {  	s0 =	simm.s32 $0xC0  }
0x120: {  	v0 =	vld.msk [tilespmem:s0+$0x0], $0x1;
	_ =	sdelay $0x4  }
0x121: {  	(v2sf) =	vpush v0, $0x0;
	_ =	sdelay $0xe  }
0x122: {  	s2 =	sadd.s32 $0xFFFFFFFF, s2;
	s4 =	spop (v2sf)  }
0x123: {  	p1 =	sne.s32 s2, $0x0;
	p0 =	sgt.u32 s4, $0x27FF  }
.Ltmp16:
0x124: {  	s5 =	sshrl.u32 @!p0 s4, $0x3;
	(pc) =	sbr.rel @!p1 .LBB2_23-.Ltmp16, $4  }
0x125: {  	s0 =	simm.s32 $0xE0;
	s4 =	sand.u32 @!p0 $0x7, s4;
	s5 =	sadd.s32 @!p0 s1, s5  }
0x126: {  	[hbm4b:s5+s4] =	stream.linear.scatter @!p0 [tilespmem:s0], [sflag:$0x5], $0x1, $0x38;
	[tilespmem:$0x11A60] =	vst v63  }
0x127: {  	s5 =	simm.s32 $0x0  }
0x128: {  	s4 =	simm.s32 $0xC1;
	s5 =	simm.s32 @!p0 $0x4  }
.LBB2_22:
0x129: {  	v0 =	vld.msk [tilespmem:s4+$0x0], $0x1;
	s2 =	sadd.s32 $0xFFFFFFFF, s2;
	s3 =	sadd.s32 s3, s5  }
0x12a: {  	p0 =	sne.s32 s2, $0x0;
	_ =	sdelay $0x3  }
0x12b: {  	(v2sf) =	vpush v0, $0x0;
	_ =	sdelay $0xe  }
.Ltmp17:
0x12c: {  	s6 =	spop (v2sf);
	(pc) =	sbr.rel @p0 .LBB2_22-.Ltmp17, $4  }
0x12d: {  	s5 =	simm.s32 $0x0;
	p1 =	sgt.u32 s6, $0x27FF  }
0x12e: {  	s0 =	sadd.s32 $0x1, s0;
	s5 =	simm.s32 @!p1 $0x4;
	s7 =	sshrl.u32 @!p1 s6, $0x3  }
0x12f: {  	s4 =	sadd.s32 $0x1, s4;
	s6 =	sand.u32 @!p1 $0x7, s6;
	s7 =	sadd.s32 @!p1 s1, s7  }
0x130: {  	[hbm4b:s7+s6] =	stream.linear.scatter @!p1 [tilespmem:s0], [sflag:$0x5], $0x1, $0x38;
	[tilespmem:$0x11A60] =	vst v63  }
.LBB2_23:
0x131: {  	s0 =	sadd.s32 s3, s5  }
0x132: {  	s3 =	sshrl.u32 s0, $0x2  }
.LBB2_24:
0x133: {  	s0 =	simm.s32 $0x5  }
0x134: {  	_ =	swait.ge [sflag:s0], s3  }
0x135: {  	s1 =	ssub.s32 $0x0, s3;
	[sflag:s0] =	ssyncset.done $0x0  }
0x136: {  	[sflag:s0] =	ssyncadd.s32 s1  }
0x137: {  	[sflag:s0] =	ssyncpa.u1 $0x1  }
0x138: {  	s29 =	simm.s32 $0x1;
	_ =	sfence  }
0x139: {  	s30 =	simm.s32 $0x2;
	[sflag:s29] =	ssyncpa.u1 $0x1  }
0x13a: {  	[sflag:s30] =	ssyncpa.u1 $0x1  }
0x13b: {  	_ =	strace $0x90000047  }
0x13c: {  	[bflag:$0x2] =	sbarrier.arrive $0xFFFF  }
0x13d: {  	s31 =	rddreg [dreg:$0x2]  }
0x13e: {  	s0 =	sadd.s32 $0x100000, s31  }
0x13f: {  	[sflag:s0] =	ssyncadd.tile.s32 $0x1;
	_ =	shalt  }
.Lfunc_end2:
_tile_overlayer_lowered:
.L_overlay_start_2:
0x140: {  	(tag) =	ssettag $0x2  }
0x141: {  	s0 =	rddreg [dreg:$0x0];
	s2 =	stileid.u32  }
0x142: {  	s1 =	rddreg [dreg:$0x1];
	p0 =	sne.s32 s2, $0x0  }
0x143: {  	s3 =	rddreg [dreg:$0x2];
	[bflag:$0x3] =	sbarrier.arrive $0xFFFF;
	s2 =	simm.s32 @!p0 $0x1C01  }
0x144: {  	[timem:s3], [sflag:s2] =	dma.local @!p0 [hbm:s0], s1  }
0x145: {  	s0 =	simm.s32 @!p0 $0x1  }
0x146: {  	_ =	swait.ge @!p0 [sflag:s0], s1  }
0x147: {  	s1 =	ssub.s32 @!p0 $0x0, s1;
	[sflag:s0] =	ssyncset.done @!p0 $0x0  }
0x148: {  	[sflag:s0] =	ssyncadd.s32 @!p0 s1  }
0x149: {  	[bflag:$0x3] =	sbarrier.arrive $0xFFFF  }
0x14a: {  	_ =	shalt  }

</sc_bundles>
